<compile_context>
chip_gen: v7x
topology: tpu7x:2x2x1
jax: 0.10.2.dev20260603
libtpu: 0.0.44.dev20260713+nightly
codegen_flags: <defaults>
</compile_context>

<pallas_src>
import functools
import jax
import jax.numpy as jnp
from jax import lax
from jax.experimental import pallas as pl
from jax.experimental.pallas import tpu as pltpu
from jax.experimental.pallas import tpu_sc as plsc

NC = 2
NS = 16
NW = NC * NS
LANES = 16
CHUNK = 128


def _sc_degree(dstb, ewb, n_pad, chunks):
    rpt = n_pad // NS

    def body(dst_hbm, ew_hbm, deg_out, dst_t, ew_t, zv, deg_sh):
        cid = lax.axis_index("c")
        sid = lax.axis_index("s")
        wid = cid * NS + sid

        def zb(i, _):
            zv[pl.ds(i * LANES, LANES)] = jnp.zeros((LANES,), jnp.float32)
            return 0
        lax.fori_loop(0, zv.shape[0] // LANES, zb, 0)
        pltpu.sync_copy(zv.at[pl.ds(0, rpt)], deg_sh.at[pl.ds(sid * rpt, rpt)])
        pltpu.sync_copy(dst_hbm.at[wid], dst_t)
        pltpu.sync_copy(ew_hbm.at[wid], ew_t)
        plsc.subcore_barrier()

        def acc(g, _):
            pltpu.sync_copy(ew_t.at[g], deg_sh.at[dst_t.at[g]], add=True)
            return 0
        lax.fori_loop(0, chunks, acc, 0)
        plsc.subcore_barrier()
        pltpu.sync_copy(deg_sh.at[pl.ds(sid * rpt, rpt)],
                        deg_out.at[cid].at[pl.ds(sid * rpt, rpt)])

    zlen = ((rpt + LANES - 1) // LANES) * LANES
    call = pl.kernel(
        body,
        out_type=jax.ShapeDtypeStruct((NC, n_pad), jnp.float32),
        mesh=plsc.VectorSubcoreMesh(core_axis_name="c", subcore_axis_name="s"),
        scratch_types=[
            pltpu.VMEM((chunks, CHUNK), jnp.int32),
            pltpu.VMEM((chunks, CHUNK), jnp.float32),
            pltpu.VMEM((zlen,), jnp.float32),
            pltpu.VMEM_SHARED((n_pad,), jnp.float32),
        ],
        compiler_params=pltpu.CompilerParams(use_tc_tiling_on_sc=False, needs_layout_passes=False),
    )
    return call(dstb, ewb)


def _sc_message(xw_i32, edata, dinv, n_pad, chunks):
    rpt = n_pad // NS
    npairs = chunks // 2
    W2 = 64

    def body(xw_hbm, ed_hbm, dinv_hbm, out_hbm,
             ed0, ed1, dst0, dst1, nrm0, nrm1, dinv_v, rb0, rb1, rows_f,
             stg0, stg1, gs0, gs1, scs, accum):
        cid = lax.axis_index("c")
        sid = lax.axis_index("s")
        wid = cid * NS + sid
        base = wid * chunks
        iota2 = lax.iota(jnp.int32, LANES) * 2

        def zrow(r, _):
            for j in range(8):
                rows_f[r, pl.ds(j * LANES, LANES)] = jnp.zeros((LANES,), jnp.float32)
            return 0
        lax.fori_loop(0, CHUNK, zrow, 0)
        for t in range(rpt // CHUNK):
            pltpu.sync_copy(rows_f, accum.at[pl.ds(sid * rpt + t * CHUNK, CHUNK)])
        pltpu.sync_copy(dinv_hbm, dinv_v)
        plsc.subcore_barrier()

        pltpu.sync_copy(ed_hbm.at[base + 0], ed0)
        pltpu.sync_copy(ed_hbm.at[base + 1], ed1)
        pltpu.async_copy(xw_hbm.at[ed0.at[pl.ds(0, CHUNK // 2)]], rb0.at[pl.ds(0, CHUNK // 2)], gs0)
        pltpu.async_copy(xw_hbm.at[ed0.at[pl.ds(CHUNK // 2, CHUNK // 2)]], rb0.at[pl.ds(CHUNK // 2, CHUNK // 2)], gs0)

        def pair(i, _):
            g0 = 2 * i
            @pl.when(i > 0)
            def _():
                pltpu.make_async_copy(ed_hbm.at[base], ed1, stg1).wait()
            pltpu.async_copy(xw_hbm.at[ed1.at[pl.ds(0, CHUNK // 2)]], rb1.at[pl.ds(0, CHUNK // 2)], gs1)
            pltpu.async_copy(xw_hbm.at[ed1.at[pl.ds(CHUNK // 2, CHUNK // 2)]], rb1.at[pl.ds(CHUNK // 2, CHUNK // 2)], gs1)

            def gwait0():
                pltpu.make_async_copy(xw_hbm.at[ed0.at[pl.ds(0, CHUNK)]], rb0, gs0).wait()
            gwait0()
            for j in range(8):
                sl = pl.ds(j * LANES, LANES)
                s16 = ed0[pl.ds(j * LANES, LANES)]
                d16 = ed0[pl.ds(CHUNK + j * LANES, LANES)]
                w16 = plsc.bitcast(ed0[pl.ds(2 * CHUNK + j * LANES, LANES)], jnp.float32)
                dst0[sl] = d16
                nrm0[sl] = plsc.load_gather(dinv_v, [s16]) * w16 * \
                    plsc.load_gather(dinv_v, [d16])
            @pl.when(i > 0)
            def _():
                pltpu.make_async_copy(rows_f, accum.at[dst0], scs).wait()

            def scale0(k, _):
                k16 = jnp.full((LANES,), k, jnp.int32)
                nv = plsc.load_gather(nrm0, [k16])
                for j in range(4):
                    v = rb0[k, pl.ds(j * LANES, LANES)]
                    fe = plsc.bitcast(v << 16, jnp.float32) * nv
                    fo = plsc.bitcast(v & jnp.int32(-65536), jnp.float32) * nv
                    cbase = 32 * j + iota2
                    plsc.store_scatter(rows_f, [k16, cbase], fe)
                    plsc.store_scatter(rows_f, [k16, cbase + 1], fo)
                return 0
            lax.fori_loop(0, CHUNK, scale0, 0)
            pltpu.async_copy(rows_f, accum.at[dst0], scs, add=True)
            pltpu.async_copy(ed_hbm.at[base + g0 + 2], ed0, stg0)

            pltpu.make_async_copy(ed_hbm.at[base], ed0, stg0).wait()
            pltpu.async_copy(xw_hbm.at[ed0.at[pl.ds(0, CHUNK // 2)]], rb0.at[pl.ds(0, CHUNK // 2)], gs0)
            pltpu.async_copy(xw_hbm.at[ed0.at[pl.ds(CHUNK // 2, CHUNK // 2)]], rb0.at[pl.ds(CHUNK // 2, CHUNK // 2)], gs0)
            pltpu.make_async_copy(xw_hbm.at[ed1.at[pl.ds(0, CHUNK)]], rb1, gs1).wait()
            for j in range(8):
                sl = pl.ds(j * LANES, LANES)
                s16 = ed1[pl.ds(j * LANES, LANES)]
                d16 = ed1[pl.ds(CHUNK + j * LANES, LANES)]
                w16 = plsc.bitcast(ed1[pl.ds(2 * CHUNK + j * LANES, LANES)], jnp.float32)
                dst1[sl] = d16
                nrm1[sl] = plsc.load_gather(dinv_v, [s16]) * w16 * \
                    plsc.load_gather(dinv_v, [d16])
            pltpu.make_async_copy(rows_f, accum.at[dst1], scs).wait()

            def scale1(k, _):
                k16 = jnp.full((LANES,), k, jnp.int32)
                nv = plsc.load_gather(nrm1, [k16])
                for j in range(4):
                    v = rb1[k, pl.ds(j * LANES, LANES)]
                    fe = plsc.bitcast(v << 16, jnp.float32) * nv
                    fo = plsc.bitcast(v & jnp.int32(-65536), jnp.float32) * nv
                    cbase = 32 * j + iota2
                    plsc.store_scatter(rows_f, [k16, cbase], fe)
                    plsc.store_scatter(rows_f, [k16, cbase + 1], fo)
                return 0
            lax.fori_loop(0, CHUNK, scale1, 0)
            pltpu.async_copy(rows_f, accum.at[dst1], scs, add=True)
            pltpu.async_copy(ed_hbm.at[base + g0 + 3], ed1, stg1)
            return 0
        lax.fori_loop(0, npairs, pair, 0)

        pltpu.make_async_copy(xw_hbm.at[ed0.at[pl.ds(0, CHUNK)]], rb0, gs0).wait()
        pltpu.make_async_copy(ed_hbm.at[base], ed1, stg1).wait()
        pltpu.make_async_copy(rows_f, accum.at[dst1], scs).wait()
        plsc.subcore_barrier()

        pltpu.sync_copy(accum.at[pl.ds(sid * rpt, rpt)],
                        out_hbm.at[cid].at[pl.ds(sid * rpt, rpt)])

    call = pl.kernel(
        body,
        out_type=jax.ShapeDtypeStruct((NC, n_pad, 128), jnp.float32),
        mesh=plsc.VectorSubcoreMesh(core_axis_name="c", subcore_axis_name="s"),
        scratch_types=[
            pltpu.VMEM((3 * CHUNK,), jnp.int32),
            pltpu.VMEM((3 * CHUNK,), jnp.int32),
            pltpu.VMEM((CHUNK,), jnp.int32),
            pltpu.VMEM((CHUNK,), jnp.int32),
            pltpu.VMEM((CHUNK,), jnp.float32),
            pltpu.VMEM((CHUNK,), jnp.float32),
            pltpu.VMEM((n_pad,), jnp.float32),
            pltpu.VMEM((CHUNK, W2), jnp.int32),
            pltpu.VMEM((CHUNK, W2), jnp.int32),
            pltpu.VMEM((CHUNK, 128), jnp.float32),
            pltpu.SemaphoreType.DMA,
            pltpu.SemaphoreType.DMA,
            pltpu.SemaphoreType.DMA,
            pltpu.SemaphoreType.DMA,
            pltpu.SemaphoreType.DMA,
            pltpu.VMEM_SHARED((n_pad, 128), jnp.float32),
        ],
        compiler_params=pltpu.CompilerParams(use_tc_tiling_on_sc=False, needs_layout_passes=False),
    )
    return call(xw_i32, edata, dinv)


def _tc_prep(degp, x_p, W0, n_pad):
    nb = n_pad // 128

    def body(degp_ref, x_ref, w_ref, xw_ref, dinv_ref):
        deg = degp_ref[0, :] + degp_ref[1, :]
        dinv_ref[0, 0, :] = lax.rsqrt(deg)
        xw_ref[...] = jnp.dot(x_ref[...], w_ref[...],
                              preferred_element_type=jnp.float32).astype(jnp.bfloat16)

    return pl.pallas_call(
        body,
        grid=(nb,),
        in_specs=[
            pl.BlockSpec((NC, 128), lambda b: (0, b)),
            pl.BlockSpec((128, 128), lambda b: (b, 0)),
            pl.BlockSpec((128, 128), lambda b: (0, 0)),
        ],
        out_specs=[
            pl.BlockSpec((128, 128), lambda b: (b, 0)),
            pl.BlockSpec((1, 1, 128), lambda b: (b, 0, 0)),
        ],
        out_shape=[
            jax.ShapeDtypeStruct((n_pad, 128), jnp.bfloat16),
            jax.ShapeDtypeStruct((nb, 1, 128), jnp.float32),
        ],
    )(degp, x_p, W0)


def _tc_combine(parts, b, W, n_pad):
    nb = n_pad // 128

    def body(p_ref, b_ref, w_ref, xw_ref):
        h = jnp.maximum(p_ref[0] + p_ref[1] + b_ref[...], 0.0)
        xw_ref[...] = jnp.dot(h, w_ref[...],
                              preferred_element_type=jnp.float32).astype(jnp.bfloat16)

    return pl.pallas_call(
        body,
        grid=(nb,),
        in_specs=[
            pl.BlockSpec((NC, 128, 128), lambda i: (0, i, 0)),
            pl.BlockSpec((1, 128), lambda i: (0, 0)),
            pl.BlockSpec((128, 128), lambda i: (0, 0)),
        ],
        out_specs=pl.BlockSpec((128, 128), lambda i: (i, 0)),
        out_shape=jax.ShapeDtypeStruct((n_pad, 128), jnp.bfloat16),
    )(parts, b, W)


def _tc_final(parts, b, n_pad):
    nb = n_pad // 128

    def body(p_ref, b_ref, o_ref):
        o_ref[...] = jnp.maximum(p_ref[0] + p_ref[1] + b_ref[...], 0.0)

    return pl.pallas_call(
        body,
        grid=(nb,),
        in_specs=[
            pl.BlockSpec((NC, 128, 128), lambda i: (0, i, 0)),
            pl.BlockSpec((1, 128), lambda i: (0, 0)),
        ],
        out_specs=pl.BlockSpec((128, 128), lambda i: (i, 0)),
        out_shape=jax.ShapeDtypeStruct((n_pad, 128), jnp.float32),
    )(parts, b)


def kernel(x, edge_index, edge_weight, W0, b0, W1, b1):
    N, D = x.shape
    E = edge_weight.shape[0]
    n_pad = ((N + NS * 128 - 1) // (NS * 128)) * (NS * 128)

    e_tot = E + n_pad
    chunks = (e_tot + NW * CHUNK - 1) // (NW * CHUNK)
    chunks = chunks + (chunks % 2)
    e_pad = NW * chunks * CHUNK
    loop_idx = jnp.arange(n_pad, dtype=jnp.int32)
    zpad = jnp.zeros((e_pad - e_tot,), jnp.int32)
    src = jnp.concatenate([edge_index[0], loop_idx, zpad]).reshape(NW, chunks, CHUNK)
    dst = jnp.concatenate([edge_index[1], loop_idx, zpad]).reshape(NW, chunks, CHUNK)
    ew = jnp.concatenate([
        edge_weight, jnp.ones((n_pad,), jnp.float32),
        jnp.zeros((e_pad - e_tot,), jnp.float32),
    ]).reshape(NW, chunks, CHUNK)
    edata = jnp.concatenate(
        [src.reshape(-1, CHUNK), dst.reshape(-1, CHUNK),
         ew.reshape(-1, CHUNK).view(jnp.int32)], axis=1)
    edata = jnp.pad(edata, ((0, 2), (0, 0)))

    x_p = jnp.pad(x, ((0, n_pad - N), (0, 0)))

    degp = _sc_degree(dst, ew, n_pad, chunks)
    xw0, dinv2d = _tc_prep(degp, x_p, W0, n_pad)
    dinv = dinv2d.reshape(n_pad)

    p0 = _sc_message(xw0.view(jnp.int32), edata, dinv, n_pad, chunks)
    xw1 = _tc_combine(p0, b0.reshape(1, 128), W1, n_pad)

    p1 = _sc_message(xw1.view(jnp.int32), edata, dinv, n_pad, chunks)
    out = _tc_final(p1, b1.reshape(1, 128), n_pad)
    return out[:N]

# --- scband reference (transcript-rebuilt; emitter-appended) ---
"""Pipeline reference for scband-enhanced-gnn-39694087750251 (READ-ONLY COPY).

The authoritative reference and input builder live on the scoring server;
editing this copy changes nothing except your own understanding.
"""

import jax, jax.numpy as jnp
import numpy as np

N = 10000
E = 320000
D_IN = 128
D_HID = 128
D_OUT = 128


def setup_inputs(seed: int = 0) -> dict:
    key = jax.random.key(seed)
    k1, k2, k3, k4, k5, k6, k7 = jax.random.split(key, 7)
    x = jax.random.normal(k1, (N, D_IN), dtype=jnp.float32)
    edge_index = jax.random.randint(k2, (2, E), 0, N, dtype=jnp.int32)
    edge_weight = jax.random.uniform(k3, (E,), dtype=jnp.float32)
    # GCNConv params: glorot-like init for weights, zeros for bias
    W0 = jax.random.normal(k4, (D_IN, D_HID), dtype=jnp.float32) * (1.0 / np.sqrt(D_IN))
    b0 = jnp.zeros((D_HID,), dtype=jnp.float32)
    W1 = jax.random.normal(k5, (D_HID, D_OUT), dtype=jnp.float32) * (1.0 / np.sqrt(D_HID))
    b1 = jnp.zeros((D_OUT,), dtype=jnp.float32)
    return {"x": x, "edge_index": edge_index, "edge_weight": edge_weight,
            "W0": W0, "b0": b0, "W1": W1, "b1": b1}


def _gcn_conv(x, edge_index, edge_weight, W, b):
    # Faithful GCNConv: add self-loops, symmetric normalization, scatter-add aggregation
    num_nodes = x.shape[0]
    src = edge_index[0]
    dst = edge_index[1]
    loop = jnp.arange(num_nodes, dtype=src.dtype)
    src_full = jnp.concatenate([src, loop])
    dst_full = jnp.concatenate([dst, loop])
    ew_full = jnp.concatenate([edge_weight, jnp.ones((num_nodes,), dtype=edge_weight.dtype)])
    deg = jnp.zeros((num_nodes,), dtype=x.dtype).at[dst_full].add(ew_full)
    dinv = jax.lax.rsqrt(deg)  # deg >= 1 due to self-loops
    norm = dinv[src_full] * ew_full * dinv[dst_full]
    xw = x @ W  # linear transform first (out_dim <= in_dim path)
    msg = jnp.take(xw, src_full, axis=0) * norm[:, None]  # gather
    out = jnp.zeros((num_nodes, xw.shape[1]), dtype=xw.dtype).at[dst_full].add(msg)  # scatter-add
    return out + b


def reference(x, edge_index, edge_weight, W0, b0, W1, b1):
    # layer 0: GCNConv -> relu -> dropout (identity in eval mode)
    h = jax.nn.relu(_gcn_conv(x, edge_index, edge_weight, W0, b0))
    # layer 1: GCNConv -> relu
    out = jax.nn.relu(_gcn_conv(h, edge_index, edge_weight, W1, b1))
    return out

if __name__ == "__main__":
    import jax
    _d = setup_inputs()
    print(jax.jit(kernel)(*tuple(_d.values())))

</pallas_src>

<mosaic_0001>
#map = affine_map<(d0, d1) -> (0, 0, 0)>
#map1 = affine_map<(d0, d1) -> (0, 0)>
module attributes {stable_mosaic.version = 14 : i64} {
  func.func @body(%arg0: i32, %arg1: i32, %arg2: memref<32x82x128xi32, #tpu.memory_space<hbm>>, %arg3: memref<32x82x128xf32, #tpu.memory_space<hbm>>, %arg4: memref<2x10240xf32, #tpu.memory_space<hbm>>, %arg5: memref<82x128xi32, #tpu.memory_space<vmem>>, %arg6: memref<82x128xf32, #tpu.memory_space<vmem>>, %arg7: memref<640xf32, #tpu.memory_space<vmem>>, %arg8: memref<10240xf32, #tpu.memory_space<vmem_shared>>) attributes {dimension_semantics = [#tpu.dimension_semantics<core_parallel>, #tpu.dimension_semantics<subcore_parallel>], iteration_bounds = array<i64: 2, 16>, scalar_prefetch = 0 : i64, scratch_operands = 4 : i64, tpu.core_type = #tpu.core_type<sc_vector_subcore>, window_params = [{transform_indices = #map}, {transform_indices = #map}, {transform_indices = #map1}]} {
    %mul3A = arith.constant 16 : i32
    %mul3A_0 = arith.muli %arg0, %mul3A : i32
    %add3A = arith.addi %mul3A_0, %arg1 : i32
    %scan3A = arith.constant 0 : i32
    %scan3A_1 = arith.constant 0 : i32
    %scan3A_2 = arith.constant 40 : i32
    %scan3A_3 = arith.addi %scan3A_1, %scan3A_2 : i32
    %scan3A_4 = arith.constant 1 : i32
    %scan3A_5 = scf.for %scan3A_21 = %scan3A_1 to %scan3A_3 step %scan3A_4 iter_args(%scan3A_22 = %scan3A) -> (i32)  : i32 {
      %broadcast_in_dim3A = arith.constant 0.000000e+00 : f32
      %broadcast_in_dim3A_23 = vector.broadcast %broadcast_in_dim3A : f32 to vector<16xf32>
      %mul3A_24 = arith.constant 16 : i32
      %mul3A_25 = arith.muli %scan3A_21, %mul3A_24 : i32
      %swap3A = arith.index_cast %mul3A_25 : i32 to index
      %swap3A_26 = tpu.vector_load %arg7[%swap3A] {strides = array<i32>} : memref<640xf32, #tpu.memory_space<vmem>>, vector<16xf32>,
      tpu.vector_store %arg7[%swap3A], %broadcast_in_dim3A_23 {strides = array<i32>} : memref<640xf32, #tpu.memory_space<vmem>>, vector<16xf32>,
      %scan3A_27 = arith.constant 0 : i32
      scf.yield %scan3A_27 : i32
    }
    %scan3A_6 = arith.constant 40 : i32
    %mul3A_7 = arith.constant 640 : i32
    %mul3A_8 = arith.muli %arg1, %mul3A_7 : i32
    "tpu.region"() ({
      %run_scoped3A = tpu.sem_alloc : memref<!tpu.dma_semaphore, #tpu.memory_space<semaphore_mem>>
      %dma_start3A = arith.constant 0 : i32
      %dma_start3A_21 = tpu.memref_slice %arg7[%dma_start3A] : memref<640xf32, #tpu.memory_space<vmem>> -> memref<640xf32, #tpu.memory_space<vmem>>
      %dma_start3A_22 = tpu.memref_slice %arg8[%mul3A_8] : memref<10240xf32, #tpu.memory_space<vmem_shared>> -> memref<640xf32, #tpu.memory_space<vmem_shared>>
      %dma_start3A_23 = tpu.memref_slice %arg8[%mul3A_8] : memref<10240xf32, #tpu.memory_space<vmem_shared>> -> memref<640xf32, #tpu.memory_space<vmem_shared>>
      %dma_start3A_24 = arith.constant 0 : i32
      %dma_start3A_25 = tpu.memref_slice %arg7[%dma_start3A_24] : memref<640xf32, #tpu.memory_space<vmem>> -> memref<640xf32, #tpu.memory_space<vmem>>
      tpu.enqueue_dma source(%dma_start3A_25 : memref<640xf32, #tpu.memory_space<vmem>>) target(%dma_start3A_23 : memref<640xf32, #tpu.memory_space<vmem_shared>>) target_semaphore(%run_scoped3A : memref<!tpu.dma_semaphore, #tpu.memory_space<semaphore_mem>>)
      %dma_wait3A = arith.constant 0 : i32
      %dma_wait3A_26 = tpu.memref_slice %arg7[%dma_wait3A] : memref<640xf32, #tpu.memory_space<vmem>> -> memref<640xf32, #tpu.memory_space<vmem>>
      %dma_wait3A_27 = tpu.memref_slice %arg8[%mul3A_8] : memref<10240xf32, #tpu.memory_space<vmem_shared>> -> memref<640xf32, #tpu.memory_space<vmem_shared>>
      %dma_wait3A_28 = tpu.memref_slice %arg8[%mul3A_8] : memref<10240xf32, #tpu.memory_space<vmem_shared>> -> memref<640xf32, #tpu.memory_space<vmem_shared>>
      %dma_wait3A_29 = arith.constant 0 : i32
      %dma_wait3A_30 = tpu.memref_slice %arg7[%dma_wait3A_29] : memref<640xf32, #tpu.memory_space<vmem>> -> memref<640xf32, #tpu.memory_space<vmem>>
      tpu.wait_dma2 semaphore(%run_scoped3A : memref<!tpu.dma_semaphore, #tpu.memory_space<semaphore_mem>>) src(%dma_wait3A_30 : memref<640xf32, #tpu.memory_space<vmem>>) dst(%dma_wait3A_28 : memref<640xf32, #tpu.memory_space<vmem_shared>>)
      tpu.yield
    }) : () -> ()
    "tpu.region"() ({
      %run_scoped3A = tpu.sem_alloc : memref<!tpu.dma_semaphore, #tpu.memory_space<semaphore_mem>>
      %dma_start3A = arith.constant 0 : i32
      %dma_start3A_21 = arith.constant 0 : i32
      %dma_start3A_22 = tpu.memref_slice %arg2[%add3A, %dma_start3A, %dma_start3A_21] : memref<32x82x128xi32, #tpu.memory_space<hbm>> -> memref<1x82x128xi32, #tpu.memory_space<hbm>>
      %dma_start3A_23 = tpu.memref_squeeze %dma_start3A_22 : memref<1x82x128xi32, #tpu.memory_space<hbm>> -> memref<82x128xi32, #tpu.memory_space<hbm>>
      %dma_start3A_24 = arith.constant 0 : i32
      %dma_start3A_25 = arith.constant 0 : i32
      %dma_start3A_26 = tpu.memref_slice %arg2[%add3A, %dma_start3A_24, %dma_start3A_25] : memref<32x82x128xi32, #tpu.memory_space<hbm>> -> memref<1x82x128xi32, #tpu.memory_space<hbm>>
      %dma_start3A_27 = tpu.memref_squeeze %dma_start3A_26 : memref<1x82x128xi32, #tpu.memory_space<hbm>> -> memref<82x128xi32, #tpu.memory_space<hbm>>
      tpu.enqueue_dma source(%dma_start3A_27 : memref<82x128xi32, #tpu.memory_space<hbm>>) target(%arg5 : memref<82x128xi32, #tpu.memory_space<vmem>>) target_semaphore(%run_scoped3A : memref<!tpu.dma_semaphore, #tpu.memory_space<semaphore_mem>>)
      %dma_wait3A = arith.constant 0 : i32
      %dma_wait3A_28 = arith.constant 0 : i32
      %dma_wait3A_29 = tpu.memref_slice %arg2[%add3A, %dma_wait3A, %dma_wait3A_28] : memref<32x82x128xi32, #tpu.memory_space<hbm>> -> memref<1x82x128xi32, #tpu.memory_space<hbm>>
      %dma_wait3A_30 = tpu.memref_squeeze %dma_wait3A_29 : memref<1x82x128xi32, #tpu.memory_space<hbm>> -> memref<82x128xi32, #tpu.memory_space<hbm>>
      %dma_wait3A_31 = arith.constant 0 : i32
      %dma_wait3A_32 = arith.constant 0 : i32
      %dma_wait3A_33 = tpu.memref_slice %arg2[%add3A, %dma_wait3A_31, %dma_wait3A_32] : memref<32x82x128xi32, #tpu.memory_space<hbm>> -> memref<1x82x128xi32, #tpu.memory_space<hbm>>
      %dma_wait3A_34 = tpu.memref_squeeze %dma_wait3A_33 : memref<1x82x128xi32, #tpu.memory_space<hbm>> -> memref<82x128xi32, #tpu.memory_space<hbm>>
      tpu.wait_dma2 semaphore(%run_scoped3A : memref<!tpu.dma_semaphore, #tpu.memory_space<semaphore_mem>>) src(%dma_wait3A_34 : memref<82x128xi32, #tpu.memory_space<hbm>>) dst(%arg5 : memref<82x128xi32, #tpu.memory_space<vmem>>)
      tpu.yield
    }) : () -> ()
    "tpu.region"() ({
      %run_scoped3A = tpu.sem_alloc : memref<!tpu.dma_semaphore, #tpu.memory_space<semaphore_mem>>
      %dma_start3A = arith.constant 0 : i32
      %dma_start3A_21 = arith.constant 0 : i32
      %dma_start3A_22 = tpu.memref_slice %arg3[%add3A, %dma_start3A, %dma_start3A_21] : memref<32x82x128xf32, #tpu.memory_space<hbm>> -> memref<1x82x128xf32, #tpu.memory_space<hbm>>
      %dma_start3A_23 = tpu.memref_squeeze %dma_start3A_22 : memref<1x82x128xf32, #tpu.memory_space<hbm>> -> memref<82x128xf32, #tpu.memory_space<hbm>>
      %dma_start3A_24 = arith.constant 0 : i32
      %dma_start3A_25 = arith.constant 0 : i32
      %dma_start3A_26 = tpu.memref_slice %arg3[%add3A, %dma_start3A_24, %dma_start3A_25] : memref<32x82x128xf32, #tpu.memory_space<hbm>> -> memref<1x82x128xf32, #tpu.memory_space<hbm>>
      %dma_start3A_27 = tpu.memref_squeeze %dma_start3A_26 : memref<1x82x128xf32, #tpu.memory_space<hbm>> -> memref<82x128xf32, #tpu.memory_space<hbm>>
      tpu.enqueue_dma source(%dma_start3A_27 : memref<82x128xf32, #tpu.memory_space<hbm>>) target(%arg6 : memref<82x128xf32, #tpu.memory_space<vmem>>) target_semaphore(%run_scoped3A : memref<!tpu.dma_semaphore, #tpu.memory_space<semaphore_mem>>)
      %dma_wait3A = arith.constant 0 : i32
      %dma_wait3A_28 = arith.constant 0 : i32
      %dma_wait3A_29 = tpu.memref_slice %arg3[%add3A, %dma_wait3A, %dma_wait3A_28] : memref<32x82x128xf32, #tpu.memory_space<hbm>> -> memref<1x82x128xf32, #tpu.memory_space<hbm>>
      %dma_wait3A_30 = tpu.memref_squeeze %dma_wait3A_29 : memref<1x82x128xf32, #tpu.memory_space<hbm>> -> memref<82x128xf32, #tpu.memory_space<hbm>>
      %dma_wait3A_31 = arith.constant 0 : i32
      %dma_wait3A_32 = arith.constant 0 : i32
      %dma_wait3A_33 = tpu.memref_slice %arg3[%add3A, %dma_wait3A_31, %dma_wait3A_32] : memref<32x82x128xf32, #tpu.memory_space<hbm>> -> memref<1x82x128xf32, #tpu.memory_space<hbm>>
      %dma_wait3A_34 = tpu.memref_squeeze %dma_wait3A_33 : memref<1x82x128xf32, #tpu.memory_space<hbm>> -> memref<82x128xf32, #tpu.memory_space<hbm>>
      tpu.wait_dma2 semaphore(%run_scoped3A : memref<!tpu.dma_semaphore, #tpu.memory_space<semaphore_mem>>) src(%dma_wait3A_34 : memref<82x128xf32, #tpu.memory_space<hbm>>) dst(%arg6 : memref<82x128xf32, #tpu.memory_space<vmem>>)
      tpu.yield
    }) : () -> ()
    %barrier3A = arith.constant 0 : index
    tpu.barrier barrier_id(%barrier3A)
    %scan3A_9 = arith.constant 0 : i32
    %scan3A_10 = arith.constant 0 : i32
    %scan3A_11 = arith.constant 82 : i32
    %scan3A_12 = arith.addi %scan3A_10, %scan3A_11 : i32
    %scan3A_13 = arith.constant 1 : i32
    %scan3A_14 = scf.for %scan3A_21 = %scan3A_10 to %scan3A_12 step %scan3A_13 iter_args(%scan3A_22 = %scan3A_9) -> (i32)  : i32 {
      "tpu.region"() ({
        %run_scoped3A = tpu.sem_alloc : memref<!tpu.dma_semaphore, #tpu.memory_space<semaphore_mem>>
        %dma_start3A = arith.constant 0 : i32
        %dma_start3A_24 = tpu.memref_slice %arg6[%scan3A_21, %dma_start3A] : memref<82x128xf32, #tpu.memory_space<vmem>> -> memref<1x128xf32, #tpu.memory_space<vmem>>
        %dma_start3A_25 = tpu.memref_squeeze %dma_start3A_24 : memref<1x128xf32, #tpu.memory_space<vmem>> -> memref<128xf32, #tpu.memory_space<vmem>>
        %dma_start3A_26 = arith.constant 0 : i32
        %dma_start3A_27 = tpu.memref_slice %arg5[%scan3A_21, %dma_start3A_26] : memref<82x128xi32, #tpu.memory_space<vmem>> -> memref<1x128xi32, #tpu.memory_space<vmem>>
        %dma_start3A_28 = tpu.memref_squeeze %dma_start3A_27 : memref<1x128xi32, #tpu.memory_space<vmem>> -> memref<128xi32, #tpu.memory_space<vmem>>
        %dma_start3A_29 = arith.constant 0 : i32
        %dma_start3A_30 = tpu.memref_slice %arg8[%dma_start3A_29] : memref<10240xf32, #tpu.memory_space<vmem_shared>> -> memref<10240xf32, #tpu.memory_space<vmem_shared>>
        tpu.enqueue_indirect_dma source(%dma_start3A_25 : memref<128xf32, #tpu.memory_space<vmem>>) target(%dma_start3A_30 : memref<10240xf32, #tpu.memory_space<vmem_shared>>) offsets(%dma_start3A_28 : memref<128xi32, #tpu.memory_space<vmem>>) semaphore(%run_scoped3A : memref<!tpu.dma_semaphore, #tpu.memory_space<semaphore_mem>>) {add = true}
        %dma_wait3A = arith.constant 0 : i32
        %dma_wait3A_31 = tpu.memref_slice %arg6[%scan3A_21, %dma_wait3A] : memref<82x128xf32, #tpu.memory_space<vmem>> -> memref<1x128xf32, #tpu.memory_space<vmem>>
        %dma_wait3A_32 = tpu.memref_squeeze %dma_wait3A_31 : memref<1x128xf32, #tpu.memory_space<vmem>> -> memref<128xf32, #tpu.memory_space<vmem>>
        %dma_wait3A_33 = arith.constant 0 : i32
        %dma_wait3A_34 = tpu.memref_slice %arg5[%scan3A_21, %dma_wait3A_33] : memref<82x128xi32, #tpu.memory_space<vmem>> -> memref<1x128xi32, #tpu.memory_space<vmem>>
        %dma_wait3A_35 = tpu.memref_squeeze %dma_wait3A_34 : memref<1x128xi32, #tpu.memory_space<vmem>> -> memref<128xi32, #tpu.memory_space<vmem>>
        %dma_wait3A_36 = arith.constant 0 : i32
        %dma_wait3A_37 = tpu.memref_slice %arg8[%dma_wait3A_36] : memref<10240xf32, #tpu.memory_space<vmem_shared>> -> memref<10240xf32, #tpu.memory_space<vmem_shared>>
        tpu.wait_indirect_dma semaphore(%run_scoped3A : memref<!tpu.dma_semaphore, #tpu.memory_space<semaphore_mem>>) src(%dma_wait3A_32 : memref<128xf32, #tpu.memory_space<vmem>>) dst(%dma_wait3A_37 : memref<10240xf32, #tpu.memory_space<vmem_shared>>)
        tpu.yield
      }) : () -> ()
      %scan3A_23 = arith.constant 0 : i32
      scf.yield %scan3A_23 : i32
    }
    %scan3A_15 = arith.constant 82 : i32
    %barrier3A_16 = arith.constant 0 : index
    tpu.barrier barrier_id(%barrier3A_16)
    %mul3A_17 = arith.constant 640 : i32
    %mul3A_18 = arith.muli %arg1, %mul3A_17 : i32
    %mul3A_19 = arith.constant 640 : i32
    %mul3A_20 = arith.muli %arg1, %mul3A_19 : i32
    "tpu.region"() ({
      %run_scoped3A = tpu.sem_alloc : memref<!tpu.dma_semaphore, #tpu.memory_space<semaphore_mem>>
      %dma_start3A = arith.constant 0 : i32
      %dma_start3A_21 = tpu.memref_slice %arg4[%arg0, %dma_start3A] : memref<2x10240xf32, #tpu.memory_space<hbm>> -> memref<1x10240xf32, #tpu.memory_space<hbm>>
      %dma_start3A_22 = tpu.memref_squeeze %dma_start3A_21 : memref<1x10240xf32, #tpu.memory_space<hbm>> -> memref<10240xf32, #tpu.memory_space<hbm>>
      %dma_start3A_23 = tpu.memref_slice %dma_start3A_22[%mul3A_20] : memref<10240xf32, #tpu.memory_space<hbm>> -> memref<640xf32, #tpu.memory_space<hbm>>
      %dma_start3A_24 = tpu.memref_slice %arg8[%mul3A_18] : memref<10240xf32, #tpu.memory_space<vmem_shared>> -> memref<640xf32, #tpu.memory_space<vmem_shared>>
      tpu.enqueue_dma source(%dma_start3A_24 : memref<640xf32, #tpu.memory_space<vmem_shared>>) target(%dma_start3A_23 : memref<640xf32, #tpu.memory_space<hbm>>) target_semaphore(%run_scoped3A : memref<!tpu.dma_semaphore, #tpu.memory_space<semaphore_mem>>)
      %dma_wait3A = arith.constant 0 : i32
      %dma_wait3A_25 = tpu.memref_slice %arg4[%arg0, %dma_wait3A] : memref<2x10240xf32, #tpu.memory_space<hbm>> -> memref<1x10240xf32, #tpu.memory_space<hbm>>
      %dma_wait3A_26 = tpu.memref_squeeze %dma_wait3A_25 : memref<1x10240xf32, #tpu.memory_space<hbm>> -> memref<10240xf32, #tpu.memory_space<hbm>>
      %dma_wait3A_27 = tpu.memref_slice %dma_wait3A_26[%mul3A_20] : memref<10240xf32, #tpu.memory_space<hbm>> -> memref<640xf32, #tpu.memory_space<hbm>>
      %dma_wait3A_28 = tpu.memref_slice %arg8[%mul3A_18] : memref<10240xf32, #tpu.memory_space<vmem_shared>> -> memref<640xf32, #tpu.memory_space<vmem_shared>>
      tpu.wait_dma2 semaphore(%run_scoped3A : memref<!tpu.dma_semaphore, #tpu.memory_space<semaphore_mem>>) src(%dma_wait3A_28 : memref<640xf32, #tpu.memory_space<vmem_shared>>) dst(%dma_wait3A_27 : memref<640xf32, #tpu.memory_space<hbm>>)
      tpu.yield
    }) : () -> ()
    return
  }
}

#map = affine_map<(d0, d1) -> (0, 0)>
#map1 = affine_map<(d0, d1) -> (0)>
#map2 = affine_map<(d0, d1) -> (0, 0, 0)>
module attributes {stable_mosaic.version = 14 : i64} {
  func.func @body(%arg0: i32, %arg1: i32, %arg2: memref<10240x64xi32, #tpu.memory_space<hbm>>, %arg3: memref<2626x384xi32, #tpu.memory_space<hbm>>, %arg4: memref<10240xf32, #tpu.memory_space<hbm>>, %arg5: memref<2x10240x128xf32, #tpu.memory_space<hbm>>, %arg6: memref<384xi32, #tpu.memory_space<vmem>>, %arg7: memref<384xi32, #tpu.memory_space<vmem>>, %arg8: memref<128xi32, #tpu.memory_space<vmem>>, %arg9: memref<128xi32, #tpu.memory_space<vmem>>, %arg10: memref<128xf32, #tpu.memory_space<vmem>>, %arg11: memref<128xf32, #tpu.memory_space<vmem>>, %arg12: memref<10240xf32, #tpu.memory_space<vmem>>, %arg13: memref<128x64xi32, #tpu.memory_space<vmem>>, %arg14: memref<128x64xi32, #tpu.memory_space<vmem>>, %arg15: memref<128x128xf32, #tpu.memory_space<vmem>>, %arg16: memref<!tpu.dma_semaphore, #tpu.memory_space<semaphore_mem>>, %arg17: memref<!tpu.dma_semaphore, #tpu.memory_space<semaphore_mem>>, %arg18: memref<!tpu.dma_semaphore, #tpu.memory_space<semaphore_mem>>, %arg19: memref<!tpu.dma_semaphore, #tpu.memory_space<semaphore_mem>>, %arg20: memref<!tpu.dma_semaphore, #tpu.memory_space<semaphore_mem>>, %arg21: memref<10240x128xf32, #tpu.memory_space<vmem_shared>>) attributes {dimension_semantics = [#tpu.dimension_semantics<core_parallel>, #tpu.dimension_semantics<subcore_parallel>], iteration_bounds = array<i64: 2, 16>, scalar_prefetch = 0 : i64, scratch_operands = 16 : i64, tpu.core_type = #tpu.core_type<sc_vector_subcore>, window_params = [{transform_indices = #map}, {transform_indices = #map}, {transform_indices = #map1}, {transform_indices = #map2}]} {
    %mul3A = arith.constant 16 : i32
    %mul3A_0 = arith.muli %arg0, %mul3A : i32
    %add3A = arith.addi %mul3A_0, %arg1 : i32
    %mul3A_1 = arith.constant 82 : i32
    %mul3A_2 = arith.muli %add3A, %mul3A_1 : i32
    %iota3A = tpu.iota {dimensions = array<i32: 0>} : vector<16xi32>
    %mul3A_3 = arith.constant 2 : i32
    %mul3A_4 = vector.broadcast %mul3A_3 : i32 to vector<16xi32>
    %mul3A_5 = arith.muli %iota3A, %mul3A_4 : vector<16xi32>
    %scan3A = arith.constant 0 : i32
    %scan3A_6 = arith.constant 0 : i32
    %scan3A_7 = arith.constant 128 : i32
    %scan3A_8 = arith.addi %scan3A_6, %scan3A_7 : i32
    %scan3A_9 = arith.constant 1 : i32
    %scan3A_10 = scf.for %scan3A_76 = %scan3A_6 to %scan3A_8 step %scan3A_9 iter_args(%scan3A_77 = %scan3A) -> (i32)  : i32 {
      %broadcast_in_dim3A = arith.constant 0.000000e+00 : f32
      %broadcast_in_dim3A_78 = vector.broadcast %broadcast_in_dim3A : f32 to vector<16xf32>
      %swap3A = arith.index_cast %scan3A_76 : i32 to index
      %swap3A_79 = arith.constant 0 : index
      %swap3A_80 = tpu.vector_load %arg15[%swap3A, %swap3A_79] {strides = array<i32>} : memref<128x128xf32, #tpu.memory_space<vmem>>, vector<16xf32>,
      tpu.vector_store %arg15[%swap3A, %swap3A_79], %broadcast_in_dim3A_78 {strides = array<i32>} : memref<128x128xf32, #tpu.memory_space<vmem>>, vector<16xf32>,
      %broadcast_in_dim3A_81 = arith.constant 0.000000e+00 : f32
      %broadcast_in_dim3A_82 = vector.broadcast %broadcast_in_dim3A_81 : f32 to vector<16xf32>
      %swap3A_83 = arith.index_cast %scan3A_76 : i32 to index
      %swap3A_84 = arith.constant 16 : index
      %swap3A_85 = tpu.vector_load %arg15[%swap3A_83, %swap3A_84] {strides = array<i32>} : memref<128x128xf32, #tpu.memory_space<vmem>>, vector<16xf32>,
      tpu.vector_store %arg15[%swap3A_83, %swap3A_84], %broadcast_in_dim3A_82 {strides = array<i32>} : memref<128x128xf32, #tpu.memory_space<vmem>>, vector<16xf32>,
      %broadcast_in_dim3A_86 = arith.constant 0.000000e+00 : f32
      %broadcast_in_dim3A_87 = vector.broadcast %broadcast_in_dim3A_86 : f32 to vector<16xf32>
      %swap3A_88 = arith.index_cast %scan3A_76 : i32 to index
      %swap3A_89 = arith.constant 32 : index
      %swap3A_90 = tpu.vector_load %arg15[%swap3A_88, %swap3A_89] {strides = array<i32>} : memref<128x128xf32, #tpu.memory_space<vmem>>, vector<16xf32>,
      tpu.vector_store %arg15[%swap3A_88, %swap3A_89], %broadcast_in_dim3A_87 {strides = array<i32>} : memref<128x128xf32, #tpu.memory_space<vmem>>, vector<16xf32>,
      %broadcast_in_dim3A_91 = arith.constant 0.000000e+00 : f32
      %broadcast_in_dim3A_92 = vector.broadcast %broadcast_in_dim3A_91 : f32 to vector<16xf32>
      %swap3A_93 = arith.index_cast %scan3A_76 : i32 to index
      %swap3A_94 = arith.constant 48 : index
      %swap3A_95 = tpu.vector_load %arg15[%swap3A_93, %swap3A_94] {strides = array<i32>} : memref<128x128xf32, #tpu.memory_space<vmem>>, vector<16xf32>,
      tpu.vector_store %arg15[%swap3A_93, %swap3A_94], %broadcast_in_dim3A_92 {strides = array<i32>} : memref<128x128xf32, #tpu.memory_space<vmem>>, vector<16xf32>,
      %broadcast_in_dim3A_96 = arith.constant 0.000000e+00 : f32
      %broadcast_in_dim3A_97 = vector.broadcast %broadcast_in_dim3A_96 : f32 to vector<16xf32>
      %swap3A_98 = arith.index_cast %scan3A_76 : i32 to index
      %swap3A_99 = arith.constant 64 : index
      %swap3A_100 = tpu.vector_load %arg15[%swap3A_98, %swap3A_99] {strides = array<i32>} : memref<128x128xf32, #tpu.memory_space<vmem>>, vector<16xf32>,
      tpu.vector_store %arg15[%swap3A_98, %swap3A_99], %broadcast_in_dim3A_97 {strides = array<i32>} : memref<128x128xf32, #tpu.memory_space<vmem>>, vector<16xf32>,
      %broadcast_in_dim3A_101 = arith.constant 0.000000e+00 : f32
      %broadcast_in_dim3A_102 = vector.broadcast %broadcast_in_dim3A_101 : f32 to vector<16xf32>
      %swap3A_103 = arith.index_cast %scan3A_76 : i32 to index
      %swap3A_104 = arith.constant 80 : index
      %swap3A_105 = tpu.vector_load %arg15[%swap3A_103, %swap3A_104] {strides = array<i32>} : memref<128x128xf32, #tpu.memory_space<vmem>>, vector<16xf32>,
      tpu.vector_store %arg15[%swap3A_103, %swap3A_104], %broadcast_in_dim3A_102 {strides = array<i32>} : memref<128x128xf32, #tpu.memory_space<vmem>>, vector<16xf32>,
      %broadcast_in_dim3A_106 = arith.constant 0.000000e+00 : f32
      %broadcast_in_dim3A_107 = vector.broadcast %broadcast_in_dim3A_106 : f32 to vector<16xf32>
      %swap3A_108 = arith.index_cast %scan3A_76 : i32 to index
      %swap3A_109 = arith.constant 96 : index
      %swap3A_110 = tpu.vector_load %arg15[%swap3A_108, %swap3A_109] {strides = array<i32>} : memref<128x128xf32, #tpu.memory_space<vmem>>, vector<16xf32>,
      tpu.vector_store %arg15[%swap3A_108, %swap3A_109], %broadcast_in_dim3A_107 {strides = array<i32>} : memref<128x128xf32, #tpu.memory_space<vmem>>, vector<16xf32>,
      %broadcast_in_dim3A_111 = arith.constant 0.000000e+00 : f32
      %broadcast_in_dim3A_112 = vector.broadcast %broadcast_in_dim3A_111 : f32 to vector<16xf32>
      %swap3A_113 = arith.index_cast %scan3A_76 : i32 to index
      %swap3A_114 = arith.constant 112 : index
      %swap3A_115 = tpu.vector_load %arg15[%swap3A_113, %swap3A_114] {strides = array<i32>} : memref<128x128xf32, #tpu.memory_space<vmem>>, vector<16xf32>,
      tpu.vector_store %arg15[%swap3A_113, %swap3A_114], %broadcast_in_dim3A_112 {strides = array<i32>} : memref<128x128xf32, #tpu.memory_space<vmem>>, vector<16xf32>,
      %scan3A_116 = arith.constant 0 : i32
      scf.yield %scan3A_116 : i32
    }
    %scan3A_11 = arith.constant 128 : i32
    %mul3A_12 = arith.constant 640 : i32
    %mul3A_13 = arith.muli %arg1, %mul3A_12 : i32
    %add3A_14 = arith.constant 0 : i32
    %add3A_15 = arith.addi %mul3A_13, %add3A_14 : i32
    "tpu.region"() ({
      %run_scoped3A = tpu.sem_alloc : memref<!tpu.dma_semaphore, #tpu.memory_space<semaphore_mem>>
      %dma_start3A_76 = arith.constant 0 : i32
      %dma_start3A_77 = tpu.memref_slice %arg21[%add3A_15, %dma_start3A_76] : memref<10240x128xf32, #tpu.memory_space<vmem_shared>> -> memref<128x128xf32, #tpu.memory_space<vmem_shared>>
      %dma_start3A_78 = arith.constant 0 : i32
      %dma_start3A_79 = tpu.memref_slice %arg21[%add3A_15, %dma_start3A_78] : memref<10240x128xf32, #tpu.memory_space<vmem_shared>> -> memref<128x128xf32, #tpu.memory_space<vmem_shared>>
      tpu.enqueue_dma source(%arg15 : memref<128x128xf32, #tpu.memory_space<vmem>>) target(%dma_start3A_79 : memref<128x128xf32, #tpu.memory_space<vmem_shared>>) target_semaphore(%run_scoped3A : memref<!tpu.dma_semaphore, #tpu.memory_space<semaphore_mem>>)
      %dma_wait3A_80 = arith.constant 0 : i32
      %dma_wait3A_81 = tpu.memref_slice %arg21[%add3A_15, %dma_wait3A_80] : memref<10240x128xf32, #tpu.memory_space<vmem_shared>> -> memref<128x128xf32, #tpu.memory_space<vmem_shared>>
      %dma_wait3A_82 = arith.constant 0 : i32
      %dma_wait3A_83 = tpu.memref_slice %arg21[%add3A_15, %dma_wait3A_82] : memref<10240x128xf32, #tpu.memory_space<vmem_shared>> -> memref<128x128xf32, #tpu.memory_space<vmem_shared>>
      tpu.wait_dma2 semaphore(%run_scoped3A : memref<!tpu.dma_semaphore, #tpu.memory_space<semaphore_mem>>) src(%arg15 : memref<128x128xf32, #tpu.memory_space<vmem>>) dst(%dma_wait3A_83 : memref<128x128xf32, #tpu.memory_space<vmem_shared>>)
      tpu.yield
    }) : () -> ()
    %mul3A_16 = arith.constant 640 : i32
    %mul3A_17 = arith.muli %arg1, %mul3A_16 : i32
    %add3A_18 = arith.constant 128 : i32
    %add3A_19 = arith.addi %mul3A_17, %add3A_18 : i32
    "tpu.region"() ({
      %run_scoped3A = tpu.sem_alloc : memref<!tpu.dma_semaphore, #tpu.memory_space<semaphore_mem>>
      %dma_start3A_76 = arith.constant 0 : i32
      %dma_start3A_77 = tpu.memref_slice %arg21[%add3A_19, %dma_start3A_76] : memref<10240x128xf32, #tpu.memory_space<vmem_shared>> -> memref<128x128xf32, #tpu.memory_space<vmem_shared>>
      %dma_start3A_78 = arith.constant 0 : i32
      %dma_start3A_79 = tpu.memref_slice %arg21[%add3A_19, %dma_start3A_78] : memref<10240x128xf32, #tpu.memory_space<vmem_shared>> -> memref<128x128xf32, #tpu.memory_space<vmem_shared>>
      tpu.enqueue_dma source(%arg15 : memref<128x128xf32, #tpu.memory_space<vmem>>) target(%dma_start3A_79 : memref<128x128xf32, #tpu.memory_space<vmem_shared>>) target_semaphore(%run_scoped3A : memref<!tpu.dma_semaphore, #tpu.memory_space<semaphore_mem>>)
      %dma_wait3A_80 = arith.constant 0 : i32
      %dma_wait3A_81 = tpu.memref_slice %arg21[%add3A_19, %dma_wait3A_80] : memref<10240x128xf32, #tpu.memory_space<vmem_shared>> -> memref<128x128xf32, #tpu.memory_space<vmem_shared>>
      %dma_wait3A_82 = arith.constant 0 : i32
      %dma_wait3A_83 = tpu.memref_slice %arg21[%add3A_19, %dma_wait3A_82] : memref<10240x128xf32, #tpu.memory_space<vmem_shared>> -> memref<128x128xf32, #tpu.memory_space<vmem_shared>>
      tpu.wait_dma2 semaphore(%run_scoped3A : memref<!tpu.dma_semaphore, #tpu.memory_space<semaphore_mem>>) src(%arg15 : memref<128x128xf32, #tpu.memory_space<vmem>>) dst(%dma_wait3A_83 : memref<128x128xf32, #tpu.memory_space<vmem_shared>>)
      tpu.yield
    }) : () -> ()
    %mul3A_20 = arith.constant 640 : i32
    %mul3A_21 = arith.muli %arg1, %mul3A_20 : i32
    %add3A_22 = arith.constant 256 : i32
    %add3A_23 = arith.addi %mul3A_21, %add3A_22 : i32
    "tpu.region"() ({
      %run_scoped3A = tpu.sem_alloc : memref<!tpu.dma_semaphore, #tpu.memory_space<semaphore_mem>>
      %dma_start3A_76 = arith.constant 0 : i32
      %dma_start3A_77 = tpu.memref_slice %arg21[%add3A_23, %dma_start3A_76] : memref<10240x128xf32, #tpu.memory_space<vmem_shared>> -> memref<128x128xf32, #tpu.memory_space<vmem_shared>>
      %dma_start3A_78 = arith.constant 0 : i32
      %dma_start3A_79 = tpu.memref_slice %arg21[%add3A_23, %dma_start3A_78] : memref<10240x128xf32, #tpu.memory_space<vmem_shared>> -> memref<128x128xf32, #tpu.memory_space<vmem_shared>>
      tpu.enqueue_dma source(%arg15 : memref<128x128xf32, #tpu.memory_space<vmem>>) target(%dma_start3A_79 : memref<128x128xf32, #tpu.memory_space<vmem_shared>>) target_semaphore(%run_scoped3A : memref<!tpu.dma_semaphore, #tpu.memory_space<semaphore_mem>>)
      %dma_wait3A_80 = arith.constant 0 : i32
      %dma_wait3A_81 = tpu.memref_slice %arg21[%add3A_23, %dma_wait3A_80] : memref<10240x128xf32, #tpu.memory_space<vmem_shared>> -> memref<128x128xf32, #tpu.memory_space<vmem_shared>>
      %dma_wait3A_82 = arith.constant 0 : i32
      %dma_wait3A_83 = tpu.memref_slice %arg21[%add3A_23, %dma_wait3A_82] : memref<10240x128xf32, #tpu.memory_space<vmem_shared>> -> memref<128x128xf32, #tpu.memory_space<vmem_shared>>
      tpu.wait_dma2 semaphore(%run_scoped3A : memref<!tpu.dma_semaphore, #tpu.memory_space<semaphore_mem>>) src(%arg15 : memref<128x128xf32, #tpu.memory_space<vmem>>) dst(%dma_wait3A_83 : memref<128x128xf32, #tpu.memory_space<vmem_shared>>)
      tpu.yield
    }) : () -> ()
    %mul3A_24 = arith.constant 640 : i32
    %mul3A_25 = arith.muli %arg1, %mul3A_24 : i32
    %add3A_26 = arith.constant 384 : i32
    %add3A_27 = arith.addi %mul3A_25, %add3A_26 : i32
    "tpu.region"() ({
      %run_scoped3A = tpu.sem_alloc : memref<!tpu.dma_semaphore, #tpu.memory_space<semaphore_mem>>
      %dma_start3A_76 = arith.constant 0 : i32
      %dma_start3A_77 = tpu.memref_slice %arg21[%add3A_27, %dma_start3A_76] : memref<10240x128xf32, #tpu.memory_space<vmem_shared>> -> memref<128x128xf32, #tpu.memory_space<vmem_shared>>
      %dma_start3A_78 = arith.constant 0 : i32
      %dma_start3A_79 = tpu.memref_slice %arg21[%add3A_27, %dma_start3A_78] : memref<10240x128xf32, #tpu.memory_space<vmem_shared>> -> memref<128x128xf32, #tpu.memory_space<vmem_shared>>
      tpu.enqueue_dma source(%arg15 : memref<128x128xf32, #tpu.memory_space<vmem>>) target(%dma_start3A_79 : memref<128x128xf32, #tpu.memory_space<vmem_shared>>) target_semaphore(%run_scoped3A : memref<!tpu.dma_semaphore, #tpu.memory_space<semaphore_mem>>)
      %dma_wait3A_80 = arith.constant 0 : i32
      %dma_wait3A_81 = tpu.memref_slice %arg21[%add3A_27, %dma_wait3A_80] : memref<10240x128xf32, #tpu.memory_space<vmem_shared>> -> memref<128x128xf32, #tpu.memory_space<vmem_shared>>
      %dma_wait3A_82 = arith.constant 0 : i32
      %dma_wait3A_83 = tpu.memref_slice %arg21[%add3A_27, %dma_wait3A_82] : memref<10240x128xf32, #tpu.memory_space<vmem_shared>> -> memref<128x128xf32, #tpu.memory_space<vmem_shared>>
      tpu.wait_dma2 semaphore(%run_scoped3A : memref<!tpu.dma_semaphore, #tpu.memory_space<semaphore_mem>>) src(%arg15 : memref<128x128xf32, #tpu.memory_space<vmem>>) dst(%dma_wait3A_83 : memref<128x128xf32, #tpu.memory_space<vmem_shared>>)
      tpu.yield
    }) : () -> ()
    %mul3A_28 = arith.constant 640 : i32
    %mul3A_29 = arith.muli %arg1, %mul3A_28 : i32
    %add3A_30 = arith.constant 512 : i32
    %add3A_31 = arith.addi %mul3A_29, %add3A_30 : i32
    "tpu.region"() ({
      %run_scoped3A = tpu.sem_alloc : memref<!tpu.dma_semaphore, #tpu.memory_space<semaphore_mem>>
      %dma_start3A_76 = arith.constant 0 : i32
      %dma_start3A_77 = tpu.memref_slice %arg21[%add3A_31, %dma_start3A_76] : memref<10240x128xf32, #tpu.memory_space<vmem_shared>> -> memref<128x128xf32, #tpu.memory_space<vmem_shared>>
      %dma_start3A_78 = arith.constant 0 : i32
      %dma_start3A_79 = tpu.memref_slice %arg21[%add3A_31, %dma_start3A_78] : memref<10240x128xf32, #tpu.memory_space<vmem_shared>> -> memref<128x128xf32, #tpu.memory_space<vmem_shared>>
      tpu.enqueue_dma source(%arg15 : memref<128x128xf32, #tpu.memory_space<vmem>>) target(%dma_start3A_79 : memref<128x128xf32, #tpu.memory_space<vmem_shared>>) target_semaphore(%run_scoped3A : memref<!tpu.dma_semaphore, #tpu.memory_space<semaphore_mem>>)
      %dma_wait3A_80 = arith.constant 0 : i32
      %dma_wait3A_81 = tpu.memref_slice %arg21[%add3A_31, %dma_wait3A_80] : memref<10240x128xf32, #tpu.memory_space<vmem_shared>> -> memref<128x128xf32, #tpu.memory_space<vmem_shared>>
      %dma_wait3A_82 = arith.constant 0 : i32
      %dma_wait3A_83 = tpu.memref_slice %arg21[%add3A_31, %dma_wait3A_82] : memref<10240x128xf32, #tpu.memory_space<vmem_shared>> -> memref<128x128xf32, #tpu.memory_space<vmem_shared>>
      tpu.wait_dma2 semaphore(%run_scoped3A : memref<!tpu.dma_semaphore, #tpu.memory_space<semaphore_mem>>) src(%arg15 : memref<128x128xf32, #tpu.memory_space<vmem>>) dst(%dma_wait3A_83 : memref<128x128xf32, #tpu.memory_space<vmem_shared>>)
      tpu.yield
    }) : () -> ()
    "tpu.region"() ({
      %run_scoped3A = tpu.sem_alloc : memref<!tpu.dma_semaphore, #tpu.memory_space<semaphore_mem>>
      tpu.enqueue_dma source(%arg4 : memref<10240xf32, #tpu.memory_space<hbm>>) target(%arg12 : memref<10240xf32, #tpu.memory_space<vmem>>) target_semaphore(%run_scoped3A : memref<!tpu.dma_semaphore, #tpu.memory_space<semaphore_mem>>)
      tpu.wait_dma2 semaphore(%run_scoped3A : memref<!tpu.dma_semaphore, #tpu.memory_space<semaphore_mem>>) src(%arg4 : memref<10240xf32, #tpu.memory_space<hbm>>) dst(%arg12 : memref<10240xf32, #tpu.memory_space<vmem>>)
      tpu.yield
    }) : () -> ()
    %barrier3A = arith.constant 0 : index
    tpu.barrier barrier_id(%barrier3A)
    %add3A_32 = arith.constant 0 : i32
    %add3A_33 = arith.addi %mul3A_2, %add3A_32 : i32
    "tpu.region"() ({
      %run_scoped3A = tpu.sem_alloc : memref<!tpu.dma_semaphore, #tpu.memory_space<semaphore_mem>>
      %dma_start3A_76 = arith.constant 0 : i32
      %dma_start3A_77 = tpu.memref_slice %arg3[%add3A_33, %dma_start3A_76] : memref<2626x384xi32, #tpu.memory_space<hbm>> -> memref<1x384xi32, #tpu.memory_space<hbm>>
      %dma_start3A_78 = tpu.memref_squeeze %dma_start3A_77 : memref<1x384xi32, #tpu.memory_space<hbm>> -> memref<384xi32, #tpu.memory_space<hbm>>
      %dma_start3A_79 = arith.constant 0 : i32
      %dma_start3A_80 = tpu.memref_slice %arg3[%add3A_33, %dma_start3A_79] : memref<2626x384xi32, #tpu.memory_space<hbm>> -> memref<1x384xi32, #tpu.memory_space<hbm>>
      %dma_start3A_81 = tpu.memref_squeeze %dma_start3A_80 : memref<1x384xi32, #tpu.memory_space<hbm>> -> memref<384xi32, #tpu.memory_space<hbm>>
      tpu.enqueue_dma source(%dma_start3A_81 : memref<384xi32, #tpu.memory_space<hbm>>) target(%arg6 : memref<384xi32, #tpu.memory_space<vmem>>) target_semaphore(%run_scoped3A : memref<!tpu.dma_semaphore, #tpu.memory_space<semaphore_mem>>)
      %dma_wait3A_82 = arith.constant 0 : i32
      %dma_wait3A_83 = tpu.memref_slice %arg3[%add3A_33, %dma_wait3A_82] : memref<2626x384xi32, #tpu.memory_space<hbm>> -> memref<1x384xi32, #tpu.memory_space<hbm>>
      %dma_wait3A_84 = tpu.memref_squeeze %dma_wait3A_83 : memref<1x384xi32, #tpu.memory_space<hbm>> -> memref<384xi32, #tpu.memory_space<hbm>>
      %dma_wait3A_85 = arith.constant 0 : i32
      %dma_wait3A_86 = tpu.memref_slice %arg3[%add3A_33, %dma_wait3A_85] : memref<2626x384xi32, #tpu.memory_space<hbm>> -> memref<1x384xi32, #tpu.memory_space<hbm>>
      %dma_wait3A_87 = tpu.memref_squeeze %dma_wait3A_86 : memref<1x384xi32, #tpu.memory_space<hbm>> -> memref<384xi32, #tpu.memory_space<hbm>>
      tpu.wait_dma2 semaphore(%run_scoped3A : memref<!tpu.dma_semaphore, #tpu.memory_space<semaphore_mem>>) src(%dma_wait3A_87 : memref<384xi32, #tpu.memory_space<hbm>>) dst(%arg6 : memref<384xi32, #tpu.memory_space<vmem>>)
      tpu.yield
    }) : () -> ()
    %add3A_34 = arith.constant 1 : i32
    %add3A_35 = arith.addi %mul3A_2, %add3A_34 : i32
    "tpu.region"() ({
      %run_scoped3A = tpu.sem_alloc : memref<!tpu.dma_semaphore, #tpu.memory_space<semaphore_mem>>
      %dma_start3A_76 = arith.constant 0 : i32
      %dma_start3A_77 = tpu.memref_slice %arg3[%add3A_35, %dma_start3A_76] : memref<2626x384xi32, #tpu.memory_space<hbm>> -> memref<1x384xi32, #tpu.memory_space<hbm>>
      %dma_start3A_78 = tpu.memref_squeeze %dma_start3A_77 : memref<1x384xi32, #tpu.memory_space<hbm>> -> memref<384xi32, #tpu.memory_space<hbm>>
      %dma_start3A_79 = arith.constant 0 : i32
      %dma_start3A_80 = tpu.memref_slice %arg3[%add3A_35, %dma_start3A_79] : memref<2626x384xi32, #tpu.memory_space<hbm>> -> memref<1x384xi32, #tpu.memory_space<hbm>>
      %dma_start3A_81 = tpu.memref_squeeze %dma_start3A_80 : memref<1x384xi32, #tpu.memory_space<hbm>> -> memref<384xi32, #tpu.memory_space<hbm>>
      tpu.enqueue_dma source(%dma_start3A_81 : memref<384xi32, #tpu.memory_space<hbm>>) target(%arg7 : memref<384xi32, #tpu.memory_space<vmem>>) target_semaphore(%run_scoped3A : memref<!tpu.dma_semaphore, #tpu.memory_space<semaphore_mem>>)
      %dma_wait3A_82 = arith.constant 0 : i32
      %dma_wait3A_83 = tpu.memref_slice %arg3[%add3A_35, %dma_wait3A_82] : memref<2626x384xi32, #tpu.memory_space<hbm>> -> memref<1x384xi32, #tpu.memory_space<hbm>>
      %dma_wait3A_84 = tpu.memref_squeeze %dma_wait3A_83 : memref<1x384xi32, #tpu.memory_space<hbm>> -> memref<384xi32, #tpu.memory_space<hbm>>
      %dma_wait3A_85 = arith.constant 0 : i32
      %dma_wait3A_86 = tpu.memref_slice %arg3[%add3A_35, %dma_wait3A_85] : memref<2626x384xi32, #tpu.memory_space<hbm>> -> memref<1x384xi32, #tpu.memory_space<hbm>>
      %dma_wait3A_87 = tpu.memref_squeeze %dma_wait3A_86 : memref<1x384xi32, #tpu.memory_space<hbm>> -> memref<384xi32, #tpu.memory_space<hbm>>
      tpu.wait_dma2 semaphore(%run_scoped3A : memref<!tpu.dma_semaphore, #tpu.memory_space<semaphore_mem>>) src(%dma_wait3A_87 : memref<384xi32, #tpu.memory_space<hbm>>) dst(%arg7 : memref<384xi32, #tpu.memory_space<vmem>>)
      tpu.yield
    }) : () -> ()
    %dma_start3A = arith.constant 0 : i32
    %dma_start3A_36 = arith.constant 0 : i32
    %dma_start3A_37 = tpu.memref_slice %arg13[%dma_start3A, %dma_start3A_36] : memref<128x64xi32, #tpu.memory_space<vmem>> -> memref<64x64xi32, #tpu.memory_space<vmem>>
    %dma_start3A_38 = arith.constant 0 : i32
    %dma_start3A_39 = tpu.memref_slice %arg6[%dma_start3A_38] : memref<384xi32, #tpu.memory_space<vmem>> -> memref<64xi32, #tpu.memory_space<vmem>>
    %dma_start3A_40 = arith.constant 0 : i32
    %dma_start3A_41 = arith.constant 0 : i32
    %dma_start3A_42 = tpu.memref_slice %arg2[%dma_start3A_40, %dma_start3A_41] : memref<10240x64xi32, #tpu.memory_space<hbm>> -> memref<10240x64xi32, #tpu.memory_space<hbm>>
    tpu.enqueue_indirect_dma source(%dma_start3A_42 : memref<10240x64xi32, #tpu.memory_space<hbm>>) target(%dma_start3A_37 : memref<64x64xi32, #tpu.memory_space<vmem>>) offsets(%dma_start3A_39 : memref<64xi32, #tpu.memory_space<vmem>>) semaphore(%arg18 : memref<!tpu.dma_semaphore, #tpu.memory_space<semaphore_mem>>)
    %dma_start3A_43 = arith.constant 64 : i32
    %dma_start3A_44 = arith.constant 0 : i32
    %dma_start3A_45 = tpu.memref_slice %arg13[%dma_start3A_43, %dma_start3A_44] : memref<128x64xi32, #tpu.memory_space<vmem>> -> memref<64x64xi32, #tpu.memory_space<vmem>>
    %dma_start3A_46 = arith.constant 64 : i32
    %dma_start3A_47 = tpu.memref_slice %arg6[%dma_start3A_46] : memref<384xi32, #tpu.memory_space<vmem>> -> memref<64xi32, #tpu.memory_space<vmem>>
    %dma_start3A_48 = arith.constant 0 : i32
    %dma_start3A_49 = arith.constant 0 : i32
    %dma_start3A_50 = tpu.memref_slice %arg2[%dma_start3A_48, %dma_start3A_49] : memref<10240x64xi32, #tpu.memory_space<hbm>> -> memref<10240x64xi32, #tpu.memory_space<hbm>>
    tpu.enqueue_indirect_dma source(%dma_start3A_50 : memref<10240x64xi32, #tpu.memory_space<hbm>>) target(%dma_start3A_45 : memref<64x64xi32, #tpu.memory_space<vmem>>) offsets(%dma_start3A_47 : memref<64xi32, #tpu.memory_space<vmem>>) semaphore(%arg18 : memref<!tpu.dma_semaphore, #tpu.memory_space<semaphore_mem>>)
    %scan3A_51 = arith.constant 0 : i32
    %scan3A_52 = arith.constant 0 : i32
    %scan3A_53 = arith.constant 41 : i32
    %scan3A_54 = arith.addi %scan3A_52, %scan3A_53 : i32
    %scan3A_55 = arith.constant 1 : i32
    %scan3A_56 = scf.for %scan3A_76 = %scan3A_52 to %scan3A_54 step %scan3A_55 iter_args(%scan3A_77 = %scan3A_51) -> (i32)  : i32 {
      %mul3A_78 = arith.constant 2 : i32
      %mul3A_79 = arith.muli %mul3A_78, %scan3A_76 : i32
      %gt3A = arith.constant 0 : i32
      %gt3A_80 = arith.cmpi sgt, %scan3A_76, %gt3A : i32
      %convert_element_type3A = arith.extui %gt3A_80 : i1 to i32
      %cond3A = arith.constant 0 : i32
      %cond3A_81 = arith.cmpi ne, %convert_element_type3A, %cond3A : i32
      scf.if %cond3A_81 {
        %dma_wait3A_413 = arith.constant 0 : i32
        %dma_wait3A_414 = tpu.memref_slice %arg3[%mul3A_2, %dma_wait3A_413] : memref<2626x384xi32, #tpu.memory_space<hbm>> -> memref<1x384xi32, #tpu.memory_space<hbm>>
        %dma_wait3A_415 = tpu.memref_squeeze %dma_wait3A_414 : memref<1x384xi32, #tpu.memory_space<hbm>> -> memref<384xi32, #tpu.memory_space<hbm>>
        %dma_wait3A_416 = arith.constant 0 : i32
        %dma_wait3A_417 = tpu.memref_slice %arg3[%mul3A_2, %dma_wait3A_416] : memref<2626x384xi32, #tpu.memory_space<hbm>> -> memref<1x384xi32, #tpu.memory_space<hbm>>
        %dma_wait3A_418 = tpu.memref_squeeze %dma_wait3A_417 : memref<1x384xi32, #tpu.memory_space<hbm>> -> memref<384xi32, #tpu.memory_space<hbm>>
        tpu.wait_dma2 semaphore(%arg17 : memref<!tpu.dma_semaphore, #tpu.memory_space<semaphore_mem>>) src(%dma_wait3A_418 : memref<384xi32, #tpu.memory_space<hbm>>) dst(%arg7 : memref<384xi32, #tpu.memory_space<vmem>>)
      } else {
      }
      %dma_start3A_82 = arith.constant 0 : i32
      %dma_start3A_83 = arith.constant 0 : i32
      %dma_start3A_84 = tpu.memref_slice %arg14[%dma_start3A_82, %dma_start3A_83] : memref<128x64xi32, #tpu.memory_space<vmem>> -> memref<64x64xi32, #tpu.memory_space<vmem>>
      %dma_start3A_85 = arith.constant 0 : i32
      %dma_start3A_86 = tpu.memref_slice %arg7[%dma_start3A_85] : memref<384xi32, #tpu.memory_space<vmem>> -> memref<64xi32, #tpu.memory_space<vmem>>
      %dma_start3A_87 = arith.constant 0 : i32
      %dma_start3A_88 = arith.constant 0 : i32
      %dma_start3A_89 = tpu.memref_slice %arg2[%dma_start3A_87, %dma_start3A_88] : memref<10240x64xi32, #tpu.memory_space<hbm>> -> memref<10240x64xi32, #tpu.memory_space<hbm>>
      tpu.enqueue_indirect_dma source(%dma_start3A_89 : memref<10240x64xi32, #tpu.memory_space<hbm>>) target(%dma_start3A_84 : memref<64x64xi32, #tpu.memory_space<vmem>>) offsets(%dma_start3A_86 : memref<64xi32, #tpu.memory_space<vmem>>) semaphore(%arg19 : memref<!tpu.dma_semaphore, #tpu.memory_space<semaphore_mem>>)
      %dma_start3A_90 = arith.constant 64 : i32
      %dma_start3A_91 = arith.constant 0 : i32
      %dma_start3A_92 = tpu.memref_slice %arg14[%dma_start3A_90, %dma_start3A_91] : memref<128x64xi32, #tpu.memory_space<vmem>> -> memref<64x64xi32, #tpu.memory_space<vmem>>
      %dma_start3A_93 = arith.constant 64 : i32
      %dma_start3A_94 = tpu.memref_slice %arg7[%dma_start3A_93] : memref<384xi32, #tpu.memory_space<vmem>> -> memref<64xi32, #tpu.memory_space<vmem>>
      %dma_start3A_95 = arith.constant 0 : i32
      %dma_start3A_96 = arith.constant 0 : i32
      %dma_start3A_97 = tpu.memref_slice %arg2[%dma_start3A_95, %dma_start3A_96] : memref<10240x64xi32, #tpu.memory_space<hbm>> -> memref<10240x64xi32, #tpu.memory_space<hbm>>
      tpu.enqueue_indirect_dma source(%dma_start3A_97 : memref<10240x64xi32, #tpu.memory_space<hbm>>) target(%dma_start3A_92 : memref<64x64xi32, #tpu.memory_space<vmem>>) offsets(%dma_start3A_94 : memref<64xi32, #tpu.memory_space<vmem>>) semaphore(%arg19 : memref<!tpu.dma_semaphore, #tpu.memory_space<semaphore_mem>>)
      %dma_wait3A_98 = arith.constant 0 : i32
      %dma_wait3A_99 = tpu.memref_slice %arg6[%dma_wait3A_98] : memref<384xi32, #tpu.memory_space<vmem>> -> memref<128xi32, #tpu.memory_space<vmem>>
      %dma_wait3A_100 = arith.constant 0 : i32
      %dma_wait3A_101 = arith.constant 0 : i32
      %dma_wait3A_102 = tpu.memref_slice %arg2[%dma_wait3A_100, %dma_wait3A_101] : memref<10240x64xi32, #tpu.memory_space<hbm>> -> memref<10240x64xi32, #tpu.memory_space<hbm>>
      tpu.wait_indirect_dma semaphore(%arg18 : memref<!tpu.dma_semaphore, #tpu.memory_space<semaphore_mem>>) src(%dma_wait3A_102 : memref<10240x64xi32, #tpu.memory_space<hbm>>) dst(%arg13 : memref<128x64xi32, #tpu.memory_space<vmem>>)
      %get3A = arith.constant 0 : index
      %get3A_103 = tpu.vector_load %arg6[%get3A] {strides = array<i32>} : memref<384xi32, #tpu.memory_space<vmem>>, vector<16xi32>,
      %get3A_104 = arith.constant 128 : index
      %get3A_105 = tpu.vector_load %arg6[%get3A_104] {strides = array<i32>} : memref<384xi32, #tpu.memory_space<vmem>>, vector<16xi32>,
      %get3A_106 = arith.constant 256 : index
      %get3A_107 = tpu.vector_load %arg6[%get3A_106] {strides = array<i32>} : memref<384xi32, #tpu.memory_space<vmem>>, vector<16xi32>,
      %bitcast3A = vector.bitcast %get3A_107 : vector<16xi32> to vector<16xf32>
      %swap3A = arith.constant 0 : index
      %swap3A_108 = tpu.vector_load %arg8[%swap3A] {strides = array<i32>} : memref<128xi32, #tpu.memory_space<vmem>>, vector<16xi32>,
      tpu.vector_store %arg8[%swap3A], %get3A_105 {strides = array<i32>} : memref<128xi32, #tpu.memory_space<vmem>>, vector<16xi32>,
      %gather3A = tpu.vector_load_idx %arg12[%get3A_103] : memref<10240xf32, #tpu.memory_space<vmem>>[vector<16xi32>], vector<16xf32>,
      %mul3A_109 = arith.mulf %gather3A, %bitcast3A : vector<16xf32>
      %gather3A_110 = tpu.vector_load_idx %arg12[%get3A_105] : memref<10240xf32, #tpu.memory_space<vmem>>[vector<16xi32>], vector<16xf32>,
      %mul3A_111 = arith.mulf %mul3A_109, %gather3A_110 : vector<16xf32>
      %swap3A_112 = arith.constant 0 : index
      %swap3A_113 = tpu.vector_load %arg10[%swap3A_112] {strides = array<i32>} : memref<128xf32, #tpu.memory_space<vmem>>, vector<16xf32>,
      tpu.vector_store %arg10[%swap3A_112], %mul3A_111 {strides = array<i32>} : memref<128xf32, #tpu.memory_space<vmem>>, vector<16xf32>,
      %get3A_114 = arith.constant 16 : index
      %get3A_115 = tpu.vector_load %arg6[%get3A_114] {strides = array<i32>} : memref<384xi32, #tpu.memory_space<vmem>>, vector<16xi32>,
      %get3A_116 = arith.constant 144 : index
      %get3A_117 = tpu.vector_load %arg6[%get3A_116] {strides = array<i32>} : memref<384xi32, #tpu.memory_space<vmem>>, vector<16xi32>,
      %get3A_118 = arith.constant 272 : index
      %get3A_119 = tpu.vector_load %arg6[%get3A_118] {strides = array<i32>} : memref<384xi32, #tpu.memory_space<vmem>>, vector<16xi32>,
      %bitcast3A_120 = vector.bitcast %get3A_119 : vector<16xi32> to vector<16xf32>
      %swap3A_121 = arith.constant 16 : index
      %swap3A_122 = tpu.vector_load %arg8[%swap3A_121] {strides = array<i32>} : memref<128xi32, #tpu.memory_space<vmem>>, vector<16xi32>,
      tpu.vector_store %arg8[%swap3A_121], %get3A_117 {strides = array<i32>} : memref<128xi32, #tpu.memory_space<vmem>>, vector<16xi32>,
      %gather3A_123 = tpu.vector_load_idx %arg12[%get3A_115] : memref<10240xf32, #tpu.memory_space<vmem>>[vector<16xi32>], vector<16xf32>,
      %mul3A_124 = arith.mulf %gather3A_123, %bitcast3A_120 : vector<16xf32>
      %gather3A_125 = tpu.vector_load_idx %arg12[%get3A_117] : memref<10240xf32, #tpu.memory_space<vmem>>[vector<16xi32>], vector<16xf32>,
      %mul3A_126 = arith.mulf %mul3A_124, %gather3A_125 : vector<16xf32>
      %swap3A_127 = arith.constant 16 : index
      %swap3A_128 = tpu.vector_load %arg10[%swap3A_127] {strides = array<i32>} : memref<128xf32, #tpu.memory_space<vmem>>, vector<16xf32>,
      tpu.vector_store %arg10[%swap3A_127], %mul3A_126 {strides = array<i32>} : memref<128xf32, #tpu.memory_space<vmem>>, vector<16xf32>,
      %get3A_129 = arith.constant 32 : index
      %get3A_130 = tpu.vector_load %arg6[%get3A_129] {strides = array<i32>} : memref<384xi32, #tpu.memory_space<vmem>>, vector<16xi32>,
      %get3A_131 = arith.constant 160 : index
      %get3A_132 = tpu.vector_load %arg6[%get3A_131] {strides = array<i32>} : memref<384xi32, #tpu.memory_space<vmem>>, vector<16xi32>,
      %get3A_133 = arith.constant 288 : index
      %get3A_134 = tpu.vector_load %arg6[%get3A_133] {strides = array<i32>} : memref<384xi32, #tpu.memory_space<vmem>>, vector<16xi32>,
      %bitcast3A_135 = vector.bitcast %get3A_134 : vector<16xi32> to vector<16xf32>
      %swap3A_136 = arith.constant 32 : index
      %swap3A_137 = tpu.vector_load %arg8[%swap3A_136] {strides = array<i32>} : memref<128xi32, #tpu.memory_space<vmem>>, vector<16xi32>,
      tpu.vector_store %arg8[%swap3A_136], %get3A_132 {strides = array<i32>} : memref<128xi32, #tpu.memory_space<vmem>>, vector<16xi32>,
      %gather3A_138 = tpu.vector_load_idx %arg12[%get3A_130] : memref<10240xf32, #tpu.memory_space<vmem>>[vector<16xi32>], vector<16xf32>,
      %mul3A_139 = arith.mulf %gather3A_138, %bitcast3A_135 : vector<16xf32>
      %gather3A_140 = tpu.vector_load_idx %arg12[%get3A_132] : memref<10240xf32, #tpu.memory_space<vmem>>[vector<16xi32>], vector<16xf32>,
      %mul3A_141 = arith.mulf %mul3A_139, %gather3A_140 : vector<16xf32>
      %swap3A_142 = arith.constant 32 : index
      %swap3A_143 = tpu.vector_load %arg10[%swap3A_142] {strides = array<i32>} : memref<128xf32, #tpu.memory_space<vmem>>, vector<16xf32>,
      tpu.vector_store %arg10[%swap3A_142], %mul3A_141 {strides = array<i32>} : memref<128xf32, #tpu.memory_space<vmem>>, vector<16xf32>,
      %get3A_144 = arith.constant 48 : index
      %get3A_145 = tpu.vector_load %arg6[%get3A_144] {strides = array<i32>} : memref<384xi32, #tpu.memory_space<vmem>>, vector<16xi32>,
      %get3A_146 = arith.constant 176 : index
      %get3A_147 = tpu.vector_load %arg6[%get3A_146] {strides = array<i32>} : memref<384xi32, #tpu.memory_space<vmem>>, vector<16xi32>,
      %get3A_148 = arith.constant 304 : index
      %get3A_149 = tpu.vector_load %arg6[%get3A_148] {strides = array<i32>} : memref<384xi32, #tpu.memory_space<vmem>>, vector<16xi32>,
      %bitcast3A_150 = vector.bitcast %get3A_149 : vector<16xi32> to vector<16xf32>
      %swap3A_151 = arith.constant 48 : index
      %swap3A_152 = tpu.vector_load %arg8[%swap3A_151] {strides = array<i32>} : memref<128xi32, #tpu.memory_space<vmem>>, vector<16xi32>,
      tpu.vector_store %arg8[%swap3A_151], %get3A_147 {strides = array<i32>} : memref<128xi32, #tpu.memory_space<vmem>>, vector<16xi32>,
      %gather3A_153 = tpu.vector_load_idx %arg12[%get3A_145] : memref<10240xf32, #tpu.memory_space<vmem>>[vector<16xi32>], vector<16xf32>,
      %mul3A_154 = arith.mulf %gather3A_153, %bitcast3A_150 : vector<16xf32>
      %gather3A_155 = tpu.vector_load_idx %arg12[%get3A_147] : memref<10240xf32, #tpu.memory_space<vmem>>[vector<16xi32>], vector<16xf32>,
      %mul3A_156 = arith.mulf %mul3A_154, %gather3A_155 : vector<16xf32>
      %swap3A_157 = arith.constant 48 : index
      %swap3A_158 = tpu.vector_load %arg10[%swap3A_157] {strides = array<i32>} : memref<128xf32, #tpu.memory_space<vmem>>, vector<16xf32>,
      tpu.vector_store %arg10[%swap3A_157], %mul3A_156 {strides = array<i32>} : memref<128xf32, #tpu.memory_space<vmem>>, vector<16xf32>,
      %get3A_159 = arith.constant 64 : index
      %get3A_160 = tpu.vector_load %arg6[%get3A_159] {strides = array<i32>} : memref<384xi32, #tpu.memory_space<vmem>>, vector<16xi32>,
      %get3A_161 = arith.constant 192 : index
      %get3A_162 = tpu.vector_load %arg6[%get3A_161] {strides = array<i32>} : memref<384xi32, #tpu.memory_space<vmem>>, vector<16xi32>,
      %get3A_163 = arith.constant 320 : index
      %get3A_164 = tpu.vector_load %arg6[%get3A_163] {strides = array<i32>} : memref<384xi32, #tpu.memory_space<vmem>>, vector<16xi32>,
      %bitcast3A_165 = vector.bitcast %get3A_164 : vector<16xi32> to vector<16xf32>
      %swap3A_166 = arith.constant 64 : index
      %swap3A_167 = tpu.vector_load %arg8[%swap3A_166] {strides = array<i32>} : memref<128xi32, #tpu.memory_space<vmem>>, vector<16xi32>,
      tpu.vector_store %arg8[%swap3A_166], %get3A_162 {strides = array<i32>} : memref<128xi32, #tpu.memory_space<vmem>>, vector<16xi32>,
      %gather3A_168 = tpu.vector_load_idx %arg12[%get3A_160] : memref<10240xf32, #tpu.memory_space<vmem>>[vector<16xi32>], vector<16xf32>,
      %mul3A_169 = arith.mulf %gather3A_168, %bitcast3A_165 : vector<16xf32>
      %gather3A_170 = tpu.vector_load_idx %arg12[%get3A_162] : memref<10240xf32, #tpu.memory_space<vmem>>[vector<16xi32>], vector<16xf32>,
      %mul3A_171 = arith.mulf %mul3A_169, %gather3A_170 : vector<16xf32>
      %swap3A_172 = arith.constant 64 : index
      %swap3A_173 = tpu.vector_load %arg10[%swap3A_172] {strides = array<i32>} : memref<128xf32, #tpu.memory_space<vmem>>, vector<16xf32>,
      tpu.vector_store %arg10[%swap3A_172], %mul3A_171 {strides = array<i32>} : memref<128xf32, #tpu.memory_space<vmem>>, vector<16xf32>,
      %get3A_174 = arith.constant 80 : index
      %get3A_175 = tpu.vector_load %arg6[%get3A_174] {strides = array<i32>} : memref<384xi32, #tpu.memory_space<vmem>>, vector<16xi32>,
      %get3A_176 = arith.constant 208 : index
      %get3A_177 = tpu.vector_load %arg6[%get3A_176] {strides = array<i32>} : memref<384xi32, #tpu.memory_space<vmem>>, vector<16xi32>,
      %get3A_178 = arith.constant 336 : index
      %get3A_179 = tpu.vector_load %arg6[%get3A_178] {strides = array<i32>} : memref<384xi32, #tpu.memory_space<vmem>>, vector<16xi32>,
      %bitcast3A_180 = vector.bitcast %get3A_179 : vector<16xi32> to vector<16xf32>
      %swap3A_181 = arith.constant 80 : index
      %swap3A_182 = tpu.vector_load %arg8[%swap3A_181] {strides = array<i32>} : memref<128xi32, #tpu.memory_space<vmem>>, vector<16xi32>,
      tpu.vector_store %arg8[%swap3A_181], %get3A_177 {strides = array<i32>} : memref<128xi32, #tpu.memory_space<vmem>>, vector<16xi32>,
      %gather3A_183 = tpu.vector_load_idx %arg12[%get3A_175] : memref<10240xf32, #tpu.memory_space<vmem>>[vector<16xi32>], vector<16xf32>,
      %mul3A_184 = arith.mulf %gather3A_183, %bitcast3A_180 : vector<16xf32>
      %gather3A_185 = tpu.vector_load_idx %arg12[%get3A_177] : memref<10240xf32, #tpu.memory_space<vmem>>[vector<16xi32>], vector<16xf32>,
      %mul3A_186 = arith.mulf %mul3A_184, %gather3A_185 : vector<16xf32>
      %swap3A_187 = arith.constant 80 : index
      %swap3A_188 = tpu.vector_load %arg10[%swap3A_187] {strides = array<i32>} : memref<128xf32, #tpu.memory_space<vmem>>, vector<16xf32>,
      tpu.vector_store %arg10[%swap3A_187], %mul3A_186 {strides = array<i32>} : memref<128xf32, #tpu.memory_space<vmem>>, vector<16xf32>,
      %get3A_189 = arith.constant 96 : index
      %get3A_190 = tpu.vector_load %arg6[%get3A_189] {strides = array<i32>} : memref<384xi32, #tpu.memory_space<vmem>>, vector<16xi32>,
      %get3A_191 = arith.constant 224 : index
      %get3A_192 = tpu.vector_load %arg6[%get3A_191] {strides = array<i32>} : memref<384xi32, #tpu.memory_space<vmem>>, vector<16xi32>,
      %get3A_193 = arith.constant 352 : index
      %get3A_194 = tpu.vector_load %arg6[%get3A_193] {strides = array<i32>} : memref<384xi32, #tpu.memory_space<vmem>>, vector<16xi32>,
      %bitcast3A_195 = vector.bitcast %get3A_194 : vector<16xi32> to vector<16xf32>
      %swap3A_196 = arith.constant 96 : index
      %swap3A_197 = tpu.vector_load %arg8[%swap3A_196] {strides = array<i32>} : memref<128xi32, #tpu.memory_space<vmem>>, vector<16xi32>,
      tpu.vector_store %arg8[%swap3A_196], %get3A_192 {strides = array<i32>} : memref<128xi32, #tpu.memory_space<vmem>>, vector<16xi32>,
      %gather3A_198 = tpu.vector_load_idx %arg12[%get3A_190] : memref<10240xf32, #tpu.memory_space<vmem>>[vector<16xi32>], vector<16xf32>,
      %mul3A_199 = arith.mulf %gather3A_198, %bitcast3A_195 : vector<16xf32>
      %gather3A_200 = tpu.vector_load_idx %arg12[%get3A_192] : memref<10240xf32, #tpu.memory_space<vmem>>[vector<16xi32>], vector<16xf32>,
      %mul3A_201 = arith.mulf %mul3A_199, %gather3A_200 : vector<16xf32>
      %swap3A_202 = arith.constant 96 : index
      %swap3A_203 = tpu.vector_load %arg10[%swap3A_202] {strides = array<i32>} : memref<128xf32, #tpu.memory_space<vmem>>, vector<16xf32>,
      tpu.vector_store %arg10[%swap3A_202], %mul3A_201 {strides = array<i32>} : memref<128xf32, #tpu.memory_space<vmem>>, vector<16xf32>,
      %get3A_204 = arith.constant 112 : index
      %get3A_205 = tpu.vector_load %arg6[%get3A_204] {strides = array<i32>} : memref<384xi32, #tpu.memory_space<vmem>>, vector<16xi32>,
      %get3A_206 = arith.constant 240 : index
      %get3A_207 = tpu.vector_load %arg6[%get3A_206] {strides = array<i32>} : memref<384xi32, #tpu.memory_space<vmem>>, vector<16xi32>,
      %get3A_208 = arith.constant 368 : index
      %get3A_209 = tpu.vector_load %arg6[%get3A_208] {strides = array<i32>} : memref<384xi32, #tpu.memory_space<vmem>>, vector<16xi32>,
      %bitcast3A_210 = vector.bitcast %get3A_209 : vector<16xi32> to vector<16xf32>
      %swap3A_211 = arith.constant 112 : index
      %swap3A_212 = tpu.vector_load %arg8[%swap3A_211] {strides = array<i32>} : memref<128xi32, #tpu.memory_space<vmem>>, vector<16xi32>,
      tpu.vector_store %arg8[%swap3A_211], %get3A_207 {strides = array<i32>} : memref<128xi32, #tpu.memory_space<vmem>>, vector<16xi32>,
      %gather3A_213 = tpu.vector_load_idx %arg12[%get3A_205] : memref<10240xf32, #tpu.memory_space<vmem>>[vector<16xi32>], vector<16xf32>,
      %mul3A_214 = arith.mulf %gather3A_213, %bitcast3A_210 : vector<16xf32>
      %gather3A_215 = tpu.vector_load_idx %arg12[%get3A_207] : memref<10240xf32, #tpu.memory_space<vmem>>[vector<16xi32>], vector<16xf32>,
      %mul3A_216 = arith.mulf %mul3A_214, %gather3A_215 : vector<16xf32>
      %swap3A_217 = arith.constant 112 : index
      %swap3A_218 = tpu.vector_load %arg10[%swap3A_217] {strides = array<i32>} : memref<128xf32, #tpu.memory_space<vmem>>, vector<16xf32>,
      tpu.vector_store %arg10[%swap3A_217], %mul3A_216 {strides = array<i32>} : memref<128xf32, #tpu.memory_space<vmem>>, vector<16xf32>,
      %gt3A_219 = arith.constant 0 : i32
      %gt3A_220 = arith.cmpi sgt, %scan3A_76, %gt3A_219 : i32
      %convert_element_type3A_221 = arith.extui %gt3A_220 : i1 to i32
      %cond3A_222 = arith.constant 0 : i32
      %cond3A_223 = arith.cmpi ne, %convert_element_type3A_221, %cond3A_222 : i32
      scf.if %cond3A_223 {
        %dma_wait3A_413 = arith.constant 0 : i32
        %dma_wait3A_414 = arith.constant 0 : i32
        %dma_wait3A_415 = tpu.memref_slice %arg21[%dma_wait3A_413, %dma_wait3A_414] : memref<10240x128xf32, #tpu.memory_space<vmem_shared>> -> memref<10240x128xf32, #tpu.memory_space<vmem_shared>>
        tpu.wait_indirect_dma semaphore(%arg20 : memref<!tpu.dma_semaphore, #tpu.memory_space<semaphore_mem>>) src(%arg15 : memref<128x128xf32, #tpu.memory_space<vmem>>) dst(%dma_wait3A_415 : memref<10240x128xf32, #tpu.memory_space<vmem_shared>>)
      } else {
      }
      %scan3A_224 = arith.constant 0 : i32
      %scan3A_225 = arith.constant 0 : i32
      %scan3A_226 = arith.constant 128 : i32
      %scan3A_227 = arith.addi %scan3A_225, %scan3A_226 : i32
      %scan3A_228 = arith.constant 1 : i32
      %scan3A_229 = scf.for %scan3A_413 = %scan3A_225 to %scan3A_227 step %scan3A_228 iter_args(%scan3A_414 = %scan3A_224) -> (i32)  : i32 {
        %broadcast_in_dim3A = vector.broadcast %scan3A_413 : i32 to vector<16xi32>
        %gather3A_415 = tpu.vector_load_idx %arg10[%broadcast_in_dim3A] : memref<128xf32, #tpu.memory_space<vmem>>[vector<16xi32>], vector<16xf32>,
        %get3A_416 = arith.index_cast %scan3A_413 : i32 to index
        %get3A_417 = arith.constant 0 : index
        %get3A_418 = tpu.vector_load %arg13[%get3A_416, %get3A_417] {strides = array<i32>} : memref<128x64xi32, #tpu.memory_space<vmem>>, vector<16xi32>,
        %shift_left3A = arith.constant 16 : i32
        %shift_left3A_419 = vector.broadcast %shift_left3A : i32 to vector<16xi32>
        %shift_left3A_420 = arith.shli %get3A_418, %shift_left3A_419 : vector<16xi32>
        %bitcast3A_421 = vector.bitcast %shift_left3A_420 : vector<16xi32> to vector<16xf32>
        %mul3A_422 = arith.mulf %bitcast3A_421, %gather3A_415 : vector<16xf32>
        %and3A = arith.constant -65536 : i32
        %and3A_423 = vector.broadcast %and3A : i32 to vector<16xi32>
        %and3A_424 = arith.andi %get3A_418, %and3A_423 : vector<16xi32>
        %bitcast3A_425 = vector.bitcast %and3A_424 : vector<16xi32> to vector<16xf32>
        %mul3A_426 = arith.mulf %bitcast3A_425, %gather3A_415 : vector<16xf32>
        %add3A_427 = arith.constant 0 : i32
        %add3A_428 = vector.broadcast %add3A_427 : i32 to vector<16xi32>
        %add3A_429 = arith.addi %add3A_428, %mul3A_5 : vector<16xi32>
        tpu.vector_store_idx %arg15[%broadcast_in_dim3A, %add3A_429], %mul3A_422 : memref<128x128xf32, #tpu.memory_space<vmem>>[vector<16xi32>, vector<16xi32>], vector<16xf32>,
        %add3A_430 = arith.constant 1 : i32
        %add3A_431 = vector.broadcast %add3A_430 : i32 to vector<16xi32>
        %add3A_432 = arith.addi %add3A_429, %add3A_431 : vector<16xi32>
        tpu.vector_store_idx %arg15[%broadcast_in_dim3A, %add3A_432], %mul3A_426 : memref<128x128xf32, #tpu.memory_space<vmem>>[vector<16xi32>, vector<16xi32>], vector<16xf32>,
        %get3A_433 = arith.index_cast %scan3A_413 : i32 to index
        %get3A_434 = arith.constant 16 : index
        %get3A_435 = tpu.vector_load %arg13[%get3A_433, %get3A_434] {strides = array<i32>} : memref<128x64xi32, #tpu.memory_space<vmem>>, vector<16xi32>,
        %shift_left3A_436 = arith.constant 16 : i32
        %shift_left3A_437 = vector.broadcast %shift_left3A_436 : i32 to vector<16xi32>
        %shift_left3A_438 = arith.shli %get3A_435, %shift_left3A_437 : vector<16xi32>
        %bitcast3A_439 = vector.bitcast %shift_left3A_438 : vector<16xi32> to vector<16xf32>
        %mul3A_440 = arith.mulf %bitcast3A_439, %gather3A_415 : vector<16xf32>
        %and3A_441 = arith.constant -65536 : i32
        %and3A_442 = vector.broadcast %and3A_441 : i32 to vector<16xi32>
        %and3A_443 = arith.andi %get3A_435, %and3A_442 : vector<16xi32>
        %bitcast3A_444 = vector.bitcast %and3A_443 : vector<16xi32> to vector<16xf32>
        %mul3A_445 = arith.mulf %bitcast3A_444, %gather3A_415 : vector<16xf32>
        %add3A_446 = arith.constant 32 : i32
        %add3A_447 = vector.broadcast %add3A_446 : i32 to vector<16xi32>
        %add3A_448 = arith.addi %add3A_447, %mul3A_5 : vector<16xi32>
        tpu.vector_store_idx %arg15[%broadcast_in_dim3A, %add3A_448], %mul3A_440 : memref<128x128xf32, #tpu.memory_space<vmem>>[vector<16xi32>, vector<16xi32>], vector<16xf32>,
        %add3A_449 = arith.constant 1 : i32
        %add3A_450 = vector.broadcast %add3A_449 : i32 to vector<16xi32>
        %add3A_451 = arith.addi %add3A_448, %add3A_450 : vector<16xi32>
        tpu.vector_store_idx %arg15[%broadcast_in_dim3A, %add3A_451], %mul3A_445 : memref<128x128xf32, #tpu.memory_space<vmem>>[vector<16xi32>, vector<16xi32>], vector<16xf32>,
        %get3A_452 = arith.index_cast %scan3A_413 : i32 to index
        %get3A_453 = arith.constant 32 : index
        %get3A_454 = tpu.vector_load %arg13[%get3A_452, %get3A_453] {strides = array<i32>} : memref<128x64xi32, #tpu.memory_space<vmem>>, vector<16xi32>,
        %shift_left3A_455 = arith.constant 16 : i32
        %shift_left3A_456 = vector.broadcast %shift_left3A_455 : i32 to vector<16xi32>
        %shift_left3A_457 = arith.shli %get3A_454, %shift_left3A_456 : vector<16xi32>
        %bitcast3A_458 = vector.bitcast %shift_left3A_457 : vector<16xi32> to vector<16xf32>
        %mul3A_459 = arith.mulf %bitcast3A_458, %gather3A_415 : vector<16xf32>
        %and3A_460 = arith.constant -65536 : i32
        %and3A_461 = vector.broadcast %and3A_460 : i32 to vector<16xi32>
        %and3A_462 = arith.andi %get3A_454, %and3A_461 : vector<16xi32>
        %bitcast3A_463 = vector.bitcast %and3A_462 : vector<16xi32> to vector<16xf32>
        %mul3A_464 = arith.mulf %bitcast3A_463, %gather3A_415 : vector<16xf32>
        %add3A_465 = arith.constant 64 : i32
        %add3A_466 = vector.broadcast %add3A_465 : i32 to vector<16xi32>
        %add3A_467 = arith.addi %add3A_466, %mul3A_5 : vector<16xi32>
        tpu.vector_store_idx %arg15[%broadcast_in_dim3A, %add3A_467], %mul3A_459 : memref<128x128xf32, #tpu.memory_space<vmem>>[vector<16xi32>, vector<16xi32>], vector<16xf32>,
        %add3A_468 = arith.constant 1 : i32
        %add3A_469 = vector.broadcast %add3A_468 : i32 to vector<16xi32>
        %add3A_470 = arith.addi %add3A_467, %add3A_469 : vector<16xi32>
        tpu.vector_store_idx %arg15[%broadcast_in_dim3A, %add3A_470], %mul3A_464 : memref<128x128xf32, #tpu.memory_space<vmem>>[vector<16xi32>, vector<16xi32>], vector<16xf32>,
        %get3A_471 = arith.index_cast %scan3A_413 : i32 to index
        %get3A_472 = arith.constant 48 : index
        %get3A_473 = tpu.vector_load %arg13[%get3A_471, %get3A_472] {strides = array<i32>} : memref<128x64xi32, #tpu.memory_space<vmem>>, vector<16xi32>,
        %shift_left3A_474 = arith.constant 16 : i32
        %shift_left3A_475 = vector.broadcast %shift_left3A_474 : i32 to vector<16xi32>
        %shift_left3A_476 = arith.shli %get3A_473, %shift_left3A_475 : vector<16xi32>
        %bitcast3A_477 = vector.bitcast %shift_left3A_476 : vector<16xi32> to vector<16xf32>
        %mul3A_478 = arith.mulf %bitcast3A_477, %gather3A_415 : vector<16xf32>
        %and3A_479 = arith.constant -65536 : i32
        %and3A_480 = vector.broadcast %and3A_479 : i32 to vector<16xi32>
        %and3A_481 = arith.andi %get3A_473, %and3A_480 : vector<16xi32>
        %bitcast3A_482 = vector.bitcast %and3A_481 : vector<16xi32> to vector<16xf32>
        %mul3A_483 = arith.mulf %bitcast3A_482, %gather3A_415 : vector<16xf32>
        %add3A_484 = arith.constant 96 : i32
        %add3A_485 = vector.broadcast %add3A_484 : i32 to vector<16xi32>
        %add3A_486 = arith.addi %add3A_485, %mul3A_5 : vector<16xi32>
        tpu.vector_store_idx %arg15[%broadcast_in_dim3A, %add3A_486], %mul3A_478 : memref<128x128xf32, #tpu.memory_space<vmem>>[vector<16xi32>, vector<16xi32>], vector<16xf32>,
        %add3A_487 = arith.constant 1 : i32
        %add3A_488 = vector.broadcast %add3A_487 : i32 to vector<16xi32>
        %add3A_489 = arith.addi %add3A_486, %add3A_488 : vector<16xi32>
        tpu.vector_store_idx %arg15[%broadcast_in_dim3A, %add3A_489], %mul3A_483 : memref<128x128xf32, #tpu.memory_space<vmem>>[vector<16xi32>, vector<16xi32>], vector<16xf32>,
        %scan3A_490 = arith.constant 0 : i32
        scf.yield %scan3A_490 : i32
      }
      %scan3A_230 = arith.constant 128 : i32
      %dma_start3A_231 = arith.constant 0 : i32
      %dma_start3A_232 = arith.constant 0 : i32
      %dma_start3A_233 = tpu.memref_slice %arg21[%dma_start3A_231, %dma_start3A_232] : memref<10240x128xf32, #tpu.memory_space<vmem_shared>> -> memref<10240x128xf32, #tpu.memory_space<vmem_shared>>
      tpu.enqueue_indirect_dma source(%arg15 : memref<128x128xf32, #tpu.memory_space<vmem>>) target(%dma_start3A_233 : memref<10240x128xf32, #tpu.memory_space<vmem_shared>>) offsets(%arg8 : memref<128xi32, #tpu.memory_space<vmem>>) semaphore(%arg20 : memref<!tpu.dma_semaphore, #tpu.memory_space<semaphore_mem>>) {add = true}
      %add3A_234 = arith.addi %mul3A_2, %mul3A_79 : i32
      %add3A_235 = arith.constant 2 : i32
      %add3A_236 = arith.addi %add3A_234, %add3A_235 : i32
      %dma_start3A_237 = arith.constant 0 : i32
      %dma_start3A_238 = tpu.memref_slice %arg3[%add3A_236, %dma_start3A_237] : memref<2626x384xi32, #tpu.memory_space<hbm>> -> memref<1x384xi32, #tpu.memory_space<hbm>>
      %dma_start3A_239 = tpu.memref_squeeze %dma_start3A_238 : memref<1x384xi32, #tpu.memory_space<hbm>> -> memref<384xi32, #tpu.memory_space<hbm>>
      %dma_start3A_240 = arith.constant 0 : i32
      %dma_start3A_241 = tpu.memref_slice %arg3[%add3A_236, %dma_start3A_240] : memref<2626x384xi32, #tpu.memory_space<hbm>> -> memref<1x384xi32, #tpu.memory_space<hbm>>
      %dma_start3A_242 = tpu.memref_squeeze %dma_start3A_241 : memref<1x384xi32, #tpu.memory_space<hbm>> -> memref<384xi32, #tpu.memory_space<hbm>>
      tpu.enqueue_dma source(%dma_start3A_242 : memref<384xi32, #tpu.memory_space<hbm>>) target(%arg6 : memref<384xi32, #tpu.memory_space<vmem>>) target_semaphore(%arg16 : memref<!tpu.dma_semaphore, #tpu.memory_space<semaphore_mem>>)
      %dma_wait3A_243 = arith.constant 0 : i32
      %dma_wait3A_244 = tpu.memref_slice %arg3[%mul3A_2, %dma_wait3A_243] : memref<2626x384xi32, #tpu.memory_space<hbm>> -> memref<1x384xi32, #tpu.memory_space<hbm>>
      %dma_wait3A_245 = tpu.memref_squeeze %dma_wait3A_244 : memref<1x384xi32, #tpu.memory_space<hbm>> -> memref<384xi32, #tpu.memory_space<hbm>>
      %dma_wait3A_246 = arith.constant 0 : i32
      %dma_wait3A_247 = tpu.memref_slice %arg3[%mul3A_2, %dma_wait3A_246] : memref<2626x384xi32, #tpu.memory_space<hbm>> -> memref<1x384xi32, #tpu.memory_space<hbm>>
      %dma_wait3A_248 = tpu.memref_squeeze %dma_wait3A_247 : memref<1x384xi32, #tpu.memory_space<hbm>> -> memref<384xi32, #tpu.memory_space<hbm>>
      tpu.wait_dma2 semaphore(%arg16 : memref<!tpu.dma_semaphore, #tpu.memory_space<semaphore_mem>>) src(%dma_wait3A_248 : memref<384xi32, #tpu.memory_space<hbm>>) dst(%arg6 : memref<384xi32, #tpu.memory_space<vmem>>)
      %dma_start3A_249 = arith.constant 0 : i32
      %dma_start3A_250 = arith.constant 0 : i32
      %dma_start3A_251 = tpu.memref_slice %arg13[%dma_start3A_249, %dma_start3A_250] : memref<128x64xi32, #tpu.memory_space<vmem>> -> memref<64x64xi32, #tpu.memory_space<vmem>>
      %dma_start3A_252 = arith.constant 0 : i32
      %dma_start3A_253 = tpu.memref_slice %arg6[%dma_start3A_252] : memref<384xi32, #tpu.memory_space<vmem>> -> memref<64xi32, #tpu.memory_space<vmem>>
      %dma_start3A_254 = arith.constant 0 : i32
      %dma_start3A_255 = arith.constant 0 : i32
      %dma_start3A_256 = tpu.memref_slice %arg2[%dma_start3A_254, %dma_start3A_255] : memref<10240x64xi32, #tpu.memory_space<hbm>> -> memref<10240x64xi32, #tpu.memory_space<hbm>>
      tpu.enqueue_indirect_dma source(%dma_start3A_256 : memref<10240x64xi32, #tpu.memory_space<hbm>>) target(%dma_start3A_251 : memref<64x64xi32, #tpu.memory_space<vmem>>) offsets(%dma_start3A_253 : memref<64xi32, #tpu.memory_space<vmem>>) semaphore(%arg18 : memref<!tpu.dma_semaphore, #tpu.memory_space<semaphore_mem>>)
      %dma_start3A_257 = arith.constant 64 : i32
      %dma_start3A_258 = arith.constant 0 : i32
      %dma_start3A_259 = tpu.memref_slice %arg13[%dma_start3A_257, %dma_start3A_258] : memref<128x64xi32, #tpu.memory_space<vmem>> -> memref<64x64xi32, #tpu.memory_space<vmem>>
      %dma_start3A_260 = arith.constant 64 : i32
      %dma_start3A_261 = tpu.memref_slice %arg6[%dma_start3A_260] : memref<384xi32, #tpu.memory_space<vmem>> -> memref<64xi32, #tpu.memory_space<vmem>>
      %dma_start3A_262 = arith.constant 0 : i32
      %dma_start3A_263 = arith.constant 0 : i32
      %dma_start3A_264 = tpu.memref_slice %arg2[%dma_start3A_262, %dma_start3A_263] : memref<10240x64xi32, #tpu.memory_space<hbm>> -> memref<10240x64xi32, #tpu.memory_space<hbm>>
      tpu.enqueue_indirect_dma source(%dma_start3A_264 : memref<10240x64xi32, #tpu.memory_space<hbm>>) target(%dma_start3A_259 : memref<64x64xi32, #tpu.memory_space<vmem>>) offsets(%dma_start3A_261 : memref<64xi32, #tpu.memory_space<vmem>>) semaphore(%arg18 : memref<!tpu.dma_semaphore, #tpu.memory_space<semaphore_mem>>)
      %dma_wait3A_265 = arith.constant 0 : i32
      %dma_wait3A_266 = tpu.memref_slice %arg7[%dma_wait3A_265] : memref<384xi32, #tpu.memory_space<vmem>> -> memref<128xi32, #tpu.memory_space<vmem>>
      %dma_wait3A_267 = arith.constant 0 : i32
      %dma_wait3A_268 = arith.constant 0 : i32
      %dma_wait3A_269 = tpu.memref_slice %arg2[%dma_wait3A_267, %dma_wait3A_268] : memref<10240x64xi32, #tpu.memory_space<hbm>> -> memref<10240x64xi32, #tpu.memory_space<hbm>>
      tpu.wait_indirect_dma semaphore(%arg19 : memref<!tpu.dma_semaphore, #tpu.memory_space<semaphore_mem>>) src(%dma_wait3A_269 : memref<10240x64xi32, #tpu.memory_space<hbm>>) dst(%arg14 : memref<128x64xi32, #tpu.memory_space<vmem>>)
      %get3A_270 = arith.constant 0 : index
      %get3A_271 = tpu.vector_load %arg7[%get3A_270] {strides = array<i32>} : memref<384xi32, #tpu.memory_space<vmem>>, vector<16xi32>,
      %get3A_272 = arith.constant 128 : index
      %get3A_273 = tpu.vector_load %arg7[%get3A_272] {strides = array<i32>} : memref<384xi32, #tpu.memory_space<vmem>>, vector<16xi32>,
      %get3A_274 = arith.constant 256 : index
      %get3A_275 = tpu.vector_load %arg7[%get3A_274] {strides = array<i32>} : memref<384xi32, #tpu.memory_space<vmem>>, vector<16xi32>,
      %bitcast3A_276 = vector.bitcast %get3A_275 : vector<16xi32> to vector<16xf32>
      %swap3A_277 = arith.constant 0 : index
      %swap3A_278 = tpu.vector_load %arg9[%swap3A_277] {strides = array<i32>} : memref<128xi32, #tpu.memory_space<vmem>>, vector<16xi32>,
      tpu.vector_store %arg9[%swap3A_277], %get3A_273 {strides = array<i32>} : memref<128xi32, #tpu.memory_space<vmem>>, vector<16xi32>,
      %gather3A_279 = tpu.vector_load_idx %arg12[%get3A_271] : memref<10240xf32, #tpu.memory_space<vmem>>[vector<16xi32>], vector<16xf32>,
      %mul3A_280 = arith.mulf %gather3A_279, %bitcast3A_276 : vector<16xf32>
      %gather3A_281 = tpu.vector_load_idx %arg12[%get3A_273] : memref<10240xf32, #tpu.memory_space<vmem>>[vector<16xi32>], vector<16xf32>,
      %mul3A_282 = arith.mulf %mul3A_280, %gather3A_281 : vector<16xf32>
      %swap3A_283 = arith.constant 0 : index
      %swap3A_284 = tpu.vector_load %arg11[%swap3A_283] {strides = array<i32>} : memref<128xf32, #tpu.memory_space<vmem>>, vector<16xf32>,
      tpu.vector_store %arg11[%swap3A_283], %mul3A_282 {strides = array<i32>} : memref<128xf32, #tpu.memory_space<vmem>>, vector<16xf32>,
      %get3A_285 = arith.constant 16 : index
      %get3A_286 = tpu.vector_load %arg7[%get3A_285] {strides = array<i32>} : memref<384xi32, #tpu.memory_space<vmem>>, vector<16xi32>,
      %get3A_287 = arith.constant 144 : index
      %get3A_288 = tpu.vector_load %arg7[%get3A_287] {strides = array<i32>} : memref<384xi32, #tpu.memory_space<vmem>>, vector<16xi32>,
      %get3A_289 = arith.constant 272 : index
      %get3A_290 = tpu.vector_load %arg7[%get3A_289] {strides = array<i32>} : memref<384xi32, #tpu.memory_space<vmem>>, vector<16xi32>,
      %bitcast3A_291 = vector.bitcast %get3A_290 : vector<16xi32> to vector<16xf32>
      %swap3A_292 = arith.constant 16 : index
      %swap3A_293 = tpu.vector_load %arg9[%swap3A_292] {strides = array<i32>} : memref<128xi32, #tpu.memory_space<vmem>>, vector<16xi32>,
      tpu.vector_store %arg9[%swap3A_292], %get3A_288 {strides = array<i32>} : memref<128xi32, #tpu.memory_space<vmem>>, vector<16xi32>,
      %gather3A_294 = tpu.vector_load_idx %arg12[%get3A_286] : memref<10240xf32, #tpu.memory_space<vmem>>[vector<16xi32>], vector<16xf32>,
      %mul3A_295 = arith.mulf %gather3A_294, %bitcast3A_291 : vector<16xf32>
      %gather3A_296 = tpu.vector_load_idx %arg12[%get3A_288] : memref<10240xf32, #tpu.memory_space<vmem>>[vector<16xi32>], vector<16xf32>,
      %mul3A_297 = arith.mulf %mul3A_295, %gather3A_296 : vector<16xf32>
      %swap3A_298 = arith.constant 16 : index
      %swap3A_299 = tpu.vector_load %arg11[%swap3A_298] {strides = array<i32>} : memref<128xf32, #tpu.memory_space<vmem>>, vector<16xf32>,
      tpu.vector_store %arg11[%swap3A_298], %mul3A_297 {strides = array<i32>} : memref<128xf32, #tpu.memory_space<vmem>>, vector<16xf32>,
      %get3A_300 = arith.constant 32 : index
      %get3A_301 = tpu.vector_load %arg7[%get3A_300] {strides = array<i32>} : memref<384xi32, #tpu.memory_space<vmem>>, vector<16xi32>,
      %get3A_302 = arith.constant 160 : index
      %get3A_303 = tpu.vector_load %arg7[%get3A_302] {strides = array<i32>} : memref<384xi32, #tpu.memory_space<vmem>>, vector<16xi32>,
      %get3A_304 = arith.constant 288 : index
      %get3A_305 = tpu.vector_load %arg7[%get3A_304] {strides = array<i32>} : memref<384xi32, #tpu.memory_space<vmem>>, vector<16xi32>,
      %bitcast3A_306 = vector.bitcast %get3A_305 : vector<16xi32> to vector<16xf32>
      %swap3A_307 = arith.constant 32 : index
      %swap3A_308 = tpu.vector_load %arg9[%swap3A_307] {strides = array<i32>} : memref<128xi32, #tpu.memory_space<vmem>>, vector<16xi32>,
      tpu.vector_store %arg9[%swap3A_307], %get3A_303 {strides = array<i32>} : memref<128xi32, #tpu.memory_space<vmem>>, vector<16xi32>,
      %gather3A_309 = tpu.vector_load_idx %arg12[%get3A_301] : memref<10240xf32, #tpu.memory_space<vmem>>[vector<16xi32>], vector<16xf32>,
      %mul3A_310 = arith.mulf %gather3A_309, %bitcast3A_306 : vector<16xf32>
      %gather3A_311 = tpu.vector_load_idx %arg12[%get3A_303] : memref<10240xf32, #tpu.memory_space<vmem>>[vector<16xi32>], vector<16xf32>,
      %mul3A_312 = arith.mulf %mul3A_310, %gather3A_311 : vector<16xf32>
      %swap3A_313 = arith.constant 32 : index
      %swap3A_314 = tpu.vector_load %arg11[%swap3A_313] {strides = array<i32>} : memref<128xf32, #tpu.memory_space<vmem>>, vector<16xf32>,
      tpu.vector_store %arg11[%swap3A_313], %mul3A_312 {strides = array<i32>} : memref<128xf32, #tpu.memory_space<vmem>>, vector<16xf32>,
      %get3A_315 = arith.constant 48 : index
      %get3A_316 = tpu.vector_load %arg7[%get3A_315] {strides = array<i32>} : memref<384xi32, #tpu.memory_space<vmem>>, vector<16xi32>,
      %get3A_317 = arith.constant 176 : index
      %get3A_318 = tpu.vector_load %arg7[%get3A_317] {strides = array<i32>} : memref<384xi32, #tpu.memory_space<vmem>>, vector<16xi32>,
      %get3A_319 = arith.constant 304 : index
      %get3A_320 = tpu.vector_load %arg7[%get3A_319] {strides = array<i32>} : memref<384xi32, #tpu.memory_space<vmem>>, vector<16xi32>,
      %bitcast3A_321 = vector.bitcast %get3A_320 : vector<16xi32> to vector<16xf32>
      %swap3A_322 = arith.constant 48 : index
      %swap3A_323 = tpu.vector_load %arg9[%swap3A_322] {strides = array<i32>} : memref<128xi32, #tpu.memory_space<vmem>>, vector<16xi32>,
      tpu.vector_store %arg9[%swap3A_322], %get3A_318 {strides = array<i32>} : memref<128xi32, #tpu.memory_space<vmem>>, vector<16xi32>,
      %gather3A_324 = tpu.vector_load_idx %arg12[%get3A_316] : memref<10240xf32, #tpu.memory_space<vmem>>[vector<16xi32>], vector<16xf32>,
      %mul3A_325 = arith.mulf %gather3A_324, %bitcast3A_321 : vector<16xf32>
      %gather3A_326 = tpu.vector_load_idx %arg12[%get3A_318] : memref<10240xf32, #tpu.memory_space<vmem>>[vector<16xi32>], vector<16xf32>,
      %mul3A_327 = arith.mulf %mul3A_325, %gather3A_326 : vector<16xf32>
      %swap3A_328 = arith.constant 48 : index
      %swap3A_329 = tpu.vector_load %arg11[%swap3A_328] {strides = array<i32>} : memref<128xf32, #tpu.memory_space<vmem>>, vector<16xf32>,
      tpu.vector_store %arg11[%swap3A_328], %mul3A_327 {strides = array<i32>} : memref<128xf32, #tpu.memory_space<vmem>>, vector<16xf32>,
      %get3A_330 = arith.constant 64 : index
      %get3A_331 = tpu.vector_load %arg7[%get3A_330] {strides = array<i32>} : memref<384xi32, #tpu.memory_space<vmem>>, vector<16xi32>,
      %get3A_332 = arith.constant 192 : index
      %get3A_333 = tpu.vector_load %arg7[%get3A_332] {strides = array<i32>} : memref<384xi32, #tpu.memory_space<vmem>>, vector<16xi32>,
      %get3A_334 = arith.constant 320 : index
      %get3A_335 = tpu.vector_load %arg7[%get3A_334] {strides = array<i32>} : memref<384xi32, #tpu.memory_space<vmem>>, vector<16xi32>,
      %bitcast3A_336 = vector.bitcast %get3A_335 : vector<16xi32> to vector<16xf32>
      %swap3A_337 = arith.constant 64 : index
      %swap3A_338 = tpu.vector_load %arg9[%swap3A_337] {strides = array<i32>} : memref<128xi32, #tpu.memory_space<vmem>>, vector<16xi32>,
      tpu.vector_store %arg9[%swap3A_337], %get3A_333 {strides = array<i32>} : memref<128xi32, #tpu.memory_space<vmem>>, vector<16xi32>,
      %gather3A_339 = tpu.vector_load_idx %arg12[%get3A_331] : memref<10240xf32, #tpu.memory_space<vmem>>[vector<16xi32>], vector<16xf32>,
      %mul3A_340 = arith.mulf %gather3A_339, %bitcast3A_336 : vector<16xf32>
      %gather3A_341 = tpu.vector_load_idx %arg12[%get3A_333] : memref<10240xf32, #tpu.memory_space<vmem>>[vector<16xi32>], vector<16xf32>,
      %mul3A_342 = arith.mulf %mul3A_340, %gather3A_341 : vector<16xf32>
      %swap3A_343 = arith.constant 64 : index
      %swap3A_344 = tpu.vector_load %arg11[%swap3A_343] {strides = array<i32>} : memref<128xf32, #tpu.memory_space<vmem>>, vector<16xf32>,
      tpu.vector_store %arg11[%swap3A_343], %mul3A_342 {strides = array<i32>} : memref<128xf32, #tpu.memory_space<vmem>>, vector<16xf32>,
      %get3A_345 = arith.constant 80 : index
      %get3A_346 = tpu.vector_load %arg7[%get3A_345] {strides = array<i32>} : memref<384xi32, #tpu.memory_space<vmem>>, vector<16xi32>,
      %get3A_347 = arith.constant 208 : index
      %get3A_348 = tpu.vector_load %arg7[%get3A_347] {strides = array<i32>} : memref<384xi32, #tpu.memory_space<vmem>>, vector<16xi32>,
      %get3A_349 = arith.constant 336 : index
      %get3A_350 = tpu.vector_load %arg7[%get3A_349] {strides = array<i32>} : memref<384xi32, #tpu.memory_space<vmem>>, vector<16xi32>,
      %bitcast3A_351 = vector.bitcast %get3A_350 : vector<16xi32> to vector<16xf32>
      %swap3A_352 = arith.constant 80 : index
      %swap3A_353 = tpu.vector_load %arg9[%swap3A_352] {strides = array<i32>} : memref<128xi32, #tpu.memory_space<vmem>>, vector<16xi32>,
      tpu.vector_store %arg9[%swap3A_352], %get3A_348 {strides = array<i32>} : memref<128xi32, #tpu.memory_space<vmem>>, vector<16xi32>,
      %gather3A_354 = tpu.vector_load_idx %arg12[%get3A_346] : memref<10240xf32, #tpu.memory_space<vmem>>[vector<16xi32>], vector<16xf32>,
      %mul3A_355 = arith.mulf %gather3A_354, %bitcast3A_351 : vector<16xf32>
      %gather3A_356 = tpu.vector_load_idx %arg12[%get3A_348] : memref<10240xf32, #tpu.memory_space<vmem>>[vector<16xi32>], vector<16xf32>,
      %mul3A_357 = arith.mulf %mul3A_355, %gather3A_356 : vector<16xf32>
      %swap3A_358 = arith.constant 80 : index
      %swap3A_359 = tpu.vector_load %arg11[%swap3A_358] {strides = array<i32>} : memref<128xf32, #tpu.memory_space<vmem>>, vector<16xf32>,
      tpu.vector_store %arg11[%swap3A_358], %mul3A_357 {strides = array<i32>} : memref<128xf32, #tpu.memory_space<vmem>>, vector<16xf32>,
      %get3A_360 = arith.constant 96 : index
      %get3A_361 = tpu.vector_load %arg7[%get3A_360] {strides = array<i32>} : memref<384xi32, #tpu.memory_space<vmem>>, vector<16xi32>,
      %get3A_362 = arith.constant 224 : index
      %get3A_363 = tpu.vector_load %arg7[%get3A_362] {strides = array<i32>} : memref<384xi32, #tpu.memory_space<vmem>>, vector<16xi32>,
      %get3A_364 = arith.constant 352 : index
      %get3A_365 = tpu.vector_load %arg7[%get3A_364] {strides = array<i32>} : memref<384xi32, #tpu.memory_space<vmem>>, vector<16xi32>,
      %bitcast3A_366 = vector.bitcast %get3A_365 : vector<16xi32> to vector<16xf32>
      %swap3A_367 = arith.constant 96 : index
      %swap3A_368 = tpu.vector_load %arg9[%swap3A_367] {strides = array<i32>} : memref<128xi32, #tpu.memory_space<vmem>>, vector<16xi32>,
      tpu.vector_store %arg9[%swap3A_367], %get3A_363 {strides = array<i32>} : memref<128xi32, #tpu.memory_space<vmem>>, vector<16xi32>,
      %gather3A_369 = tpu.vector_load_idx %arg12[%get3A_361] : memref<10240xf32, #tpu.memory_space<vmem>>[vector<16xi32>], vector<16xf32>,
      %mul3A_370 = arith.mulf %gather3A_369, %bitcast3A_366 : vector<16xf32>
      %gather3A_371 = tpu.vector_load_idx %arg12[%get3A_363] : memref<10240xf32, #tpu.memory_space<vmem>>[vector<16xi32>], vector<16xf32>,
      %mul3A_372 = arith.mulf %mul3A_370, %gather3A_371 : vector<16xf32>
      %swap3A_373 = arith.constant 96 : index
      %swap3A_374 = tpu.vector_load %arg11[%swap3A_373] {strides = array<i32>} : memref<128xf32, #tpu.memory_space<vmem>>, vector<16xf32>,
      tpu.vector_store %arg11[%swap3A_373], %mul3A_372 {strides = array<i32>} : memref<128xf32, #tpu.memory_space<vmem>>, vector<16xf32>,
      %get3A_375 = arith.constant 112 : index
      %get3A_376 = tpu.vector_load %arg7[%get3A_375] {strides = array<i32>} : memref<384xi32, #tpu.memory_space<vmem>>, vector<16xi32>,
      %get3A_377 = arith.constant 240 : index
      %get3A_378 = tpu.vector_load %arg7[%get3A_377] {strides = array<i32>} : memref<384xi32, #tpu.memory_space<vmem>>, vector<16xi32>,
      %get3A_379 = arith.constant 368 : index
      %get3A_380 = tpu.vector_load %arg7[%get3A_379] {strides = array<i32>} : memref<384xi32, #tpu.memory_space<vmem>>, vector<16xi32>,
      %bitcast3A_381 = vector.bitcast %get3A_380 : vector<16xi32> to vector<16xf32>
      %swap3A_382 = arith.constant 112 : index
      %swap3A_383 = tpu.vector_load %arg9[%swap3A_382] {strides = array<i32>} : memref<128xi32, #tpu.memory_space<vmem>>, vector<16xi32>,
      tpu.vector_store %arg9[%swap3A_382], %get3A_378 {strides = array<i32>} : memref<128xi32, #tpu.memory_space<vmem>>, vector<16xi32>,
      %gather3A_384 = tpu.vector_load_idx %arg12[%get3A_376] : memref<10240xf32, #tpu.memory_space<vmem>>[vector<16xi32>], vector<16xf32>,
      %mul3A_385 = arith.mulf %gather3A_384, %bitcast3A_381 : vector<16xf32>
      %gather3A_386 = tpu.vector_load_idx %arg12[%get3A_378] : memref<10240xf32, #tpu.memory_space<vmem>>[vector<16xi32>], vector<16xf32>,
      %mul3A_387 = arith.mulf %mul3A_385, %gather3A_386 : vector<16xf32>
      %swap3A_388 = arith.constant 112 : index
      %swap3A_389 = tpu.vector_load %arg11[%swap3A_388] {strides = array<i32>} : memref<128xf32, #tpu.memory_space<vmem>>, vector<16xf32>,
      tpu.vector_store %arg11[%swap3A_388], %mul3A_387 {strides = array<i32>} : memref<128xf32, #tpu.memory_space<vmem>>, vector<16xf32>,
      %dma_wait3A_390 = arith.constant 0 : i32
      %dma_wait3A_391 = arith.constant 0 : i32
      %dma_wait3A_392 = tpu.memref_slice %arg21[%dma_wait3A_390, %dma_wait3A_391] : memref<10240x128xf32, #tpu.memory_space<vmem_shared>> -> memref<10240x128xf32, #tpu.memory_space<vmem_shared>>
      tpu.wait_indirect_dma semaphore(%arg20 : memref<!tpu.dma_semaphore, #tpu.memory_space<semaphore_mem>>) src(%arg15 : memref<128x128xf32, #tpu.memory_space<vmem>>) dst(%dma_wait3A_392 : memref<10240x128xf32, #tpu.memory_space<vmem_shared>>)
      %scan3A_393 = arith.constant 0 : i32
      %scan3A_394 = arith.constant 0 : i32
      %scan3A_395 = arith.constant 128 : i32
      %scan3A_396 = arith.addi %scan3A_394, %scan3A_395 : i32
      %scan3A_397 = arith.constant 1 : i32
      %scan3A_398 = scf.for %scan3A_413 = %scan3A_394 to %scan3A_396 step %scan3A_397 iter_args(%scan3A_414 = %scan3A_393) -> (i32)  : i32 {
        %broadcast_in_dim3A = vector.broadcast %scan3A_413 : i32 to vector<16xi32>
        %gather3A_415 = tpu.vector_load_idx %arg11[%broadcast_in_dim3A] : memref<128xf32, #tpu.memory_space<vmem>>[vector<16xi32>], vector<16xf32>,
        %get3A_416 = arith.index_cast %scan3A_413 : i32 to index
        %get3A_417 = arith.constant 0 : index
        %get3A_418 = tpu.vector_load %arg14[%get3A_416, %get3A_417] {strides = array<i32>} : memref<128x64xi32, #tpu.memory_space<vmem>>, vector<16xi32>,
        %shift_left3A = arith.constant 16 : i32
        %shift_left3A_419 = vector.broadcast %shift_left3A : i32 to vector<16xi32>
        %shift_left3A_420 = arith.shli %get3A_418, %shift_left3A_419 : vector<16xi32>
        %bitcast3A_421 = vector.bitcast %shift_left3A_420 : vector<16xi32> to vector<16xf32>
        %mul3A_422 = arith.mulf %bitcast3A_421, %gather3A_415 : vector<16xf32>
        %and3A = arith.constant -65536 : i32
        %and3A_423 = vector.broadcast %and3A : i32 to vector<16xi32>
        %and3A_424 = arith.andi %get3A_418, %and3A_423 : vector<16xi32>
        %bitcast3A_425 = vector.bitcast %and3A_424 : vector<16xi32> to vector<16xf32>
        %mul3A_426 = arith.mulf %bitcast3A_425, %gather3A_415 : vector<16xf32>
        %add3A_427 = arith.constant 0 : i32
        %add3A_428 = vector.broadcast %add3A_427 : i32 to vector<16xi32>
        %add3A_429 = arith.addi %add3A_428, %mul3A_5 : vector<16xi32>
        tpu.vector_store_idx %arg15[%broadcast_in_dim3A, %add3A_429], %mul3A_422 : memref<128x128xf32, #tpu.memory_space<vmem>>[vector<16xi32>, vector<16xi32>], vector<16xf32>,
        %add3A_430 = arith.constant 1 : i32
        %add3A_431 = vector.broadcast %add3A_430 : i32 to vector<16xi32>
        %add3A_432 = arith.addi %add3A_429, %add3A_431 : vector<16xi32>
        tpu.vector_store_idx %arg15[%broadcast_in_dim3A, %add3A_432], %mul3A_426 : memref<128x128xf32, #tpu.memory_space<vmem>>[vector<16xi32>, vector<16xi32>], vector<16xf32>,
        %get3A_433 = arith.index_cast %scan3A_413 : i32 to index
        %get3A_434 = arith.constant 16 : index
        %get3A_435 = tpu.vector_load %arg14[%get3A_433, %get3A_434] {strides = array<i32>} : memref<128x64xi32, #tpu.memory_space<vmem>>, vector<16xi32>,
        %shift_left3A_436 = arith.constant 16 : i32
        %shift_left3A_437 = vector.broadcast %shift_left3A_436 : i32 to vector<16xi32>
        %shift_left3A_438 = arith.shli %get3A_435, %shift_left3A_437 : vector<16xi32>
        %bitcast3A_439 = vector.bitcast %shift_left3A_438 : vector<16xi32> to vector<16xf32>
        %mul3A_440 = arith.mulf %bitcast3A_439, %gather3A_415 : vector<16xf32>
        %and3A_441 = arith.constant -65536 : i32
        %and3A_442 = vector.broadcast %and3A_441 : i32 to vector<16xi32>
        %and3A_443 = arith.andi %get3A_435, %and3A_442 : vector<16xi32>
        %bitcast3A_444 = vector.bitcast %and3A_443 : vector<16xi32> to vector<16xf32>
        %mul3A_445 = arith.mulf %bitcast3A_444, %gather3A_415 : vector<16xf32>
        %add3A_446 = arith.constant 32 : i32
        %add3A_447 = vector.broadcast %add3A_446 : i32 to vector<16xi32>
        %add3A_448 = arith.addi %add3A_447, %mul3A_5 : vector<16xi32>
        tpu.vector_store_idx %arg15[%broadcast_in_dim3A, %add3A_448], %mul3A_440 : memref<128x128xf32, #tpu.memory_space<vmem>>[vector<16xi32>, vector<16xi32>], vector<16xf32>,
        %add3A_449 = arith.constant 1 : i32
        %add3A_450 = vector.broadcast %add3A_449 : i32 to vector<16xi32>
        %add3A_451 = arith.addi %add3A_448, %add3A_450 : vector<16xi32>
        tpu.vector_store_idx %arg15[%broadcast_in_dim3A, %add3A_451], %mul3A_445 : memref<128x128xf32, #tpu.memory_space<vmem>>[vector<16xi32>, vector<16xi32>], vector<16xf32>,
        %get3A_452 = arith.index_cast %scan3A_413 : i32 to index
        %get3A_453 = arith.constant 32 : index
        %get3A_454 = tpu.vector_load %arg14[%get3A_452, %get3A_453] {strides = array<i32>} : memref<128x64xi32, #tpu.memory_space<vmem>>, vector<16xi32>,
        %shift_left3A_455 = arith.constant 16 : i32
        %shift_left3A_456 = vector.broadcast %shift_left3A_455 : i32 to vector<16xi32>
        %shift_left3A_457 = arith.shli %get3A_454, %shift_left3A_456 : vector<16xi32>
        %bitcast3A_458 = vector.bitcast %shift_left3A_457 : vector<16xi32> to vector<16xf32>
        %mul3A_459 = arith.mulf %bitcast3A_458, %gather3A_415 : vector<16xf32>
        %and3A_460 = arith.constant -65536 : i32
        %and3A_461 = vector.broadcast %and3A_460 : i32 to vector<16xi32>
        %and3A_462 = arith.andi %get3A_454, %and3A_461 : vector<16xi32>
        %bitcast3A_463 = vector.bitcast %and3A_462 : vector<16xi32> to vector<16xf32>
        %mul3A_464 = arith.mulf %bitcast3A_463, %gather3A_415 : vector<16xf32>
        %add3A_465 = arith.constant 64 : i32
        %add3A_466 = vector.broadcast %add3A_465 : i32 to vector<16xi32>
        %add3A_467 = arith.addi %add3A_466, %mul3A_5 : vector<16xi32>
        tpu.vector_store_idx %arg15[%broadcast_in_dim3A, %add3A_467], %mul3A_459 : memref<128x128xf32, #tpu.memory_space<vmem>>[vector<16xi32>, vector<16xi32>], vector<16xf32>,
        %add3A_468 = arith.constant 1 : i32
        %add3A_469 = vector.broadcast %add3A_468 : i32 to vector<16xi32>
        %add3A_470 = arith.addi %add3A_467, %add3A_469 : vector<16xi32>
        tpu.vector_store_idx %arg15[%broadcast_in_dim3A, %add3A_470], %mul3A_464 : memref<128x128xf32, #tpu.memory_space<vmem>>[vector<16xi32>, vector<16xi32>], vector<16xf32>,
        %get3A_471 = arith.index_cast %scan3A_413 : i32 to index
        %get3A_472 = arith.constant 48 : index
        %get3A_473 = tpu.vector_load %arg14[%get3A_471, %get3A_472] {strides = array<i32>} : memref<128x64xi32, #tpu.memory_space<vmem>>, vector<16xi32>,
        %shift_left3A_474 = arith.constant 16 : i32
        %shift_left3A_475 = vector.broadcast %shift_left3A_474 : i32 to vector<16xi32>
        %shift_left3A_476 = arith.shli %get3A_473, %shift_left3A_475 : vector<16xi32>
        %bitcast3A_477 = vector.bitcast %shift_left3A_476 : vector<16xi32> to vector<16xf32>
        %mul3A_478 = arith.mulf %bitcast3A_477, %gather3A_415 : vector<16xf32>
        %and3A_479 = arith.constant -65536 : i32
        %and3A_480 = vector.broadcast %and3A_479 : i32 to vector<16xi32>
        %and3A_481 = arith.andi %get3A_473, %and3A_480 : vector<16xi32>
        %bitcast3A_482 = vector.bitcast %and3A_481 : vector<16xi32> to vector<16xf32>
        %mul3A_483 = arith.mulf %bitcast3A_482, %gather3A_415 : vector<16xf32>
        %add3A_484 = arith.constant 96 : i32
        %add3A_485 = vector.broadcast %add3A_484 : i32 to vector<16xi32>
        %add3A_486 = arith.addi %add3A_485, %mul3A_5 : vector<16xi32>
        tpu.vector_store_idx %arg15[%broadcast_in_dim3A, %add3A_486], %mul3A_478 : memref<128x128xf32, #tpu.memory_space<vmem>>[vector<16xi32>, vector<16xi32>], vector<16xf32>,
        %add3A_487 = arith.constant 1 : i32
        %add3A_488 = vector.broadcast %add3A_487 : i32 to vector<16xi32>
        %add3A_489 = arith.addi %add3A_486, %add3A_488 : vector<16xi32>
        tpu.vector_store_idx %arg15[%broadcast_in_dim3A, %add3A_489], %mul3A_483 : memref<128x128xf32, #tpu.memory_space<vmem>>[vector<16xi32>, vector<16xi32>], vector<16xf32>,
        %scan3A_490 = arith.constant 0 : i32
        scf.yield %scan3A_490 : i32
      }
      %scan3A_399 = arith.constant 128 : i32
      %dma_start3A_400 = arith.constant 0 : i32
      %dma_start3A_401 = arith.constant 0 : i32
      %dma_start3A_402 = tpu.memref_slice %arg21[%dma_start3A_400, %dma_start3A_401] : memref<10240x128xf32, #tpu.memory_space<vmem_shared>> -> memref<10240x128xf32, #tpu.memory_space<vmem_shared>>
      tpu.enqueue_indirect_dma source(%arg15 : memref<128x128xf32, #tpu.memory_space<vmem>>) target(%dma_start3A_402 : memref<10240x128xf32, #tpu.memory_space<vmem_shared>>) offsets(%arg9 : memref<128xi32, #tpu.memory_space<vmem>>) semaphore(%arg20 : memref<!tpu.dma_semaphore, #tpu.memory_space<semaphore_mem>>) {add = true}
      %add3A_403 = arith.addi %mul3A_2, %mul3A_79 : i32
      %add3A_404 = arith.constant 3 : i32
      %add3A_405 = arith.addi %add3A_403, %add3A_404 : i32
      %dma_start3A_406 = arith.constant 0 : i32
      %dma_start3A_407 = tpu.memref_slice %arg3[%add3A_405, %dma_start3A_406] : memref<2626x384xi32, #tpu.memory_space<hbm>> -> memref<1x384xi32, #tpu.memory_space<hbm>>
      %dma_start3A_408 = tpu.memref_squeeze %dma_start3A_407 : memref<1x384xi32, #tpu.memory_space<hbm>> -> memref<384xi32, #tpu.memory_space<hbm>>
      %dma_start3A_409 = arith.constant 0 : i32
      %dma_start3A_410 = tpu.memref_slice %arg3[%add3A_405, %dma_start3A_409] : memref<2626x384xi32, #tpu.memory_space<hbm>> -> memref<1x384xi32, #tpu.memory_space<hbm>>
      %dma_start3A_411 = tpu.memref_squeeze %dma_start3A_410 : memref<1x384xi32, #tpu.memory_space<hbm>> -> memref<384xi32, #tpu.memory_space<hbm>>
      tpu.enqueue_dma source(%dma_start3A_411 : memref<384xi32, #tpu.memory_space<hbm>>) target(%arg7 : memref<384xi32, #tpu.memory_space<vmem>>) target_semaphore(%arg17 : memref<!tpu.dma_semaphore, #tpu.memory_space<semaphore_mem>>)
      %scan3A_412 = arith.constant 0 : i32
      scf.yield %scan3A_412 : i32
    }
    %scan3A_57 = arith.constant 41 : i32
    %dma_wait3A = arith.constant 0 : i32
    %dma_wait3A_58 = tpu.memref_slice %arg6[%dma_wait3A] : memref<384xi32, #tpu.memory_space<vmem>> -> memref<128xi32, #tpu.memory_space<vmem>>
    %dma_wait3A_59 = arith.constant 0 : i32
    %dma_wait3A_60 = arith.constant 0 : i32
    %dma_wait3A_61 = tpu.memref_slice %arg2[%dma_wait3A_59, %dma_wait3A_60] : memref<10240x64xi32, #tpu.memory_space<hbm>> -> memref<10240x64xi32, #tpu.memory_space<hbm>>
    tpu.wait_indirect_dma semaphore(%arg18 : memref<!tpu.dma_semaphore, #tpu.memory_space<semaphore_mem>>) src(%dma_wait3A_61 : memref<10240x64xi32, #tpu.memory_space<hbm>>) dst(%arg13 : memref<128x64xi32, #tpu.memory_space<vmem>>)
    %dma_wait3A_62 = arith.constant 0 : i32
    %dma_wait3A_63 = tpu.memref_slice %arg3[%mul3A_2, %dma_wait3A_62] : memref<2626x384xi32, #tpu.memory_space<hbm>> -> memref<1x384xi32, #tpu.memory_space<hbm>>
    %dma_wait3A_64 = tpu.memref_squeeze %dma_wait3A_63 : memref<1x384xi32, #tpu.memory_space<hbm>> -> memref<384xi32, #tpu.memory_space<hbm>>
    %dma_wait3A_65 = arith.constant 0 : i32
    %dma_wait3A_66 = tpu.memref_slice %arg3[%mul3A_2, %dma_wait3A_65] : memref<2626x384xi32, #tpu.memory_space<hbm>> -> memref<1x384xi32, #tpu.memory_space<hbm>>
    %dma_wait3A_67 = tpu.memref_squeeze %dma_wait3A_66 : memref<1x384xi32, #tpu.memory_space<hbm>> -> memref<384xi32, #tpu.memory_space<hbm>>
    tpu.wait_dma2 semaphore(%arg17 : memref<!tpu.dma_semaphore, #tpu.memory_space<semaphore_mem>>) src(%dma_wait3A_67 : memref<384xi32, #tpu.memory_space<hbm>>) dst(%arg7 : memref<384xi32, #tpu.memory_space<vmem>>)
    %dma_wait3A_68 = arith.constant 0 : i32
    %dma_wait3A_69 = arith.constant 0 : i32
    %dma_wait3A_70 = tpu.memref_slice %arg21[%dma_wait3A_68, %dma_wait3A_69] : memref<10240x128xf32, #tpu.memory_space<vmem_shared>> -> memref<10240x128xf32, #tpu.memory_space<vmem_shared>>
    tpu.wait_indirect_dma semaphore(%arg20 : memref<!tpu.dma_semaphore, #tpu.memory_space<semaphore_mem>>) src(%arg15 : memref<128x128xf32, #tpu.memory_space<vmem>>) dst(%dma_wait3A_70 : memref<10240x128xf32, #tpu.memory_space<vmem_shared>>)
    %barrier3A_71 = arith.constant 0 : index
    tpu.barrier barrier_id(%barrier3A_71)
    %mul3A_72 = arith.constant 640 : i32
    %mul3A_73 = arith.muli %arg1, %mul3A_72 : i32
    %mul3A_74 = arith.constant 640 : i32
    %mul3A_75 = arith.muli %arg1, %mul3A_74 : i32
    "tpu.region"() ({
      %run_scoped3A = tpu.sem_alloc : memref<!tpu.dma_semaphore, #tpu.memory_space<semaphore_mem>>
      %dma_start3A_76 = arith.constant 0 : i32
      %dma_start3A_77 = arith.constant 0 : i32
      %dma_start3A_78 = tpu.memref_slice %arg5[%arg0, %dma_start3A_76, %dma_start3A_77] : memref<2x10240x128xf32, #tpu.memory_space<hbm>> -> memref<1x10240x128xf32, #tpu.memory_space<hbm>>
      %dma_start3A_79 = tpu.memref_squeeze %dma_start3A_78 : memref<1x10240x128xf32, #tpu.memory_space<hbm>> -> memref<10240x128xf32, #tpu.memory_space<hbm>>
      %dma_start3A_80 = arith.constant 0 : i32
      %dma_start3A_81 = tpu.memref_slice %dma_start3A_79[%mul3A_75, %dma_start3A_80] : memref<10240x128xf32, #tpu.memory_space<hbm>> -> memref<640x128xf32, #tpu.memory_space<hbm>>
      %dma_start3A_82 = arith.constant 0 : i32
      %dma_start3A_83 = tpu.memref_slice %arg21[%mul3A_73, %dma_start3A_82] : memref<10240x128xf32, #tpu.memory_space<vmem_shared>> -> memref<640x128xf32, #tpu.memory_space<vmem_shared>>
      tpu.enqueue_dma source(%dma_start3A_83 : memref<640x128xf32, #tpu.memory_space<vmem_shared>>) target(%dma_start3A_81 : memref<640x128xf32, #tpu.memory_space<hbm>>) target_semaphore(%run_scoped3A : memref<!tpu.dma_semaphore, #tpu.memory_space<semaphore_mem>>)
      %dma_wait3A_84 = arith.constant 0 : i32
      %dma_wait3A_85 = arith.constant 0 : i32
      %dma_wait3A_86 = tpu.memref_slice %arg5[%arg0, %dma_wait3A_84, %dma_wait3A_85] : memref<2x10240x128xf32, #tpu.memory_space<hbm>> -> memref<1x10240x128xf32, #tpu.memory_space<hbm>>
      %dma_wait3A_87 = tpu.memref_squeeze %dma_wait3A_86 : memref<1x10240x128xf32, #tpu.memory_space<hbm>> -> memref<10240x128xf32, #tpu.memory_space<hbm>>
      %dma_wait3A_88 = arith.constant 0 : i32
      %dma_wait3A_89 = tpu.memref_slice %dma_wait3A_87[%mul3A_75, %dma_wait3A_88] : memref<10240x128xf32, #tpu.memory_space<hbm>> -> memref<640x128xf32, #tpu.memory_space<hbm>>
      %dma_wait3A_90 = arith.constant 0 : i32
      %dma_wait3A_91 = tpu.memref_slice %arg21[%mul3A_73, %dma_wait3A_90] : memref<10240x128xf32, #tpu.memory_space<vmem_shared>> -> memref<640x128xf32, #tpu.memory_space<vmem_shared>>
      tpu.wait_dma2 semaphore(%run_scoped3A : memref<!tpu.dma_semaphore, #tpu.memory_space<semaphore_mem>>) src(%dma_wait3A_91 : memref<640x128xf32, #tpu.memory_space<vmem_shared>>) dst(%dma_wait3A_89 : memref<640x128xf32, #tpu.memory_space<hbm>>)
      tpu.yield
    }) : () -> ()
    return
  }
}

#map = affine_map<(d0, d1) -> (0, 0)>
#map1 = affine_map<(d0, d1) -> (0)>
#map2 = affine_map<(d0, d1) -> (0, 0, 0)>
module attributes {stable_mosaic.version = 14 : i64} {
  func.func @body(%arg0: i32, %arg1: i32, %arg2: memref<10240x64xi32, #tpu.memory_space<hbm>>, %arg3: memref<2626x384xi32, #tpu.memory_space<hbm>>, %arg4: memref<10240xf32, #tpu.memory_space<hbm>>, %arg5: memref<2x10240x128xf32, #tpu.memory_space<hbm>>, %arg6: memref<384xi32, #tpu.memory_space<vmem>>, %arg7: memref<384xi32, #tpu.memory_space<vmem>>, %arg8: memref<128xi32, #tpu.memory_space<vmem>>, %arg9: memref<128xi32, #tpu.memory_space<vmem>>, %arg10: memref<128xf32, #tpu.memory_space<vmem>>, %arg11: memref<128xf32, #tpu.memory_space<vmem>>, %arg12: memref<10240xf32, #tpu.memory_space<vmem>>, %arg13: memref<128x64xi32, #tpu.memory_space<vmem>>, %arg14: memref<128x64xi32, #tpu.memory_space<vmem>>, %arg15: memref<128x128xf32, #tpu.memory_space<vmem>>, %arg16: memref<!tpu.dma_semaphore, #tpu.memory_space<semaphore_mem>>, %arg17: memref<!tpu.dma_semaphore, #tpu.memory_space<semaphore_mem>>, %arg18: memref<!tpu.dma_semaphore, #tpu.memory_space<semaphore_mem>>, %arg19: memref<!tpu.dma_semaphore, #tpu.memory_space<semaphore_mem>>, %arg20: memref<!tpu.dma_semaphore, #tpu.memory_space<semaphore_mem>>, %arg21: memref<10240x128xf32, #tpu.memory_space<vmem_shared>>) attributes {dimension_semantics = [#tpu.dimension_semantics<core_parallel>, #tpu.dimension_semantics<subcore_parallel>], iteration_bounds = array<i64: 2, 16>, scalar_prefetch = 0 : i64, scratch_operands = 16 : i64, tpu.core_type = #tpu.core_type<sc_vector_subcore>, window_params = [{transform_indices = #map}, {transform_indices = #map}, {transform_indices = #map1}, {transform_indices = #map2}]} {
    %mul3A = arith.constant 16 : i32
    %mul3A_0 = arith.muli %arg0, %mul3A : i32
    %add3A = arith.addi %mul3A_0, %arg1 : i32
    %mul3A_1 = arith.constant 82 : i32
    %mul3A_2 = arith.muli %add3A, %mul3A_1 : i32
    %iota3A = tpu.iota {dimensions = array<i32: 0>} : vector<16xi32>
    %mul3A_3 = arith.constant 2 : i32
    %mul3A_4 = vector.broadcast %mul3A_3 : i32 to vector<16xi32>
    %mul3A_5 = arith.muli %iota3A, %mul3A_4 : vector<16xi32>
    %scan3A = arith.constant 0 : i32
    %scan3A_6 = arith.constant 0 : i32
    %scan3A_7 = arith.constant 128 : i32
    %scan3A_8 = arith.addi %scan3A_6, %scan3A_7 : i32
    %scan3A_9 = arith.constant 1 : i32
    %scan3A_10 = scf.for %scan3A_76 = %scan3A_6 to %scan3A_8 step %scan3A_9 iter_args(%scan3A_77 = %scan3A) -> (i32)  : i32 {
      %broadcast_in_dim3A = arith.constant 0.000000e+00 : f32
      %broadcast_in_dim3A_78 = vector.broadcast %broadcast_in_dim3A : f32 to vector<16xf32>
      %swap3A = arith.index_cast %scan3A_76 : i32 to index
      %swap3A_79 = arith.constant 0 : index
      %swap3A_80 = tpu.vector_load %arg15[%swap3A, %swap3A_79] {strides = array<i32>} : memref<128x128xf32, #tpu.memory_space<vmem>>, vector<16xf32>,
      tpu.vector_store %arg15[%swap3A, %swap3A_79], %broadcast_in_dim3A_78 {strides = array<i32>} : memref<128x128xf32, #tpu.memory_space<vmem>>, vector<16xf32>,
      %broadcast_in_dim3A_81 = arith.constant 0.000000e+00 : f32
      %broadcast_in_dim3A_82 = vector.broadcast %broadcast_in_dim3A_81 : f32 to vector<16xf32>
      %swap3A_83 = arith.index_cast %scan3A_76 : i32 to index
      %swap3A_84 = arith.constant 16 : index
      %swap3A_85 = tpu.vector_load %arg15[%swap3A_83, %swap3A_84] {strides = array<i32>} : memref<128x128xf32, #tpu.memory_space<vmem>>, vector<16xf32>,
      tpu.vector_store %arg15[%swap3A_83, %swap3A_84], %broadcast_in_dim3A_82 {strides = array<i32>} : memref<128x128xf32, #tpu.memory_space<vmem>>, vector<16xf32>,
      %broadcast_in_dim3A_86 = arith.constant 0.000000e+00 : f32
      %broadcast_in_dim3A_87 = vector.broadcast %broadcast_in_dim3A_86 : f32 to vector<16xf32>
      %swap3A_88 = arith.index_cast %scan3A_76 : i32 to index
      %swap3A_89 = arith.constant 32 : index
      %swap3A_90 = tpu.vector_load %arg15[%swap3A_88, %swap3A_89] {strides = array<i32>} : memref<128x128xf32, #tpu.memory_space<vmem>>, vector<16xf32>,
      tpu.vector_store %arg15[%swap3A_88, %swap3A_89], %broadcast_in_dim3A_87 {strides = array<i32>} : memref<128x128xf32, #tpu.memory_space<vmem>>, vector<16xf32>,
      %broadcast_in_dim3A_91 = arith.constant 0.000000e+00 : f32
      %broadcast_in_dim3A_92 = vector.broadcast %broadcast_in_dim3A_91 : f32 to vector<16xf32>
      %swap3A_93 = arith.index_cast %scan3A_76 : i32 to index
      %swap3A_94 = arith.constant 48 : index
      %swap3A_95 = tpu.vector_load %arg15[%swap3A_93, %swap3A_94] {strides = array<i32>} : memref<128x128xf32, #tpu.memory_space<vmem>>, vector<16xf32>,
      tpu.vector_store %arg15[%swap3A_93, %swap3A_94], %broadcast_in_dim3A_92 {strides = array<i32>} : memref<128x128xf32, #tpu.memory_space<vmem>>, vector<16xf32>,
      %broadcast_in_dim3A_96 = arith.constant 0.000000e+00 : f32
      %broadcast_in_dim3A_97 = vector.broadcast %broadcast_in_dim3A_96 : f32 to vector<16xf32>
      %swap3A_98 = arith.index_cast %scan3A_76 : i32 to index
      %swap3A_99 = arith.constant 64 : index
      %swap3A_100 = tpu.vector_load %arg15[%swap3A_98, %swap3A_99] {strides = array<i32>} : memref<128x128xf32, #tpu.memory_space<vmem>>, vector<16xf32>,
      tpu.vector_store %arg15[%swap3A_98, %swap3A_99], %broadcast_in_dim3A_97 {strides = array<i32>} : memref<128x128xf32, #tpu.memory_space<vmem>>, vector<16xf32>,
      %broadcast_in_dim3A_101 = arith.constant 0.000000e+00 : f32
      %broadcast_in_dim3A_102 = vector.broadcast %broadcast_in_dim3A_101 : f32 to vector<16xf32>
      %swap3A_103 = arith.index_cast %scan3A_76 : i32 to index
      %swap3A_104 = arith.constant 80 : index
      %swap3A_105 = tpu.vector_load %arg15[%swap3A_103, %swap3A_104] {strides = array<i32>} : memref<128x128xf32, #tpu.memory_space<vmem>>, vector<16xf32>,
      tpu.vector_store %arg15[%swap3A_103, %swap3A_104], %broadcast_in_dim3A_102 {strides = array<i32>} : memref<128x128xf32, #tpu.memory_space<vmem>>, vector<16xf32>,
      %broadcast_in_dim3A_106 = arith.constant 0.000000e+00 : f32
      %broadcast_in_dim3A_107 = vector.broadcast %broadcast_in_dim3A_106 : f32 to vector<16xf32>
      %swap3A_108 = arith.index_cast %scan3A_76 : i32 to index
      %swap3A_109 = arith.constant 96 : index
      %swap3A_110 = tpu.vector_load %arg15[%swap3A_108, %swap3A_109] {strides = array<i32>} : memref<128x128xf32, #tpu.memory_space<vmem>>, vector<16xf32>,
      tpu.vector_store %arg15[%swap3A_108, %swap3A_109], %broadcast_in_dim3A_107 {strides = array<i32>} : memref<128x128xf32, #tpu.memory_space<vmem>>, vector<16xf32>,
      %broadcast_in_dim3A_111 = arith.constant 0.000000e+00 : f32
      %broadcast_in_dim3A_112 = vector.broadcast %broadcast_in_dim3A_111 : f32 to vector<16xf32>
      %swap3A_113 = arith.index_cast %scan3A_76 : i32 to index
      %swap3A_114 = arith.constant 112 : index
      %swap3A_115 = tpu.vector_load %arg15[%swap3A_113, %swap3A_114] {strides = array<i32>} : memref<128x128xf32, #tpu.memory_space<vmem>>, vector<16xf32>,
      tpu.vector_store %arg15[%swap3A_113, %swap3A_114], %broadcast_in_dim3A_112 {strides = array<i32>} : memref<128x128xf32, #tpu.memory_space<vmem>>, vector<16xf32>,
      %scan3A_116 = arith.constant 0 : i32
      scf.yield %scan3A_116 : i32
    }
    %scan3A_11 = arith.constant 128 : i32
    %mul3A_12 = arith.constant 640 : i32
    %mul3A_13 = arith.muli %arg1, %mul3A_12 : i32
    %add3A_14 = arith.constant 0 : i32
    %add3A_15 = arith.addi %mul3A_13, %add3A_14 : i32
    "tpu.region"() ({
      %run_scoped3A = tpu.sem_alloc : memref<!tpu.dma_semaphore, #tpu.memory_space<semaphore_mem>>
      %dma_start3A_76 = arith.constant 0 : i32
      %dma_start3A_77 = tpu.memref_slice %arg21[%add3A_15, %dma_start3A_76] : memref<10240x128xf32, #tpu.memory_space<vmem_shared>> -> memref<128x128xf32, #tpu.memory_space<vmem_shared>>
      %dma_start3A_78 = arith.constant 0 : i32
      %dma_start3A_79 = tpu.memref_slice %arg21[%add3A_15, %dma_start3A_78] : memref<10240x128xf32, #tpu.memory_space<vmem_shared>> -> memref<128x128xf32, #tpu.memory_space<vmem_shared>>
      tpu.enqueue_dma source(%arg15 : memref<128x128xf32, #tpu.memory_space<vmem>>) target(%dma_start3A_79 : memref<128x128xf32, #tpu.memory_space<vmem_shared>>) target_semaphore(%run_scoped3A : memref<!tpu.dma_semaphore, #tpu.memory_space<semaphore_mem>>)
      %dma_wait3A_80 = arith.constant 0 : i32
      %dma_wait3A_81 = tpu.memref_slice %arg21[%add3A_15, %dma_wait3A_80] : memref<10240x128xf32, #tpu.memory_space<vmem_shared>> -> memref<128x128xf32, #tpu.memory_space<vmem_shared>>
      %dma_wait3A_82 = arith.constant 0 : i32
      %dma_wait3A_83 = tpu.memref_slice %arg21[%add3A_15, %dma_wait3A_82] : memref<10240x128xf32, #tpu.memory_space<vmem_shared>> -> memref<128x128xf32, #tpu.memory_space<vmem_shared>>
      tpu.wait_dma2 semaphore(%run_scoped3A : memref<!tpu.dma_semaphore, #tpu.memory_space<semaphore_mem>>) src(%arg15 : memref<128x128xf32, #tpu.memory_space<vmem>>) dst(%dma_wait3A_83 : memref<128x128xf32, #tpu.memory_space<vmem_shared>>)
      tpu.yield
    }) : () -> ()
    %mul3A_16 = arith.constant 640 : i32
    %mul3A_17 = arith.muli %arg1, %mul3A_16 : i32
    %add3A_18 = arith.constant 128 : i32
    %add3A_19 = arith.addi %mul3A_17, %add3A_18 : i32
    "tpu.region"() ({
      %run_scoped3A = tpu.sem_alloc : memref<!tpu.dma_semaphore, #tpu.memory_space<semaphore_mem>>
      %dma_start3A_76 = arith.constant 0 : i32
      %dma_start3A_77 = tpu.memref_slice %arg21[%add3A_19, %dma_start3A_76] : memref<10240x128xf32, #tpu.memory_space<vmem_shared>> -> memref<128x128xf32, #tpu.memory_space<vmem_shared>>
      %dma_start3A_78 = arith.constant 0 : i32
      %dma_start3A_79 = tpu.memref_slice %arg21[%add3A_19, %dma_start3A_78] : memref<10240x128xf32, #tpu.memory_space<vmem_shared>> -> memref<128x128xf32, #tpu.memory_space<vmem_shared>>
      tpu.enqueue_dma source(%arg15 : memref<128x128xf32, #tpu.memory_space<vmem>>) target(%dma_start3A_79 : memref<128x128xf32, #tpu.memory_space<vmem_shared>>) target_semaphore(%run_scoped3A : memref<!tpu.dma_semaphore, #tpu.memory_space<semaphore_mem>>)
      %dma_wait3A_80 = arith.constant 0 : i32
      %dma_wait3A_81 = tpu.memref_slice %arg21[%add3A_19, %dma_wait3A_80] : memref<10240x128xf32, #tpu.memory_space<vmem_shared>> -> memref<128x128xf32, #tpu.memory_space<vmem_shared>>
      %dma_wait3A_82 = arith.constant 0 : i32
      %dma_wait3A_83 = tpu.memref_slice %arg21[%add3A_19, %dma_wait3A_82] : memref<10240x128xf32, #tpu.memory_space<vmem_shared>> -> memref<128x128xf32, #tpu.memory_space<vmem_shared>>
      tpu.wait_dma2 semaphore(%run_scoped3A : memref<!tpu.dma_semaphore, #tpu.memory_space<semaphore_mem>>) src(%arg15 : memref<128x128xf32, #tpu.memory_space<vmem>>) dst(%dma_wait3A_83 : memref<128x128xf32, #tpu.memory_space<vmem_shared>>)
      tpu.yield
    }) : () -> ()
    %mul3A_20 = arith.constant 640 : i32
    %mul3A_21 = arith.muli %arg1, %mul3A_20 : i32
    %add3A_22 = arith.constant 256 : i32
    %add3A_23 = arith.addi %mul3A_21, %add3A_22 : i32
    "tpu.region"() ({
      %run_scoped3A = tpu.sem_alloc : memref<!tpu.dma_semaphore, #tpu.memory_space<semaphore_mem>>
      %dma_start3A_76 = arith.constant 0 : i32
      %dma_start3A_77 = tpu.memref_slice %arg21[%add3A_23, %dma_start3A_76] : memref<10240x128xf32, #tpu.memory_space<vmem_shared>> -> memref<128x128xf32, #tpu.memory_space<vmem_shared>>
      %dma_start3A_78 = arith.constant 0 : i32
      %dma_start3A_79 = tpu.memref_slice %arg21[%add3A_23, %dma_start3A_78] : memref<10240x128xf32, #tpu.memory_space<vmem_shared>> -> memref<128x128xf32, #tpu.memory_space<vmem_shared>>
      tpu.enqueue_dma source(%arg15 : memref<128x128xf32, #tpu.memory_space<vmem>>) target(%dma_start3A_79 : memref<128x128xf32, #tpu.memory_space<vmem_shared>>) target_semaphore(%run_scoped3A : memref<!tpu.dma_semaphore, #tpu.memory_space<semaphore_mem>>)
      %dma_wait3A_80 = arith.constant 0 : i32
      %dma_wait3A_81 = tpu.memref_slice %arg21[%add3A_23, %dma_wait3A_80] : memref<10240x128xf32, #tpu.memory_space<vmem_shared>> -> memref<128x128xf32, #tpu.memory_space<vmem_shared>>
      %dma_wait3A_82 = arith.constant 0 : i32
      %dma_wait3A_83 = tpu.memref_slice %arg21[%add3A_23, %dma_wait3A_82] : memref<10240x128xf32, #tpu.memory_space<vmem_shared>> -> memref<128x128xf32, #tpu.memory_space<vmem_shared>>
      tpu.wait_dma2 semaphore(%run_scoped3A : memref<!tpu.dma_semaphore, #tpu.memory_space<semaphore_mem>>) src(%arg15 : memref<128x128xf32, #tpu.memory_space<vmem>>) dst(%dma_wait3A_83 : memref<128x128xf32, #tpu.memory_space<vmem_shared>>)
      tpu.yield
    }) : () -> ()
    %mul3A_24 = arith.constant 640 : i32
    %mul3A_25 = arith.muli %arg1, %mul3A_24 : i32
    %add3A_26 = arith.constant 384 : i32
    %add3A_27 = arith.addi %mul3A_25, %add3A_26 : i32
    "tpu.region"() ({
      %run_scoped3A = tpu.sem_alloc : memref<!tpu.dma_semaphore, #tpu.memory_space<semaphore_mem>>
      %dma_start3A_76 = arith.constant 0 : i32
      %dma_start3A_77 = tpu.memref_slice %arg21[%add3A_27, %dma_start3A_76] : memref<10240x128xf32, #tpu.memory_space<vmem_shared>> -> memref<128x128xf32, #tpu.memory_space<vmem_shared>>
      %dma_start3A_78 = arith.constant 0 : i32
      %dma_start3A_79 = tpu.memref_slice %arg21[%add3A_27, %dma_start3A_78] : memref<10240x128xf32, #tpu.memory_space<vmem_shared>> -> memref<128x128xf32, #tpu.memory_space<vmem_shared>>
      tpu.enqueue_dma source(%arg15 : memref<128x128xf32, #tpu.memory_space<vmem>>) target(%dma_start3A_79 : memref<128x128xf32, #tpu.memory_space<vmem_shared>>) target_semaphore(%run_scoped3A : memref<!tpu.dma_semaphore, #tpu.memory_space<semaphore_mem>>)
      %dma_wait3A_80 = arith.constant 0 : i32
      %dma_wait3A_81 = tpu.memref_slice %arg21[%add3A_27, %dma_wait3A_80] : memref<10240x128xf32, #tpu.memory_space<vmem_shared>> -> memref<128x128xf32, #tpu.memory_space<vmem_shared>>
      %dma_wait3A_82 = arith.constant 0 : i32
      %dma_wait3A_83 = tpu.memref_slice %arg21[%add3A_27, %dma_wait3A_82] : memref<10240x128xf32, #tpu.memory_space<vmem_shared>> -> memref<128x128xf32, #tpu.memory_space<vmem_shared>>
      tpu.wait_dma2 semaphore(%run_scoped3A : memref<!tpu.dma_semaphore, #tpu.memory_space<semaphore_mem>>) src(%arg15 : memref<128x128xf32, #tpu.memory_space<vmem>>) dst(%dma_wait3A_83 : memref<128x128xf32, #tpu.memory_space<vmem_shared>>)
      tpu.yield
    }) : () -> ()
    %mul3A_28 = arith.constant 640 : i32
    %mul3A_29 = arith.muli %arg1, %mul3A_28 : i32
    %add3A_30 = arith.constant 512 : i32
    %add3A_31 = arith.addi %mul3A_29, %add3A_30 : i32
    "tpu.region"() ({
      %run_scoped3A = tpu.sem_alloc : memref<!tpu.dma_semaphore, #tpu.memory_space<semaphore_mem>>
      %dma_start3A_76 = arith.constant 0 : i32
      %dma_start3A_77 = tpu.memref_slice %arg21[%add3A_31, %dma_start3A_76] : memref<10240x128xf32, #tpu.memory_space<vmem_shared>> -> memref<128x128xf32, #tpu.memory_space<vmem_shared>>
      %dma_start3A_78 = arith.constant 0 : i32
      %dma_start3A_79 = tpu.memref_slice %arg21[%add3A_31, %dma_start3A_78] : memref<10240x128xf32, #tpu.memory_space<vmem_shared>> -> memref<128x128xf32, #tpu.memory_space<vmem_shared>>
      tpu.enqueue_dma source(%arg15 : memref<128x128xf32, #tpu.memory_space<vmem>>) target(%dma_start3A_79 : memref<128x128xf32, #tpu.memory_space<vmem_shared>>) target_semaphore(%run_scoped3A : memref<!tpu.dma_semaphore, #tpu.memory_space<semaphore_mem>>)
      %dma_wait3A_80 = arith.constant 0 : i32
      %dma_wait3A_81 = tpu.memref_slice %arg21[%add3A_31, %dma_wait3A_80] : memref<10240x128xf32, #tpu.memory_space<vmem_shared>> -> memref<128x128xf32, #tpu.memory_space<vmem_shared>>
      %dma_wait3A_82 = arith.constant 0 : i32
      %dma_wait3A_83 = tpu.memref_slice %arg21[%add3A_31, %dma_wait3A_82] : memref<10240x128xf32, #tpu.memory_space<vmem_shared>> -> memref<128x128xf32, #tpu.memory_space<vmem_shared>>
      tpu.wait_dma2 semaphore(%run_scoped3A : memref<!tpu.dma_semaphore, #tpu.memory_space<semaphore_mem>>) src(%arg15 : memref<128x128xf32, #tpu.memory_space<vmem>>) dst(%dma_wait3A_83 : memref<128x128xf32, #tpu.memory_space<vmem_shared>>)
      tpu.yield
    }) : () -> ()
    "tpu.region"() ({
      %run_scoped3A = tpu.sem_alloc : memref<!tpu.dma_semaphore, #tpu.memory_space<semaphore_mem>>
      tpu.enqueue_dma source(%arg4 : memref<10240xf32, #tpu.memory_space<hbm>>) target(%arg12 : memref<10240xf32, #tpu.memory_space<vmem>>) target_semaphore(%run_scoped3A : memref<!tpu.dma_semaphore, #tpu.memory_space<semaphore_mem>>)
      tpu.wait_dma2 semaphore(%run_scoped3A : memref<!tpu.dma_semaphore, #tpu.memory_space<semaphore_mem>>) src(%arg4 : memref<10240xf32, #tpu.memory_space<hbm>>) dst(%arg12 : memref<10240xf32, #tpu.memory_space<vmem>>)
      tpu.yield
    }) : () -> ()
    %barrier3A = arith.constant 0 : index
    tpu.barrier barrier_id(%barrier3A)
    %add3A_32 = arith.constant 0 : i32
    %add3A_33 = arith.addi %mul3A_2, %add3A_32 : i32
    "tpu.region"() ({
      %run_scoped3A = tpu.sem_alloc : memref<!tpu.dma_semaphore, #tpu.memory_space<semaphore_mem>>
      %dma_start3A_76 = arith.constant 0 : i32
      %dma_start3A_77 = tpu.memref_slice %arg3[%add3A_33, %dma_start3A_76] : memref<2626x384xi32, #tpu.memory_space<hbm>> -> memref<1x384xi32, #tpu.memory_space<hbm>>
      %dma_start3A_78 = tpu.memref_squeeze %dma_start3A_77 : memref<1x384xi32, #tpu.memory_space<hbm>> -> memref<384xi32, #tpu.memory_space<hbm>>
      %dma_start3A_79 = arith.constant 0 : i32
      %dma_start3A_80 = tpu.memref_slice %arg3[%add3A_33, %dma_start3A_79] : memref<2626x384xi32, #tpu.memory_space<hbm>> -> memref<1x384xi32, #tpu.memory_space<hbm>>
      %dma_start3A_81 = tpu.memref_squeeze %dma_start3A_80 : memref<1x384xi32, #tpu.memory_space<hbm>> -> memref<384xi32, #tpu.memory_space<hbm>>
      tpu.enqueue_dma source(%dma_start3A_81 : memref<384xi32, #tpu.memory_space<hbm>>) target(%arg6 : memref<384xi32, #tpu.memory_space<vmem>>) target_semaphore(%run_scoped3A : memref<!tpu.dma_semaphore, #tpu.memory_space<semaphore_mem>>)
      %dma_wait3A_82 = arith.constant 0 : i32
      %dma_wait3A_83 = tpu.memref_slice %arg3[%add3A_33, %dma_wait3A_82] : memref<2626x384xi32, #tpu.memory_space<hbm>> -> memref<1x384xi32, #tpu.memory_space<hbm>>
      %dma_wait3A_84 = tpu.memref_squeeze %dma_wait3A_83 : memref<1x384xi32, #tpu.memory_space<hbm>> -> memref<384xi32, #tpu.memory_space<hbm>>
      %dma_wait3A_85 = arith.constant 0 : i32
      %dma_wait3A_86 = tpu.memref_slice %arg3[%add3A_33, %dma_wait3A_85] : memref<2626x384xi32, #tpu.memory_space<hbm>> -> memref<1x384xi32, #tpu.memory_space<hbm>>
      %dma_wait3A_87 = tpu.memref_squeeze %dma_wait3A_86 : memref<1x384xi32, #tpu.memory_space<hbm>> -> memref<384xi32, #tpu.memory_space<hbm>>
      tpu.wait_dma2 semaphore(%run_scoped3A : memref<!tpu.dma_semaphore, #tpu.memory_space<semaphore_mem>>) src(%dma_wait3A_87 : memref<384xi32, #tpu.memory_space<hbm>>) dst(%arg6 : memref<384xi32, #tpu.memory_space<vmem>>)
      tpu.yield
    }) : () -> ()
    %add3A_34 = arith.constant 1 : i32
    %add3A_35 = arith.addi %mul3A_2, %add3A_34 : i32
    "tpu.region"() ({
      %run_scoped3A = tpu.sem_alloc : memref<!tpu.dma_semaphore, #tpu.memory_space<semaphore_mem>>
      %dma_start3A_76 = arith.constant 0 : i32
      %dma_start3A_77 = tpu.memref_slice %arg3[%add3A_35, %dma_start3A_76] : memref<2626x384xi32, #tpu.memory_space<hbm>> -> memref<1x384xi32, #tpu.memory_space<hbm>>
      %dma_start3A_78 = tpu.memref_squeeze %dma_start3A_77 : memref<1x384xi32, #tpu.memory_space<hbm>> -> memref<384xi32, #tpu.memory_space<hbm>>
      %dma_start3A_79 = arith.constant 0 : i32
      %dma_start3A_80 = tpu.memref_slice %arg3[%add3A_35, %dma_start3A_79] : memref<2626x384xi32, #tpu.memory_space<hbm>> -> memref<1x384xi32, #tpu.memory_space<hbm>>
      %dma_start3A_81 = tpu.memref_squeeze %dma_start3A_80 : memref<1x384xi32, #tpu.memory_space<hbm>> -> memref<384xi32, #tpu.memory_space<hbm>>
      tpu.enqueue_dma source(%dma_start3A_81 : memref<384xi32, #tpu.memory_space<hbm>>) target(%arg7 : memref<384xi32, #tpu.memory_space<vmem>>) target_semaphore(%run_scoped3A : memref<!tpu.dma_semaphore, #tpu.memory_space<semaphore_mem>>)
      %dma_wait3A_82 = arith.constant 0 : i32
      %dma_wait3A_83 = tpu.memref_slice %arg3[%add3A_35, %dma_wait3A_82] : memref<2626x384xi32, #tpu.memory_space<hbm>> -> memref<1x384xi32, #tpu.memory_space<hbm>>
      %dma_wait3A_84 = tpu.memref_squeeze %dma_wait3A_83 : memref<1x384xi32, #tpu.memory_space<hbm>> -> memref<384xi32, #tpu.memory_space<hbm>>
      %dma_wait3A_85 = arith.constant 0 : i32
      %dma_wait3A_86 = tpu.memref_slice %arg3[%add3A_35, %dma_wait3A_85] : memref<2626x384xi32, #tpu.memory_space<hbm>> -> memref<1x384xi32, #tpu.memory_space<hbm>>
      %dma_wait3A_87 = tpu.memref_squeeze %dma_wait3A_86 : memref<1x384xi32, #tpu.memory_space<hbm>> -> memref<384xi32, #tpu.memory_space<hbm>>
      tpu.wait_dma2 semaphore(%run_scoped3A : memref<!tpu.dma_semaphore, #tpu.memory_space<semaphore_mem>>) src(%dma_wait3A_87 : memref<384xi32, #tpu.memory_space<hbm>>) dst(%arg7 : memref<384xi32, #tpu.memory_space<vmem>>)
      tpu.yield
    }) : () -> ()
    %dma_start3A = arith.constant 0 : i32
    %dma_start3A_36 = arith.constant 0 : i32
    %dma_start3A_37 = tpu.memref_slice %arg13[%dma_start3A, %dma_start3A_36] : memref<128x64xi32, #tpu.memory_space<vmem>> -> memref<64x64xi32, #tpu.memory_space<vmem>>
    %dma_start3A_38 = arith.constant 0 : i32
    %dma_start3A_39 = tpu.memref_slice %arg6[%dma_start3A_38] : memref<384xi32, #tpu.memory_space<vmem>> -> memref<64xi32, #tpu.memory_space<vmem>>
    %dma_start3A_40 = arith.constant 0 : i32
    %dma_start3A_41 = arith.constant 0 : i32
    %dma_start3A_42 = tpu.memref_slice %arg2[%dma_start3A_40, %dma_start3A_41] : memref<10240x64xi32, #tpu.memory_space<hbm>> -> memref<10240x64xi32, #tpu.memory_space<hbm>>
    tpu.enqueue_indirect_dma source(%dma_start3A_42 : memref<10240x64xi32, #tpu.memory_space<hbm>>) target(%dma_start3A_37 : memref<64x64xi32, #tpu.memory_space<vmem>>) offsets(%dma_start3A_39 : memref<64xi32, #tpu.memory_space<vmem>>) semaphore(%arg18 : memref<!tpu.dma_semaphore, #tpu.memory_space<semaphore_mem>>)
    %dma_start3A_43 = arith.constant 64 : i32
    %dma_start3A_44 = arith.constant 0 : i32
    %dma_start3A_45 = tpu.memref_slice %arg13[%dma_start3A_43, %dma_start3A_44] : memref<128x64xi32, #tpu.memory_space<vmem>> -> memref<64x64xi32, #tpu.memory_space<vmem>>
    %dma_start3A_46 = arith.constant 64 : i32
    %dma_start3A_47 = tpu.memref_slice %arg6[%dma_start3A_46] : memref<384xi32, #tpu.memory_space<vmem>> -> memref<64xi32, #tpu.memory_space<vmem>>
    %dma_start3A_48 = arith.constant 0 : i32
    %dma_start3A_49 = arith.constant 0 : i32
    %dma_start3A_50 = tpu.memref_slice %arg2[%dma_start3A_48, %dma_start3A_49] : memref<10240x64xi32, #tpu.memory_space<hbm>> -> memref<10240x64xi32, #tpu.memory_space<hbm>>
    tpu.enqueue_indirect_dma source(%dma_start3A_50 : memref<10240x64xi32, #tpu.memory_space<hbm>>) target(%dma_start3A_45 : memref<64x64xi32, #tpu.memory_space<vmem>>) offsets(%dma_start3A_47 : memref<64xi32, #tpu.memory_space<vmem>>) semaphore(%arg18 : memref<!tpu.dma_semaphore, #tpu.memory_space<semaphore_mem>>)
    %scan3A_51 = arith.constant 0 : i32
    %scan3A_52 = arith.constant 0 : i32
    %scan3A_53 = arith.constant 41 : i32
    %scan3A_54 = arith.addi %scan3A_52, %scan3A_53 : i32
    %scan3A_55 = arith.constant 1 : i32
    %scan3A_56 = scf.for %scan3A_76 = %scan3A_52 to %scan3A_54 step %scan3A_55 iter_args(%scan3A_77 = %scan3A_51) -> (i32)  : i32 {
      %mul3A_78 = arith.constant 2 : i32
      %mul3A_79 = arith.muli %mul3A_78, %scan3A_76 : i32
      %gt3A = arith.constant 0 : i32
      %gt3A_80 = arith.cmpi sgt, %scan3A_76, %gt3A : i32
      %convert_element_type3A = arith.extui %gt3A_80 : i1 to i32
      %cond3A = arith.constant 0 : i32
      %cond3A_81 = arith.cmpi ne, %convert_element_type3A, %cond3A : i32
      scf.if %cond3A_81 {
        %dma_wait3A_413 = arith.constant 0 : i32
        %dma_wait3A_414 = tpu.memref_slice %arg3[%mul3A_2, %dma_wait3A_413] : memref<2626x384xi32, #tpu.memory_space<hbm>> -> memref<1x384xi32, #tpu.memory_space<hbm>>
        %dma_wait3A_415 = tpu.memref_squeeze %dma_wait3A_414 : memref<1x384xi32, #tpu.memory_space<hbm>> -> memref<384xi32, #tpu.memory_space<hbm>>
        %dma_wait3A_416 = arith.constant 0 : i32
        %dma_wait3A_417 = tpu.memref_slice %arg3[%mul3A_2, %dma_wait3A_416] : memref<2626x384xi32, #tpu.memory_space<hbm>> -> memref<1x384xi32, #tpu.memory_space<hbm>>
        %dma_wait3A_418 = tpu.memref_squeeze %dma_wait3A_417 : memref<1x384xi32, #tpu.memory_space<hbm>> -> memref<384xi32, #tpu.memory_space<hbm>>
        tpu.wait_dma2 semaphore(%arg17 : memref<!tpu.dma_semaphore, #tpu.memory_space<semaphore_mem>>) src(%dma_wait3A_418 : memref<384xi32, #tpu.memory_space<hbm>>) dst(%arg7 : memref<384xi32, #tpu.memory_space<vmem>>)
      } else {
      }
      %dma_start3A_82 = arith.constant 0 : i32
      %dma_start3A_83 = arith.constant 0 : i32
      %dma_start3A_84 = tpu.memref_slice %arg14[%dma_start3A_82, %dma_start3A_83] : memref<128x64xi32, #tpu.memory_space<vmem>> -> memref<64x64xi32, #tpu.memory_space<vmem>>
      %dma_start3A_85 = arith.constant 0 : i32
      %dma_start3A_86 = tpu.memref_slice %arg7[%dma_start3A_85] : memref<384xi32, #tpu.memory_space<vmem>> -> memref<64xi32, #tpu.memory_space<vmem>>
      %dma_start3A_87 = arith.constant 0 : i32
      %dma_start3A_88 = arith.constant 0 : i32
      %dma_start3A_89 = tpu.memref_slice %arg2[%dma_start3A_87, %dma_start3A_88] : memref<10240x64xi32, #tpu.memory_space<hbm>> -> memref<10240x64xi32, #tpu.memory_space<hbm>>
      tpu.enqueue_indirect_dma source(%dma_start3A_89 : memref<10240x64xi32, #tpu.memory_space<hbm>>) target(%dma_start3A_84 : memref<64x64xi32, #tpu.memory_space<vmem>>) offsets(%dma_start3A_86 : memref<64xi32, #tpu.memory_space<vmem>>) semaphore(%arg19 : memref<!tpu.dma_semaphore, #tpu.memory_space<semaphore_mem>>)
      %dma_start3A_90 = arith.constant 64 : i32
      %dma_start3A_91 = arith.constant 0 : i32
      %dma_start3A_92 = tpu.memref_slice %arg14[%dma_start3A_90, %dma_start3A_91] : memref<128x64xi32, #tpu.memory_space<vmem>> -> memref<64x64xi32, #tpu.memory_space<vmem>>
      %dma_start3A_93 = arith.constant 64 : i32
      %dma_start3A_94 = tpu.memref_slice %arg7[%dma_start3A_93] : memref<384xi32, #tpu.memory_space<vmem>> -> memref<64xi32, #tpu.memory_space<vmem>>
      %dma_start3A_95 = arith.constant 0 : i32
      %dma_start3A_96 = arith.constant 0 : i32
      %dma_start3A_97 = tpu.memref_slice %arg2[%dma_start3A_95, %dma_start3A_96] : memref<10240x64xi32, #tpu.memory_space<hbm>> -> memref<10240x64xi32, #tpu.memory_space<hbm>>
      tpu.enqueue_indirect_dma source(%dma_start3A_97 : memref<10240x64xi32, #tpu.memory_space<hbm>>) target(%dma_start3A_92 : memref<64x64xi32, #tpu.memory_space<vmem>>) offsets(%dma_start3A_94 : memref<64xi32, #tpu.memory_space<vmem>>) semaphore(%arg19 : memref<!tpu.dma_semaphore, #tpu.memory_space<semaphore_mem>>)
      %dma_wait3A_98 = arith.constant 0 : i32
      %dma_wait3A_99 = tpu.memref_slice %arg6[%dma_wait3A_98] : memref<384xi32, #tpu.memory_space<vmem>> -> memref<128xi32, #tpu.memory_space<vmem>>
      %dma_wait3A_100 = arith.constant 0 : i32
      %dma_wait3A_101 = arith.constant 0 : i32
      %dma_wait3A_102 = tpu.memref_slice %arg2[%dma_wait3A_100, %dma_wait3A_101] : memref<10240x64xi32, #tpu.memory_space<hbm>> -> memref<10240x64xi32, #tpu.memory_space<hbm>>
      tpu.wait_indirect_dma semaphore(%arg18 : memref<!tpu.dma_semaphore, #tpu.memory_space<semaphore_mem>>) src(%dma_wait3A_102 : memref<10240x64xi32, #tpu.memory_space<hbm>>) dst(%arg13 : memref<128x64xi32, #tpu.memory_space<vmem>>)
      %get3A = arith.constant 0 : index
      %get3A_103 = tpu.vector_load %arg6[%get3A] {strides = array<i32>} : memref<384xi32, #tpu.memory_space<vmem>>, vector<16xi32>,
      %get3A_104 = arith.constant 128 : index
      %get3A_105 = tpu.vector_load %arg6[%get3A_104] {strides = array<i32>} : memref<384xi32, #tpu.memory_space<vmem>>, vector<16xi32>,
      %get3A_106 = arith.constant 256 : index
      %get3A_107 = tpu.vector_load %arg6[%get3A_106] {strides = array<i32>} : memref<384xi32, #tpu.memory_space<vmem>>, vector<16xi32>,
      %bitcast3A = vector.bitcast %get3A_107 : vector<16xi32> to vector<16xf32>
      %swap3A = arith.constant 0 : index
      %swap3A_108 = tpu.vector_load %arg8[%swap3A] {strides = array<i32>} : memref<128xi32, #tpu.memory_space<vmem>>, vector<16xi32>,
      tpu.vector_store %arg8[%swap3A], %get3A_105 {strides = array<i32>} : memref<128xi32, #tpu.memory_space<vmem>>, vector<16xi32>,
      %gather3A = tpu.vector_load_idx %arg12[%get3A_103] : memref<10240xf32, #tpu.memory_space<vmem>>[vector<16xi32>], vector<16xf32>,
      %mul3A_109 = arith.mulf %gather3A, %bitcast3A : vector<16xf32>
      %gather3A_110 = tpu.vector_load_idx %arg12[%get3A_105] : memref<10240xf32, #tpu.memory_space<vmem>>[vector<16xi32>], vector<16xf32>,
      %mul3A_111 = arith.mulf %mul3A_109, %gather3A_110 : vector<16xf32>
      %swap3A_112 = arith.constant 0 : index
      %swap3A_113 = tpu.vector_load %arg10[%swap3A_112] {strides = array<i32>} : memref<128xf32, #tpu.memory_space<vmem>>, vector<16xf32>,
      tpu.vector_store %arg10[%swap3A_112], %mul3A_111 {strides = array<i32>} : memref<128xf32, #tpu.memory_space<vmem>>, vector<16xf32>,
      %get3A_114 = arith.constant 16 : index
      %get3A_115 = tpu.vector_load %arg6[%get3A_114] {strides = array<i32>} : memref<384xi32, #tpu.memory_space<vmem>>, vector<16xi32>,
      %get3A_116 = arith.constant 144 : index
      %get3A_117 = tpu.vector_load %arg6[%get3A_116] {strides = array<i32>} : memref<384xi32, #tpu.memory_space<vmem>>, vector<16xi32>,
      %get3A_118 = arith.constant 272 : index
      %get3A_119 = tpu.vector_load %arg6[%get3A_118] {strides = array<i32>} : memref<384xi32, #tpu.memory_space<vmem>>, vector<16xi32>,
      %bitcast3A_120 = vector.bitcast %get3A_119 : vector<16xi32> to vector<16xf32>
      %swap3A_121 = arith.constant 16 : index
      %swap3A_122 = tpu.vector_load %arg8[%swap3A_121] {strides = array<i32>} : memref<128xi32, #tpu.memory_space<vmem>>, vector<16xi32>,
      tpu.vector_store %arg8[%swap3A_121], %get3A_117 {strides = array<i32>} : memref<128xi32, #tpu.memory_space<vmem>>, vector<16xi32>,
      %gather3A_123 = tpu.vector_load_idx %arg12[%get3A_115] : memref<10240xf32, #tpu.memory_space<vmem>>[vector<16xi32>], vector<16xf32>,
      %mul3A_124 = arith.mulf %gather3A_123, %bitcast3A_120 : vector<16xf32>
      %gather3A_125 = tpu.vector_load_idx %arg12[%get3A_117] : memref<10240xf32, #tpu.memory_space<vmem>>[vector<16xi32>], vector<16xf32>,
      %mul3A_126 = arith.mulf %mul3A_124, %gather3A_125 : vector<16xf32>
      %swap3A_127 = arith.constant 16 : index
      %swap3A_128 = tpu.vector_load %arg10[%swap3A_127] {strides = array<i32>} : memref<128xf32, #tpu.memory_space<vmem>>, vector<16xf32>,
      tpu.vector_store %arg10[%swap3A_127], %mul3A_126 {strides = array<i32>} : memref<128xf32, #tpu.memory_space<vmem>>, vector<16xf32>,
      %get3A_129 = arith.constant 32 : index
      %get3A_130 = tpu.vector_load %arg6[%get3A_129] {strides = array<i32>} : memref<384xi32, #tpu.memory_space<vmem>>, vector<16xi32>,
      %get3A_131 = arith.constant 160 : index
      %get3A_132 = tpu.vector_load %arg6[%get3A_131] {strides = array<i32>} : memref<384xi32, #tpu.memory_space<vmem>>, vector<16xi32>,
      %get3A_133 = arith.constant 288 : index
      %get3A_134 = tpu.vector_load %arg6[%get3A_133] {strides = array<i32>} : memref<384xi32, #tpu.memory_space<vmem>>, vector<16xi32>,
      %bitcast3A_135 = vector.bitcast %get3A_134 : vector<16xi32> to vector<16xf32>
      %swap3A_136 = arith.constant 32 : index
      %swap3A_137 = tpu.vector_load %arg8[%swap3A_136] {strides = array<i32>} : memref<128xi32, #tpu.memory_space<vmem>>, vector<16xi32>,
      tpu.vector_store %arg8[%swap3A_136], %get3A_132 {strides = array<i32>} : memref<128xi32, #tpu.memory_space<vmem>>, vector<16xi32>,
      %gather3A_138 = tpu.vector_load_idx %arg12[%get3A_130] : memref<10240xf32, #tpu.memory_space<vmem>>[vector<16xi32>], vector<16xf32>,
      %mul3A_139 = arith.mulf %gather3A_138, %bitcast3A_135 : vector<16xf32>
      %gather3A_140 = tpu.vector_load_idx %arg12[%get3A_132] : memref<10240xf32, #tpu.memory_space<vmem>>[vector<16xi32>], vector<16xf32>,
      %mul3A_141 = arith.mulf %mul3A_139, %gather3A_140 : vector<16xf32>
      %swap3A_142 = arith.constant 32 : index
      %swap3A_143 = tpu.vector_load %arg10[%swap3A_142] {strides = array<i32>} : memref<128xf32, #tpu.memory_space<vmem>>, vector<16xf32>,
      tpu.vector_store %arg10[%swap3A_142], %mul3A_141 {strides = array<i32>} : memref<128xf32, #tpu.memory_space<vmem>>, vector<16xf32>,
      %get3A_144 = arith.constant 48 : index
      %get3A_145 = tpu.vector_load %arg6[%get3A_144] {strides = array<i32>} : memref<384xi32, #tpu.memory_space<vmem>>, vector<16xi32>,
      %get3A_146 = arith.constant 176 : index
      %get3A_147 = tpu.vector_load %arg6[%get3A_146] {strides = array<i32>} : memref<384xi32, #tpu.memory_space<vmem>>, vector<16xi32>,
      %get3A_148 = arith.constant 304 : index
      %get3A_149 = tpu.vector_load %arg6[%get3A_148] {strides = array<i32>} : memref<384xi32, #tpu.memory_space<vmem>>, vector<16xi32>,
      %bitcast3A_150 = vector.bitcast %get3A_149 : vector<16xi32> to vector<16xf32>
      %swap3A_151 = arith.constant 48 : index
      %swap3A_152 = tpu.vector_load %arg8[%swap3A_151] {strides = array<i32>} : memref<128xi32, #tpu.memory_space<vmem>>, vector<16xi32>,
      tpu.vector_store %arg8[%swap3A_151], %get3A_147 {strides = array<i32>} : memref<128xi32, #tpu.memory_space<vmem>>, vector<16xi32>,
      %gather3A_153 = tpu.vector_load_idx %arg12[%get3A_145] : memref<10240xf32, #tpu.memory_space<vmem>>[vector<16xi32>], vector<16xf32>,
      %mul3A_154 = arith.mulf %gather3A_153, %bitcast3A_150 : vector<16xf32>
      %gather3A_155 = tpu.vector_load_idx %arg12[%get3A_147] : memref<10240xf32, #tpu.memory_space<vmem>>[vector<16xi32>], vector<16xf32>,
      %mul3A_156 = arith.mulf %mul3A_154, %gather3A_155 : vector<16xf32>
      %swap3A_157 = arith.constant 48 : index
      %swap3A_158 = tpu.vector_load %arg10[%swap3A_157] {strides = array<i32>} : memref<128xf32, #tpu.memory_space<vmem>>, vector<16xf32>,
      tpu.vector_store %arg10[%swap3A_157], %mul3A_156 {strides = array<i32>} : memref<128xf32, #tpu.memory_space<vmem>>, vector<16xf32>,
      %get3A_159 = arith.constant 64 : index
      %get3A_160 = tpu.vector_load %arg6[%get3A_159] {strides = array<i32>} : memref<384xi32, #tpu.memory_space<vmem>>, vector<16xi32>,
      %get3A_161 = arith.constant 192 : index
      %get3A_162 = tpu.vector_load %arg6[%get3A_161] {strides = array<i32>} : memref<384xi32, #tpu.memory_space<vmem>>, vector<16xi32>,
      %get3A_163 = arith.constant 320 : index
      %get3A_164 = tpu.vector_load %arg6[%get3A_163] {strides = array<i32>} : memref<384xi32, #tpu.memory_space<vmem>>, vector<16xi32>,
      %bitcast3A_165 = vector.bitcast %get3A_164 : vector<16xi32> to vector<16xf32>
      %swap3A_166 = arith.constant 64 : index
      %swap3A_167 = tpu.vector_load %arg8[%swap3A_166] {strides = array<i32>} : memref<128xi32, #tpu.memory_space<vmem>>, vector<16xi32>,
      tpu.vector_store %arg8[%swap3A_166], %get3A_162 {strides = array<i32>} : memref<128xi32, #tpu.memory_space<vmem>>, vector<16xi32>,
      %gather3A_168 = tpu.vector_load_idx %arg12[%get3A_160] : memref<10240xf32, #tpu.memory_space<vmem>>[vector<16xi32>], vector<16xf32>,
      %mul3A_169 = arith.mulf %gather3A_168, %bitcast3A_165 : vector<16xf32>
      %gather3A_170 = tpu.vector_load_idx %arg12[%get3A_162] : memref<10240xf32, #tpu.memory_space<vmem>>[vector<16xi32>], vector<16xf32>,
      %mul3A_171 = arith.mulf %mul3A_169, %gather3A_170 : vector<16xf32>
      %swap3A_172 = arith.constant 64 : index
      %swap3A_173 = tpu.vector_load %arg10[%swap3A_172] {strides = array<i32>} : memref<128xf32, #tpu.memory_space<vmem>>, vector<16xf32>,
      tpu.vector_store %arg10[%swap3A_172], %mul3A_171 {strides = array<i32>} : memref<128xf32, #tpu.memory_space<vmem>>, vector<16xf32>,
      %get3A_174 = arith.constant 80 : index
      %get3A_175 = tpu.vector_load %arg6[%get3A_174] {strides = array<i32>} : memref<384xi32, #tpu.memory_space<vmem>>, vector<16xi32>,
      %get3A_176 = arith.constant 208 : index
      %get3A_177 = tpu.vector_load %arg6[%get3A_176] {strides = array<i32>} : memref<384xi32, #tpu.memory_space<vmem>>, vector<16xi32>,
      %get3A_178 = arith.constant 336 : index
      %get3A_179 = tpu.vector_load %arg6[%get3A_178] {strides = array<i32>} : memref<384xi32, #tpu.memory_space<vmem>>, vector<16xi32>,
      %bitcast3A_180 = vector.bitcast %get3A_179 : vector<16xi32> to vector<16xf32>
      %swap3A_181 = arith.constant 80 : index
      %swap3A_182 = tpu.vector_load %arg8[%swap3A_181] {strides = array<i32>} : memref<128xi32, #tpu.memory_space<vmem>>, vector<16xi32>,
      tpu.vector_store %arg8[%swap3A_181], %get3A_177 {strides = array<i32>} : memref<128xi32, #tpu.memory_space<vmem>>, vector<16xi32>,
      %gather3A_183 = tpu.vector_load_idx %arg12[%get3A_175] : memref<10240xf32, #tpu.memory_space<vmem>>[vector<16xi32>], vector<16xf32>,
      %mul3A_184 = arith.mulf %gather3A_183, %bitcast3A_180 : vector<16xf32>
      %gather3A_185 = tpu.vector_load_idx %arg12[%get3A_177] : memref<10240xf32, #tpu.memory_space<vmem>>[vector<16xi32>], vector<16xf32>,
      %mul3A_186 = arith.mulf %mul3A_184, %gather3A_185 : vector<16xf32>
      %swap3A_187 = arith.constant 80 : index
      %swap3A_188 = tpu.vector_load %arg10[%swap3A_187] {strides = array<i32>} : memref<128xf32, #tpu.memory_space<vmem>>, vector<16xf32>,
      tpu.vector_store %arg10[%swap3A_187], %mul3A_186 {strides = array<i32>} : memref<128xf32, #tpu.memory_space<vmem>>, vector<16xf32>,
      %get3A_189 = arith.constant 96 : index
      %get3A_190 = tpu.vector_load %arg6[%get3A_189] {strides = array<i32>} : memref<384xi32, #tpu.memory_space<vmem>>, vector<16xi32>,
      %get3A_191 = arith.constant 224 : index
      %get3A_192 = tpu.vector_load %arg6[%get3A_191] {strides = array<i32>} : memref<384xi32, #tpu.memory_space<vmem>>, vector<16xi32>,
      %get3A_193 = arith.constant 352 : index
      %get3A_194 = tpu.vector_load %arg6[%get3A_193] {strides = array<i32>} : memref<384xi32, #tpu.memory_space<vmem>>, vector<16xi32>,
      %bitcast3A_195 = vector.bitcast %get3A_194 : vector<16xi32> to vector<16xf32>
      %swap3A_196 = arith.constant 96 : index
      %swap3A_197 = tpu.vector_load %arg8[%swap3A_196] {strides = array<i32>} : memref<128xi32, #tpu.memory_space<vmem>>, vector<16xi32>,
      tpu.vector_store %arg8[%swap3A_196], %get3A_192 {strides = array<i32>} : memref<128xi32, #tpu.memory_space<vmem>>, vector<16xi32>,
      %gather3A_198 = tpu.vector_load_idx %arg12[%get3A_190] : memref<10240xf32, #tpu.memory_space<vmem>>[vector<16xi32>], vector<16xf32>,
      %mul3A_199 = arith.mulf %gather3A_198, %bitcast3A_195 : vector<16xf32>
      %gather3A_200 = tpu.vector_load_idx %arg12[%get3A_192] : memref<10240xf32, #tpu.memory_space<vmem>>[vector<16xi32>], vector<16xf32>,
      %mul3A_201 = arith.mulf %mul3A_199, %gather3A_200 : vector<16xf32>
      %swap3A_202 = arith.constant 96 : index
      %swap3A_203 = tpu.vector_load %arg10[%swap3A_202] {strides = array<i32>} : memref<128xf32, #tpu.memory_space<vmem>>, vector<16xf32>,
      tpu.vector_store %arg10[%swap3A_202], %mul3A_201 {strides = array<i32>} : memref<128xf32, #tpu.memory_space<vmem>>, vector<16xf32>,
      %get3A_204 = arith.constant 112 : index
      %get3A_205 = tpu.vector_load %arg6[%get3A_204] {strides = array<i32>} : memref<384xi32, #tpu.memory_space<vmem>>, vector<16xi32>,
      %get3A_206 = arith.constant 240 : index
      %get3A_207 = tpu.vector_load %arg6[%get3A_206] {strides = array<i32>} : memref<384xi32, #tpu.memory_space<vmem>>, vector<16xi32>,
      %get3A_208 = arith.constant 368 : index
      %get3A_209 = tpu.vector_load %arg6[%get3A_208] {strides = array<i32>} : memref<384xi32, #tpu.memory_space<vmem>>, vector<16xi32>,
      %bitcast3A_210 = vector.bitcast %get3A_209 : vector<16xi32> to vector<16xf32>
      %swap3A_211 = arith.constant 112 : index
      %swap3A_212 = tpu.vector_load %arg8[%swap3A_211] {strides = array<i32>} : memref<128xi32, #tpu.memory_space<vmem>>, vector<16xi32>,
      tpu.vector_store %arg8[%swap3A_211], %get3A_207 {strides = array<i32>} : memref<128xi32, #tpu.memory_space<vmem>>, vector<16xi32>,
      %gather3A_213 = tpu.vector_load_idx %arg12[%get3A_205] : memref<10240xf32, #tpu.memory_space<vmem>>[vector<16xi32>], vector<16xf32>,
      %mul3A_214 = arith.mulf %gather3A_213, %bitcast3A_210 : vector<16xf32>
      %gather3A_215 = tpu.vector_load_idx %arg12[%get3A_207] : memref<10240xf32, #tpu.memory_space<vmem>>[vector<16xi32>], vector<16xf32>,
      %mul3A_216 = arith.mulf %mul3A_214, %gather3A_215 : vector<16xf32>
      %swap3A_217 = arith.constant 112 : index
      %swap3A_218 = tpu.vector_load %arg10[%swap3A_217] {strides = array<i32>} : memref<128xf32, #tpu.memory_space<vmem>>, vector<16xf32>,
      tpu.vector_store %arg10[%swap3A_217], %mul3A_216 {strides = array<i32>} : memref<128xf32, #tpu.memory_space<vmem>>, vector<16xf32>,
      %gt3A_219 = arith.constant 0 : i32
      %gt3A_220 = arith.cmpi sgt, %scan3A_76, %gt3A_219 : i32
      %convert_element_type3A_221 = arith.extui %gt3A_220 : i1 to i32
      %cond3A_222 = arith.constant 0 : i32
      %cond3A_223 = arith.cmpi ne, %convert_element_type3A_221, %cond3A_222 : i32
      scf.if %cond3A_223 {
        %dma_wait3A_413 = arith.constant 0 : i32
        %dma_wait3A_414 = arith.constant 0 : i32
        %dma_wait3A_415 = tpu.memref_slice %arg21[%dma_wait3A_413, %dma_wait3A_414] : memref<10240x128xf32, #tpu.memory_space<vmem_shared>> -> memref<10240x128xf32, #tpu.memory_space<vmem_shared>>
        tpu.wait_indirect_dma semaphore(%arg20 : memref<!tpu.dma_semaphore, #tpu.memory_space<semaphore_mem>>) src(%arg15 : memref<128x128xf32, #tpu.memory_space<vmem>>) dst(%dma_wait3A_415 : memref<10240x128xf32, #tpu.memory_space<vmem_shared>>)
      } else {
      }
      %scan3A_224 = arith.constant 0 : i32
      %scan3A_225 = arith.constant 0 : i32
      %scan3A_226 = arith.constant 128 : i32
      %scan3A_227 = arith.addi %scan3A_225, %scan3A_226 : i32
      %scan3A_228 = arith.constant 1 : i32
      %scan3A_229 = scf.for %scan3A_413 = %scan3A_225 to %scan3A_227 step %scan3A_228 iter_args(%scan3A_414 = %scan3A_224) -> (i32)  : i32 {
        %broadcast_in_dim3A = vector.broadcast %scan3A_413 : i32 to vector<16xi32>
        %gather3A_415 = tpu.vector_load_idx %arg10[%broadcast_in_dim3A] : memref<128xf32, #tpu.memory_space<vmem>>[vector<16xi32>], vector<16xf32>,
        %get3A_416 = arith.index_cast %scan3A_413 : i32 to index
        %get3A_417 = arith.constant 0 : index
        %get3A_418 = tpu.vector_load %arg13[%get3A_416, %get3A_417] {strides = array<i32>} : memref<128x64xi32, #tpu.memory_space<vmem>>, vector<16xi32>,
        %shift_left3A = arith.constant 16 : i32
        %shift_left3A_419 = vector.broadcast %shift_left3A : i32 to vector<16xi32>
        %shift_left3A_420 = arith.shli %get3A_418, %shift_left3A_419 : vector<16xi32>
        %bitcast3A_421 = vector.bitcast %shift_left3A_420 : vector<16xi32> to vector<16xf32>
        %mul3A_422 = arith.mulf %bitcast3A_421, %gather3A_415 : vector<16xf32>
        %and3A = arith.constant -65536 : i32
        %and3A_423 = vector.broadcast %and3A : i32 to vector<16xi32>
        %and3A_424 = arith.andi %get3A_418, %and3A_423 : vector<16xi32>
        %bitcast3A_425 = vector.bitcast %and3A_424 : vector<16xi32> to vector<16xf32>
        %mul3A_426 = arith.mulf %bitcast3A_425, %gather3A_415 : vector<16xf32>
        %add3A_427 = arith.constant 0 : i32
        %add3A_428 = vector.broadcast %add3A_427 : i32 to vector<16xi32>
        %add3A_429 = arith.addi %add3A_428, %mul3A_5 : vector<16xi32>
        tpu.vector_store_idx %arg15[%broadcast_in_dim3A, %add3A_429], %mul3A_422 : memref<128x128xf32, #tpu.memory_space<vmem>>[vector<16xi32>, vector<16xi32>], vector<16xf32>,
        %add3A_430 = arith.constant 1 : i32
        %add3A_431 = vector.broadcast %add3A_430 : i32 to vector<16xi32>
        %add3A_432 = arith.addi %add3A_429, %add3A_431 : vector<16xi32>
        tpu.vector_store_idx %arg15[%broadcast_in_dim3A, %add3A_432], %mul3A_426 : memref<128x128xf32, #tpu.memory_space<vmem>>[vector<16xi32>, vector<16xi32>], vector<16xf32>,
        %get3A_433 = arith.index_cast %scan3A_413 : i32 to index
        %get3A_434 = arith.constant 16 : index
        %get3A_435 = tpu.vector_load %arg13[%get3A_433, %get3A_434] {strides = array<i32>} : memref<128x64xi32, #tpu.memory_space<vmem>>, vector<16xi32>,
        %shift_left3A_436 = arith.constant 16 : i32
        %shift_left3A_437 = vector.broadcast %shift_left3A_436 : i32 to vector<16xi32>
        %shift_left3A_438 = arith.shli %get3A_435, %shift_left3A_437 : vector<16xi32>
        %bitcast3A_439 = vector.bitcast %shift_left3A_438 : vector<16xi32> to vector<16xf32>
        %mul3A_440 = arith.mulf %bitcast3A_439, %gather3A_415 : vector<16xf32>
        %and3A_441 = arith.constant -65536 : i32
        %and3A_442 = vector.broadcast %and3A_441 : i32 to vector<16xi32>
        %and3A_443 = arith.andi %get3A_435, %and3A_442 : vector<16xi32>
        %bitcast3A_444 = vector.bitcast %and3A_443 : vector<16xi32> to vector<16xf32>
        %mul3A_445 = arith.mulf %bitcast3A_444, %gather3A_415 : vector<16xf32>
        %add3A_446 = arith.constant 32 : i32
        %add3A_447 = vector.broadcast %add3A_446 : i32 to vector<16xi32>
        %add3A_448 = arith.addi %add3A_447, %mul3A_5 : vector<16xi32>
        tpu.vector_store_idx %arg15[%broadcast_in_dim3A, %add3A_448], %mul3A_440 : memref<128x128xf32, #tpu.memory_space<vmem>>[vector<16xi32>, vector<16xi32>], vector<16xf32>,
        %add3A_449 = arith.constant 1 : i32
        %add3A_450 = vector.broadcast %add3A_449 : i32 to vector<16xi32>
        %add3A_451 = arith.addi %add3A_448, %add3A_450 : vector<16xi32>
        tpu.vector_store_idx %arg15[%broadcast_in_dim3A, %add3A_451], %mul3A_445 : memref<128x128xf32, #tpu.memory_space<vmem>>[vector<16xi32>, vector<16xi32>], vector<16xf32>,
        %get3A_452 = arith.index_cast %scan3A_413 : i32 to index
        %get3A_453 = arith.constant 32 : index
        %get3A_454 = tpu.vector_load %arg13[%get3A_452, %get3A_453] {strides = array<i32>} : memref<128x64xi32, #tpu.memory_space<vmem>>, vector<16xi32>,
        %shift_left3A_455 = arith.constant 16 : i32
        %shift_left3A_456 = vector.broadcast %shift_left3A_455 : i32 to vector<16xi32>
        %shift_left3A_457 = arith.shli %get3A_454, %shift_left3A_456 : vector<16xi32>
        %bitcast3A_458 = vector.bitcast %shift_left3A_457 : vector<16xi32> to vector<16xf32>
        %mul3A_459 = arith.mulf %bitcast3A_458, %gather3A_415 : vector<16xf32>
        %and3A_460 = arith.constant -65536 : i32
        %and3A_461 = vector.broadcast %and3A_460 : i32 to vector<16xi32>
        %and3A_462 = arith.andi %get3A_454, %and3A_461 : vector<16xi32>
        %bitcast3A_463 = vector.bitcast %and3A_462 : vector<16xi32> to vector<16xf32>
        %mul3A_464 = arith.mulf %bitcast3A_463, %gather3A_415 : vector<16xf32>
        %add3A_465 = arith.constant 64 : i32
        %add3A_466 = vector.broadcast %add3A_465 : i32 to vector<16xi32>
        %add3A_467 = arith.addi %add3A_466, %mul3A_5 : vector<16xi32>
        tpu.vector_store_idx %arg15[%broadcast_in_dim3A, %add3A_467], %mul3A_459 : memref<128x128xf32, #tpu.memory_space<vmem>>[vector<16xi32>, vector<16xi32>], vector<16xf32>,
        %add3A_468 = arith.constant 1 : i32
        %add3A_469 = vector.broadcast %add3A_468 : i32 to vector<16xi32>
        %add3A_470 = arith.addi %add3A_467, %add3A_469 : vector<16xi32>
        tpu.vector_store_idx %arg15[%broadcast_in_dim3A, %add3A_470], %mul3A_464 : memref<128x128xf32, #tpu.memory_space<vmem>>[vector<16xi32>, vector<16xi32>], vector<16xf32>,
        %get3A_471 = arith.index_cast %scan3A_413 : i32 to index
        %get3A_472 = arith.constant 48 : index
        %get3A_473 = tpu.vector_load %arg13[%get3A_471, %get3A_472] {strides = array<i32>} : memref<128x64xi32, #tpu.memory_space<vmem>>, vector<16xi32>,
        %shift_left3A_474 = arith.constant 16 : i32
        %shift_left3A_475 = vector.broadcast %shift_left3A_474 : i32 to vector<16xi32>
        %shift_left3A_476 = arith.shli %get3A_473, %shift_left3A_475 : vector<16xi32>
        %bitcast3A_477 = vector.bitcast %shift_left3A_476 : vector<16xi32> to vector<16xf32>
        %mul3A_478 = arith.mulf %bitcast3A_477, %gather3A_415 : vector<16xf32>
        %and3A_479 = arith.constant -65536 : i32
        %and3A_480 = vector.broadcast %and3A_479 : i32 to vector<16xi32>
        %and3A_481 = arith.andi %get3A_473, %and3A_480 : vector<16xi32>
        %bitcast3A_482 = vector.bitcast %and3A_481 : vector<16xi32> to vector<16xf32>
        %mul3A_483 = arith.mulf %bitcast3A_482, %gather3A_415 : vector<16xf32>
        %add3A_484 = arith.constant 96 : i32
        %add3A_485 = vector.broadcast %add3A_484 : i32 to vector<16xi32>
        %add3A_486 = arith.addi %add3A_485, %mul3A_5 : vector<16xi32>
        tpu.vector_store_idx %arg15[%broadcast_in_dim3A, %add3A_486], %mul3A_478 : memref<128x128xf32, #tpu.memory_space<vmem>>[vector<16xi32>, vector<16xi32>], vector<16xf32>,
        %add3A_487 = arith.constant 1 : i32
        %add3A_488 = vector.broadcast %add3A_487 : i32 to vector<16xi32>
        %add3A_489 = arith.addi %add3A_486, %add3A_488 : vector<16xi32>
        tpu.vector_store_idx %arg15[%broadcast_in_dim3A, %add3A_489], %mul3A_483 : memref<128x128xf32, #tpu.memory_space<vmem>>[vector<16xi32>, vector<16xi32>], vector<16xf32>,
        %scan3A_490 = arith.constant 0 : i32
        scf.yield %scan3A_490 : i32
      }
      %scan3A_230 = arith.constant 128 : i32
      %dma_start3A_231 = arith.constant 0 : i32
      %dma_start3A_232 = arith.constant 0 : i32
      %dma_start3A_233 = tpu.memref_slice %arg21[%dma_start3A_231, %dma_start3A_232] : memref<10240x128xf32, #tpu.memory_space<vmem_shared>> -> memref<10240x128xf32, #tpu.memory_space<vmem_shared>>
      tpu.enqueue_indirect_dma source(%arg15 : memref<128x128xf32, #tpu.memory_space<vmem>>) target(%dma_start3A_233 : memref<10240x128xf32, #tpu.memory_space<vmem_shared>>) offsets(%arg8 : memref<128xi32, #tpu.memory_space<vmem>>) semaphore(%arg20 : memref<!tpu.dma_semaphore, #tpu.memory_space<semaphore_mem>>) {add = true}
      %add3A_234 = arith.addi %mul3A_2, %mul3A_79 : i32
      %add3A_235 = arith.constant 2 : i32
      %add3A_236 = arith.addi %add3A_234, %add3A_235 : i32
      %dma_start3A_237 = arith.constant 0 : i32
      %dma_start3A_238 = tpu.memref_slice %arg3[%add3A_236, %dma_start3A_237] : memref<2626x384xi32, #tpu.memory_space<hbm>> -> memref<1x384xi32, #tpu.memory_space<hbm>>
      %dma_start3A_239 = tpu.memref_squeeze %dma_start3A_238 : memref<1x384xi32, #tpu.memory_space<hbm>> -> memref<384xi32, #tpu.memory_space<hbm>>
      %dma_start3A_240 = arith.constant 0 : i32
      %dma_start3A_241 = tpu.memref_slice %arg3[%add3A_236, %dma_start3A_240] : memref<2626x384xi32, #tpu.memory_space<hbm>> -> memref<1x384xi32, #tpu.memory_space<hbm>>
      %dma_start3A_242 = tpu.memref_squeeze %dma_start3A_241 : memref<1x384xi32, #tpu.memory_space<hbm>> -> memref<384xi32, #tpu.memory_space<hbm>>
      tpu.enqueue_dma source(%dma_start3A_242 : memref<384xi32, #tpu.memory_space<hbm>>) target(%arg6 : memref<384xi32, #tpu.memory_space<vmem>>) target_semaphore(%arg16 : memref<!tpu.dma_semaphore, #tpu.memory_space<semaphore_mem>>)
      %dma_wait3A_243 = arith.constant 0 : i32
      %dma_wait3A_244 = tpu.memref_slice %arg3[%mul3A_2, %dma_wait3A_243] : memref<2626x384xi32, #tpu.memory_space<hbm>> -> memref<1x384xi32, #tpu.memory_space<hbm>>
      %dma_wait3A_245 = tpu.memref_squeeze %dma_wait3A_244 : memref<1x384xi32, #tpu.memory_space<hbm>> -> memref<384xi32, #tpu.memory_space<hbm>>
      %dma_wait3A_246 = arith.constant 0 : i32
      %dma_wait3A_247 = tpu.memref_slice %arg3[%mul3A_2, %dma_wait3A_246] : memref<2626x384xi32, #tpu.memory_space<hbm>> -> memref<1x384xi32, #tpu.memory_space<hbm>>
      %dma_wait3A_248 = tpu.memref_squeeze %dma_wait3A_247 : memref<1x384xi32, #tpu.memory_space<hbm>> -> memref<384xi32, #tpu.memory_space<hbm>>
      tpu.wait_dma2 semaphore(%arg16 : memref<!tpu.dma_semaphore, #tpu.memory_space<semaphore_mem>>) src(%dma_wait3A_248 : memref<384xi32, #tpu.memory_space<hbm>>) dst(%arg6 : memref<384xi32, #tpu.memory_space<vmem>>)
      %dma_start3A_249 = arith.constant 0 : i32
      %dma_start3A_250 = arith.constant 0 : i32
      %dma_start3A_251 = tpu.memref_slice %arg13[%dma_start3A_249, %dma_start3A_250] : memref<128x64xi32, #tpu.memory_space<vmem>> -> memref<64x64xi32, #tpu.memory_space<vmem>>
      %dma_start3A_252 = arith.constant 0 : i32
      %dma_start3A_253 = tpu.memref_slice %arg6[%dma_start3A_252] : memref<384xi32, #tpu.memory_space<vmem>> -> memref<64xi32, #tpu.memory_space<vmem>>
      %dma_start3A_254 = arith.constant 0 : i32
      %dma_start3A_255 = arith.constant 0 : i32
      %dma_start3A_256 = tpu.memref_slice %arg2[%dma_start3A_254, %dma_start3A_255] : memref<10240x64xi32, #tpu.memory_space<hbm>> -> memref<10240x64xi32, #tpu.memory_space<hbm>>
      tpu.enqueue_indirect_dma source(%dma_start3A_256 : memref<10240x64xi32, #tpu.memory_space<hbm>>) target(%dma_start3A_251 : memref<64x64xi32, #tpu.memory_space<vmem>>) offsets(%dma_start3A_253 : memref<64xi32, #tpu.memory_space<vmem>>) semaphore(%arg18 : memref<!tpu.dma_semaphore, #tpu.memory_space<semaphore_mem>>)
      %dma_start3A_257 = arith.constant 64 : i32
      %dma_start3A_258 = arith.constant 0 : i32
      %dma_start3A_259 = tpu.memref_slice %arg13[%dma_start3A_257, %dma_start3A_258] : memref<128x64xi32, #tpu.memory_space<vmem>> -> memref<64x64xi32, #tpu.memory_space<vmem>>
      %dma_start3A_260 = arith.constant 64 : i32
      %dma_start3A_261 = tpu.memref_slice %arg6[%dma_start3A_260] : memref<384xi32, #tpu.memory_space<vmem>> -> memref<64xi32, #tpu.memory_space<vmem>>
      %dma_start3A_262 = arith.constant 0 : i32
      %dma_start3A_263 = arith.constant 0 : i32
      %dma_start3A_264 = tpu.memref_slice %arg2[%dma_start3A_262, %dma_start3A_263] : memref<10240x64xi32, #tpu.memory_space<hbm>> -> memref<10240x64xi32, #tpu.memory_space<hbm>>
      tpu.enqueue_indirect_dma source(%dma_start3A_264 : memref<10240x64xi32, #tpu.memory_space<hbm>>) target(%dma_start3A_259 : memref<64x64xi32, #tpu.memory_space<vmem>>) offsets(%dma_start3A_261 : memref<64xi32, #tpu.memory_space<vmem>>) semaphore(%arg18 : memref<!tpu.dma_semaphore, #tpu.memory_space<semaphore_mem>>)
      %dma_wait3A_265 = arith.constant 0 : i32
      %dma_wait3A_266 = tpu.memref_slice %arg7[%dma_wait3A_265] : memref<384xi32, #tpu.memory_space<vmem>> -> memref<128xi32, #tpu.memory_space<vmem>>
      %dma_wait3A_267 = arith.constant 0 : i32
      %dma_wait3A_268 = arith.constant 0 : i32
      %dma_wait3A_269 = tpu.memref_slice %arg2[%dma_wait3A_267, %dma_wait3A_268] : memref<10240x64xi32, #tpu.memory_space<hbm>> -> memref<10240x64xi32, #tpu.memory_space<hbm>>
      tpu.wait_indirect_dma semaphore(%arg19 : memref<!tpu.dma_semaphore, #tpu.memory_space<semaphore_mem>>) src(%dma_wait3A_269 : memref<10240x64xi32, #tpu.memory_space<hbm>>) dst(%arg14 : memref<128x64xi32, #tpu.memory_space<vmem>>)
      %get3A_270 = arith.constant 0 : index
      %get3A_271 = tpu.vector_load %arg7[%get3A_270] {strides = array<i32>} : memref<384xi32, #tpu.memory_space<vmem>>, vector<16xi32>,
      %get3A_272 = arith.constant 128 : index
      %get3A_273 = tpu.vector_load %arg7[%get3A_272] {strides = array<i32>} : memref<384xi32, #tpu.memory_space<vmem>>, vector<16xi32>,
      %get3A_274 = arith.constant 256 : index
      %get3A_275 = tpu.vector_load %arg7[%get3A_274] {strides = array<i32>} : memref<384xi32, #tpu.memory_space<vmem>>, vector<16xi32>,
      %bitcast3A_276 = vector.bitcast %get3A_275 : vector<16xi32> to vector<16xf32>
      %swap3A_277 = arith.constant 0 : index
      %swap3A_278 = tpu.vector_load %arg9[%swap3A_277] {strides = array<i32>} : memref<128xi32, #tpu.memory_space<vmem>>, vector<16xi32>,
      tpu.vector_store %arg9[%swap3A_277], %get3A_273 {strides = array<i32>} : memref<128xi32, #tpu.memory_space<vmem>>, vector<16xi32>,
      %gather3A_279 = tpu.vector_load_idx %arg12[%get3A_271] : memref<10240xf32, #tpu.memory_space<vmem>>[vector<16xi32>], vector<16xf32>,
      %mul3A_280 = arith.mulf %gather3A_279, %bitcast3A_276 : vector<16xf32>
      %gather3A_281 = tpu.vector_load_idx %arg12[%get3A_273] : memref<10240xf32, #tpu.memory_space<vmem>>[vector<16xi32>], vector<16xf32>,
      %mul3A_282 = arith.mulf %mul3A_280, %gather3A_281 : vector<16xf32>
      %swap3A_283 = arith.constant 0 : index
      %swap3A_284 = tpu.vector_load %arg11[%swap3A_283] {strides = array<i32>} : memref<128xf32, #tpu.memory_space<vmem>>, vector<16xf32>,
      tpu.vector_store %arg11[%swap3A_283], %mul3A_282 {strides = array<i32>} : memref<128xf32, #tpu.memory_space<vmem>>, vector<16xf32>,
      %get3A_285 = arith.constant 16 : index
      %get3A_286 = tpu.vector_load %arg7[%get3A_285] {strides = array<i32>} : memref<384xi32, #tpu.memory_space<vmem>>, vector<16xi32>,
      %get3A_287 = arith.constant 144 : index
      %get3A_288 = tpu.vector_load %arg7[%get3A_287] {strides = array<i32>} : memref<384xi32, #tpu.memory_space<vmem>>, vector<16xi32>,
      %get3A_289 = arith.constant 272 : index
      %get3A_290 = tpu.vector_load %arg7[%get3A_289] {strides = array<i32>} : memref<384xi32, #tpu.memory_space<vmem>>, vector<16xi32>,
      %bitcast3A_291 = vector.bitcast %get3A_290 : vector<16xi32> to vector<16xf32>
      %swap3A_292 = arith.constant 16 : index
      %swap3A_293 = tpu.vector_load %arg9[%swap3A_292] {strides = array<i32>} : memref<128xi32, #tpu.memory_space<vmem>>, vector<16xi32>,
      tpu.vector_store %arg9[%swap3A_292], %get3A_288 {strides = array<i32>} : memref<128xi32, #tpu.memory_space<vmem>>, vector<16xi32>,
      %gather3A_294 = tpu.vector_load_idx %arg12[%get3A_286] : memref<10240xf32, #tpu.memory_space<vmem>>[vector<16xi32>], vector<16xf32>,
      %mul3A_295 = arith.mulf %gather3A_294, %bitcast3A_291 : vector<16xf32>
      %gather3A_296 = tpu.vector_load_idx %arg12[%get3A_288] : memref<10240xf32, #tpu.memory_space<vmem>>[vector<16xi32>], vector<16xf32>,
      %mul3A_297 = arith.mulf %mul3A_295, %gather3A_296 : vector<16xf32>
      %swap3A_298 = arith.constant 16 : index
      %swap3A_299 = tpu.vector_load %arg11[%swap3A_298] {strides = array<i32>} : memref<128xf32, #tpu.memory_space<vmem>>, vector<16xf32>,
      tpu.vector_store %arg11[%swap3A_298], %mul3A_297 {strides = array<i32>} : memref<128xf32, #tpu.memory_space<vmem>>, vector<16xf32>,
      %get3A_300 = arith.constant 32 : index
      %get3A_301 = tpu.vector_load %arg7[%get3A_300] {strides = array<i32>} : memref<384xi32, #tpu.memory_space<vmem>>, vector<16xi32>,
      %get3A_302 = arith.constant 160 : index
      %get3A_303 = tpu.vector_load %arg7[%get3A_302] {strides = array<i32>} : memref<384xi32, #tpu.memory_space<vmem>>, vector<16xi32>,
      %get3A_304 = arith.constant 288 : index
      %get3A_305 = tpu.vector_load %arg7[%get3A_304] {strides = array<i32>} : memref<384xi32, #tpu.memory_space<vmem>>, vector<16xi32>,
      %bitcast3A_306 = vector.bitcast %get3A_305 : vector<16xi32> to vector<16xf32>
      %swap3A_307 = arith.constant 32 : index
      %swap3A_308 = tpu.vector_load %arg9[%swap3A_307] {strides = array<i32>} : memref<128xi32, #tpu.memory_space<vmem>>, vector<16xi32>,
      tpu.vector_store %arg9[%swap3A_307], %get3A_303 {strides = array<i32>} : memref<128xi32, #tpu.memory_space<vmem>>, vector<16xi32>,
      %gather3A_309 = tpu.vector_load_idx %arg12[%get3A_301] : memref<10240xf32, #tpu.memory_space<vmem>>[vector<16xi32>], vector<16xf32>,
      %mul3A_310 = arith.mulf %gather3A_309, %bitcast3A_306 : vector<16xf32>
      %gather3A_311 = tpu.vector_load_idx %arg12[%get3A_303] : memref<10240xf32, #tpu.memory_space<vmem>>[vector<16xi32>], vector<16xf32>,
      %mul3A_312 = arith.mulf %mul3A_310, %gather3A_311 : vector<16xf32>
      %swap3A_313 = arith.constant 32 : index
      %swap3A_314 = tpu.vector_load %arg11[%swap3A_313] {strides = array<i32>} : memref<128xf32, #tpu.memory_space<vmem>>, vector<16xf32>,
      tpu.vector_store %arg11[%swap3A_313], %mul3A_312 {strides = array<i32>} : memref<128xf32, #tpu.memory_space<vmem>>, vector<16xf32>,
      %get3A_315 = arith.constant 48 : index
      %get3A_316 = tpu.vector_load %arg7[%get3A_315] {strides = array<i32>} : memref<384xi32, #tpu.memory_space<vmem>>, vector<16xi32>,
      %get3A_317 = arith.constant 176 : index
      %get3A_318 = tpu.vector_load %arg7[%get3A_317] {strides = array<i32>} : memref<384xi32, #tpu.memory_space<vmem>>, vector<16xi32>,
      %get3A_319 = arith.constant 304 : index
      %get3A_320 = tpu.vector_load %arg7[%get3A_319] {strides = array<i32>} : memref<384xi32, #tpu.memory_space<vmem>>, vector<16xi32>,
      %bitcast3A_321 = vector.bitcast %get3A_320 : vector<16xi32> to vector<16xf32>
      %swap3A_322 = arith.constant 48 : index
      %swap3A_323 = tpu.vector_load %arg9[%swap3A_322] {strides = array<i32>} : memref<128xi32, #tpu.memory_space<vmem>>, vector<16xi32>,
      tpu.vector_store %arg9[%swap3A_322], %get3A_318 {strides = array<i32>} : memref<128xi32, #tpu.memory_space<vmem>>, vector<16xi32>,
      %gather3A_324 = tpu.vector_load_idx %arg12[%get3A_316] : memref<10240xf32, #tpu.memory_space<vmem>>[vector<16xi32>], vector<16xf32>,
      %mul3A_325 = arith.mulf %gather3A_324, %bitcast3A_321 : vector<16xf32>
      %gather3A_326 = tpu.vector_load_idx %arg12[%get3A_318] : memref<10240xf32, #tpu.memory_space<vmem>>[vector<16xi32>], vector<16xf32>,
      %mul3A_327 = arith.mulf %mul3A_325, %gather3A_326 : vector<16xf32>
      %swap3A_328 = arith.constant 48 : index
      %swap3A_329 = tpu.vector_load %arg11[%swap3A_328] {strides = array<i32>} : memref<128xf32, #tpu.memory_space<vmem>>, vector<16xf32>,
      tpu.vector_store %arg11[%swap3A_328], %mul3A_327 {strides = array<i32>} : memref<128xf32, #tpu.memory_space<vmem>>, vector<16xf32>,
      %get3A_330 = arith.constant 64 : index
      %get3A_331 = tpu.vector_load %arg7[%get3A_330] {strides = array<i32>} : memref<384xi32, #tpu.memory_space<vmem>>, vector<16xi32>,
      %get3A_332 = arith.constant 192 : index
      %get3A_333 = tpu.vector_load %arg7[%get3A_332] {strides = array<i32>} : memref<384xi32, #tpu.memory_space<vmem>>, vector<16xi32>,
      %get3A_334 = arith.constant 320 : index
      %get3A_335 = tpu.vector_load %arg7[%get3A_334] {strides = array<i32>} : memref<384xi32, #tpu.memory_space<vmem>>, vector<16xi32>,
      %bitcast3A_336 = vector.bitcast %get3A_335 : vector<16xi32> to vector<16xf32>
      %swap3A_337 = arith.constant 64 : index
      %swap3A_338 = tpu.vector_load %arg9[%swap3A_337] {strides = array<i32>} : memref<128xi32, #tpu.memory_space<vmem>>, vector<16xi32>,
      tpu.vector_store %arg9[%swap3A_337], %get3A_333 {strides = array<i32>} : memref<128xi32, #tpu.memory_space<vmem>>, vector<16xi32>,
      %gather3A_339 = tpu.vector_load_idx %arg12[%get3A_331] : memref<10240xf32, #tpu.memory_space<vmem>>[vector<16xi32>], vector<16xf32>,
      %mul3A_340 = arith.mulf %gather3A_339, %bitcast3A_336 : vector<16xf32>
      %gather3A_341 = tpu.vector_load_idx %arg12[%get3A_333] : memref<10240xf32, #tpu.memory_space<vmem>>[vector<16xi32>], vector<16xf32>,
      %mul3A_342 = arith.mulf %mul3A_340, %gather3A_341 : vector<16xf32>
      %swap3A_343 = arith.constant 64 : index
      %swap3A_344 = tpu.vector_load %arg11[%swap3A_343] {strides = array<i32>} : memref<128xf32, #tpu.memory_space<vmem>>, vector<16xf32>,
      tpu.vector_store %arg11[%swap3A_343], %mul3A_342 {strides = array<i32>} : memref<128xf32, #tpu.memory_space<vmem>>, vector<16xf32>,
      %get3A_345 = arith.constant 80 : index
      %get3A_346 = tpu.vector_load %arg7[%get3A_345] {strides = array<i32>} : memref<384xi32, #tpu.memory_space<vmem>>, vector<16xi32>,
      %get3A_347 = arith.constant 208 : index
      %get3A_348 = tpu.vector_load %arg7[%get3A_347] {strides = array<i32>} : memref<384xi32, #tpu.memory_space<vmem>>, vector<16xi32>,
      %get3A_349 = arith.constant 336 : index
      %get3A_350 = tpu.vector_load %arg7[%get3A_349] {strides = array<i32>} : memref<384xi32, #tpu.memory_space<vmem>>, vector<16xi32>,
      %bitcast3A_351 = vector.bitcast %get3A_350 : vector<16xi32> to vector<16xf32>
      %swap3A_352 = arith.constant 80 : index
      %swap3A_353 = tpu.vector_load %arg9[%swap3A_352] {strides = array<i32>} : memref<128xi32, #tpu.memory_space<vmem>>, vector<16xi32>,
      tpu.vector_store %arg9[%swap3A_352], %get3A_348 {strides = array<i32>} : memref<128xi32, #tpu.memory_space<vmem>>, vector<16xi32>,
      %gather3A_354 = tpu.vector_load_idx %arg12[%get3A_346] : memref<10240xf32, #tpu.memory_space<vmem>>[vector<16xi32>], vector<16xf32>,
      %mul3A_355 = arith.mulf %gather3A_354, %bitcast3A_351 : vector<16xf32>
      %gather3A_356 = tpu.vector_load_idx %arg12[%get3A_348] : memref<10240xf32, #tpu.memory_space<vmem>>[vector<16xi32>], vector<16xf32>,
      %mul3A_357 = arith.mulf %mul3A_355, %gather3A_356 : vector<16xf32>
      %swap3A_358 = arith.constant 80 : index
      %swap3A_359 = tpu.vector_load %arg11[%swap3A_358] {strides = array<i32>} : memref<128xf32, #tpu.memory_space<vmem>>, vector<16xf32>,
      tpu.vector_store %arg11[%swap3A_358], %mul3A_357 {strides = array<i32>} : memref<128xf32, #tpu.memory_space<vmem>>, vector<16xf32>,
      %get3A_360 = arith.constant 96 : index
      %get3A_361 = tpu.vector_load %arg7[%get3A_360] {strides = array<i32>} : memref<384xi32, #tpu.memory_space<vmem>>, vector<16xi32>,
      %get3A_362 = arith.constant 224 : index
      %get3A_363 = tpu.vector_load %arg7[%get3A_362] {strides = array<i32>} : memref<384xi32, #tpu.memory_space<vmem>>, vector<16xi32>,
      %get3A_364 = arith.constant 352 : index
      %get3A_365 = tpu.vector_load %arg7[%get3A_364] {strides = array<i32>} : memref<384xi32, #tpu.memory_space<vmem>>, vector<16xi32>,
      %bitcast3A_366 = vector.bitcast %get3A_365 : vector<16xi32> to vector<16xf32>
      %swap3A_367 = arith.constant 96 : index
      %swap3A_368 = tpu.vector_load %arg9[%swap3A_367] {strides = array<i32>} : memref<128xi32, #tpu.memory_space<vmem>>, vector<16xi32>,
      tpu.vector_store %arg9[%swap3A_367], %get3A_363 {strides = array<i32>} : memref<128xi32, #tpu.memory_space<vmem>>, vector<16xi32>,
      %gather3A_369 = tpu.vector_load_idx %arg12[%get3A_361] : memref<10240xf32, #tpu.memory_space<vmem>>[vector<16xi32>], vector<16xf32>,
      %mul3A_370 = arith.mulf %gather3A_369, %bitcast3A_366 : vector<16xf32>
      %gather3A_371 = tpu.vector_load_idx %arg12[%get3A_363] : memref<10240xf32, #tpu.memory_space<vmem>>[vector<16xi32>], vector<16xf32>,
      %mul3A_372 = arith.mulf %mul3A_370, %gather3A_371 : vector<16xf32>
      %swap3A_373 = arith.constant 96 : index
      %swap3A_374 = tpu.vector_load %arg11[%swap3A_373] {strides = array<i32>} : memref<128xf32, #tpu.memory_space<vmem>>, vector<16xf32>,
      tpu.vector_store %arg11[%swap3A_373], %mul3A_372 {strides = array<i32>} : memref<128xf32, #tpu.memory_space<vmem>>, vector<16xf32>,
      %get3A_375 = arith.constant 112 : index
      %get3A_376 = tpu.vector_load %arg7[%get3A_375] {strides = array<i32>} : memref<384xi32, #tpu.memory_space<vmem>>, vector<16xi32>,
      %get3A_377 = arith.constant 240 : index
      %get3A_378 = tpu.vector_load %arg7[%get3A_377] {strides = array<i32>} : memref<384xi32, #tpu.memory_space<vmem>>, vector<16xi32>,
      %get3A_379 = arith.constant 368 : index
      %get3A_380 = tpu.vector_load %arg7[%get3A_379] {strides = array<i32>} : memref<384xi32, #tpu.memory_space<vmem>>, vector<16xi32>,
      %bitcast3A_381 = vector.bitcast %get3A_380 : vector<16xi32> to vector<16xf32>
      %swap3A_382 = arith.constant 112 : index
      %swap3A_383 = tpu.vector_load %arg9[%swap3A_382] {strides = array<i32>} : memref<128xi32, #tpu.memory_space<vmem>>, vector<16xi32>,
      tpu.vector_store %arg9[%swap3A_382], %get3A_378 {strides = array<i32>} : memref<128xi32, #tpu.memory_space<vmem>>, vector<16xi32>,
      %gather3A_384 = tpu.vector_load_idx %arg12[%get3A_376] : memref<10240xf32, #tpu.memory_space<vmem>>[vector<16xi32>], vector<16xf32>,
      %mul3A_385 = arith.mulf %gather3A_384, %bitcast3A_381 : vector<16xf32>
      %gather3A_386 = tpu.vector_load_idx %arg12[%get3A_378] : memref<10240xf32, #tpu.memory_space<vmem>>[vector<16xi32>], vector<16xf32>,
      %mul3A_387 = arith.mulf %mul3A_385, %gather3A_386 : vector<16xf32>
      %swap3A_388 = arith.constant 112 : index
      %swap3A_389 = tpu.vector_load %arg11[%swap3A_388] {strides = array<i32>} : memref<128xf32, #tpu.memory_space<vmem>>, vector<16xf32>,
      tpu.vector_store %arg11[%swap3A_388], %mul3A_387 {strides = array<i32>} : memref<128xf32, #tpu.memory_space<vmem>>, vector<16xf32>,
      %dma_wait3A_390 = arith.constant 0 : i32
      %dma_wait3A_391 = arith.constant 0 : i32
      %dma_wait3A_392 = tpu.memref_slice %arg21[%dma_wait3A_390, %dma_wait3A_391] : memref<10240x128xf32, #tpu.memory_space<vmem_shared>> -> memref<10240x128xf32, #tpu.memory_space<vmem_shared>>
      tpu.wait_indirect_dma semaphore(%arg20 : memref<!tpu.dma_semaphore, #tpu.memory_space<semaphore_mem>>) src(%arg15 : memref<128x128xf32, #tpu.memory_space<vmem>>) dst(%dma_wait3A_392 : memref<10240x128xf32, #tpu.memory_space<vmem_shared>>)
      %scan3A_393 = arith.constant 0 : i32
      %scan3A_394 = arith.constant 0 : i32
      %scan3A_395 = arith.constant 128 : i32
      %scan3A_396 = arith.addi %scan3A_394, %scan3A_395 : i32
      %scan3A_397 = arith.constant 1 : i32
      %scan3A_398 = scf.for %scan3A_413 = %scan3A_394 to %scan3A_396 step %scan3A_397 iter_args(%scan3A_414 = %scan3A_393) -> (i32)  : i32 {
        %broadcast_in_dim3A = vector.broadcast %scan3A_413 : i32 to vector<16xi32>
        %gather3A_415 = tpu.vector_load_idx %arg11[%broadcast_in_dim3A] : memref<128xf32, #tpu.memory_space<vmem>>[vector<16xi32>], vector<16xf32>,
        %get3A_416 = arith.index_cast %scan3A_413 : i32 to index
        %get3A_417 = arith.constant 0 : index
        %get3A_418 = tpu.vector_load %arg14[%get3A_416, %get3A_417] {strides = array<i32>} : memref<128x64xi32, #tpu.memory_space<vmem>>, vector<16xi32>,
        %shift_left3A = arith.constant 16 : i32
        %shift_left3A_419 = vector.broadcast %shift_left3A : i32 to vector<16xi32>
        %shift_left3A_420 = arith.shli %get3A_418, %shift_left3A_419 : vector<16xi32>
        %bitcast3A_421 = vector.bitcast %shift_left3A_420 : vector<16xi32> to vector<16xf32>
        %mul3A_422 = arith.mulf %bitcast3A_421, %gather3A_415 : vector<16xf32>
        %and3A = arith.constant -65536 : i32
        %and3A_423 = vector.broadcast %and3A : i32 to vector<16xi32>
        %and3A_424 = arith.andi %get3A_418, %and3A_423 : vector<16xi32>
        %bitcast3A_425 = vector.bitcast %and3A_424 : vector<16xi32> to vector<16xf32>
        %mul3A_426 = arith.mulf %bitcast3A_425, %gather3A_415 : vector<16xf32>
        %add3A_427 = arith.constant 0 : i32
        %add3A_428 = vector.broadcast %add3A_427 : i32 to vector<16xi32>
        %add3A_429 = arith.addi %add3A_428, %mul3A_5 : vector<16xi32>
        tpu.vector_store_idx %arg15[%broadcast_in_dim3A, %add3A_429], %mul3A_422 : memref<128x128xf32, #tpu.memory_space<vmem>>[vector<16xi32>, vector<16xi32>], vector<16xf32>,
        %add3A_430 = arith.constant 1 : i32
        %add3A_431 = vector.broadcast %add3A_430 : i32 to vector<16xi32>
        %add3A_432 = arith.addi %add3A_429, %add3A_431 : vector<16xi32>
        tpu.vector_store_idx %arg15[%broadcast_in_dim3A, %add3A_432], %mul3A_426 : memref<128x128xf32, #tpu.memory_space<vmem>>[vector<16xi32>, vector<16xi32>], vector<16xf32>,
        %get3A_433 = arith.index_cast %scan3A_413 : i32 to index
        %get3A_434 = arith.constant 16 : index
        %get3A_435 = tpu.vector_load %arg14[%get3A_433, %get3A_434] {strides = array<i32>} : memref<128x64xi32, #tpu.memory_space<vmem>>, vector<16xi32>,
        %shift_left3A_436 = arith.constant 16 : i32
        %shift_left3A_437 = vector.broadcast %shift_left3A_436 : i32 to vector<16xi32>
        %shift_left3A_438 = arith.shli %get3A_435, %shift_left3A_437 : vector<16xi32>
        %bitcast3A_439 = vector.bitcast %shift_left3A_438 : vector<16xi32> to vector<16xf32>
        %mul3A_440 = arith.mulf %bitcast3A_439, %gather3A_415 : vector<16xf32>
        %and3A_441 = arith.constant -65536 : i32
        %and3A_442 = vector.broadcast %and3A_441 : i32 to vector<16xi32>
        %and3A_443 = arith.andi %get3A_435, %and3A_442 : vector<16xi32>
        %bitcast3A_444 = vector.bitcast %and3A_443 : vector<16xi32> to vector<16xf32>
        %mul3A_445 = arith.mulf %bitcast3A_444, %gather3A_415 : vector<16xf32>
        %add3A_446 = arith.constant 32 : i32
        %add3A_447 = vector.broadcast %add3A_446 : i32 to vector<16xi32>
        %add3A_448 = arith.addi %add3A_447, %mul3A_5 : vector<16xi32>
        tpu.vector_store_idx %arg15[%broadcast_in_dim3A, %add3A_448], %mul3A_440 : memref<128x128xf32, #tpu.memory_space<vmem>>[vector<16xi32>, vector<16xi32>], vector<16xf32>,
        %add3A_449 = arith.constant 1 : i32
        %add3A_450 = vector.broadcast %add3A_449 : i32 to vector<16xi32>
        %add3A_451 = arith.addi %add3A_448, %add3A_450 : vector<16xi32>
        tpu.vector_store_idx %arg15[%broadcast_in_dim3A, %add3A_451], %mul3A_445 : memref<128x128xf32, #tpu.memory_space<vmem>>[vector<16xi32>, vector<16xi32>], vector<16xf32>,
        %get3A_452 = arith.index_cast %scan3A_413 : i32 to index
        %get3A_453 = arith.constant 32 : index
        %get3A_454 = tpu.vector_load %arg14[%get3A_452, %get3A_453] {strides = array<i32>} : memref<128x64xi32, #tpu.memory_space<vmem>>, vector<16xi32>,
        %shift_left3A_455 = arith.constant 16 : i32
        %shift_left3A_456 = vector.broadcast %shift_left3A_455 : i32 to vector<16xi32>
        %shift_left3A_457 = arith.shli %get3A_454, %shift_left3A_456 : vector<16xi32>
        %bitcast3A_458 = vector.bitcast %shift_left3A_457 : vector<16xi32> to vector<16xf32>
        %mul3A_459 = arith.mulf %bitcast3A_458, %gather3A_415 : vector<16xf32>
        %and3A_460 = arith.constant -65536 : i32
        %and3A_461 = vector.broadcast %and3A_460 : i32 to vector<16xi32>
        %and3A_462 = arith.andi %get3A_454, %and3A_461 : vector<16xi32>
        %bitcast3A_463 = vector.bitcast %and3A_462 : vector<16xi32> to vector<16xf32>
        %mul3A_464 = arith.mulf %bitcast3A_463, %gather3A_415 : vector<16xf32>
        %add3A_465 = arith.constant 64 : i32
        %add3A_466 = vector.broadcast %add3A_465 : i32 to vector<16xi32>
        %add3A_467 = arith.addi %add3A_466, %mul3A_5 : vector<16xi32>
        tpu.vector_store_idx %arg15[%broadcast_in_dim3A, %add3A_467], %mul3A_459 : memref<128x128xf32, #tpu.memory_space<vmem>>[vector<16xi32>, vector<16xi32>], vector<16xf32>,
        %add3A_468 = arith.constant 1 : i32
        %add3A_469 = vector.broadcast %add3A_468 : i32 to vector<16xi32>
        %add3A_470 = arith.addi %add3A_467, %add3A_469 : vector<16xi32>
        tpu.vector_store_idx %arg15[%broadcast_in_dim3A, %add3A_470], %mul3A_464 : memref<128x128xf32, #tpu.memory_space<vmem>>[vector<16xi32>, vector<16xi32>], vector<16xf32>,
        %get3A_471 = arith.index_cast %scan3A_413 : i32 to index
        %get3A_472 = arith.constant 48 : index
        %get3A_473 = tpu.vector_load %arg14[%get3A_471, %get3A_472] {strides = array<i32>} : memref<128x64xi32, #tpu.memory_space<vmem>>, vector<16xi32>,
        %shift_left3A_474 = arith.constant 16 : i32
        %shift_left3A_475 = vector.broadcast %shift_left3A_474 : i32 to vector<16xi32>
        %shift_left3A_476 = arith.shli %get3A_473, %shift_left3A_475 : vector<16xi32>
        %bitcast3A_477 = vector.bitcast %shift_left3A_476 : vector<16xi32> to vector<16xf32>
        %mul3A_478 = arith.mulf %bitcast3A_477, %gather3A_415 : vector<16xf32>
        %and3A_479 = arith.constant -65536 : i32
        %and3A_480 = vector.broadcast %and3A_479 : i32 to vector<16xi32>
        %and3A_481 = arith.andi %get3A_473, %and3A_480 : vector<16xi32>
        %bitcast3A_482 = vector.bitcast %and3A_481 : vector<16xi32> to vector<16xf32>
        %mul3A_483 = arith.mulf %bitcast3A_482, %gather3A_415 : vector<16xf32>
        %add3A_484 = arith.constant 96 : i32
        %add3A_485 = vector.broadcast %add3A_484 : i32 to vector<16xi32>
        %add3A_486 = arith.addi %add3A_485, %mul3A_5 : vector<16xi32>
        tpu.vector_store_idx %arg15[%broadcast_in_dim3A, %add3A_486], %mul3A_478 : memref<128x128xf32, #tpu.memory_space<vmem>>[vector<16xi32>, vector<16xi32>], vector<16xf32>,
        %add3A_487 = arith.constant 1 : i32
        %add3A_488 = vector.broadcast %add3A_487 : i32 to vector<16xi32>
        %add3A_489 = arith.addi %add3A_486, %add3A_488 : vector<16xi32>
        tpu.vector_store_idx %arg15[%broadcast_in_dim3A, %add3A_489], %mul3A_483 : memref<128x128xf32, #tpu.memory_space<vmem>>[vector<16xi32>, vector<16xi32>], vector<16xf32>,
        %scan3A_490 = arith.constant 0 : i32
        scf.yield %scan3A_490 : i32
      }
      %scan3A_399 = arith.constant 128 : i32
      %dma_start3A_400 = arith.constant 0 : i32
      %dma_start3A_401 = arith.constant 0 : i32
      %dma_start3A_402 = tpu.memref_slice %arg21[%dma_start3A_400, %dma_start3A_401] : memref<10240x128xf32, #tpu.memory_space<vmem_shared>> -> memref<10240x128xf32, #tpu.memory_space<vmem_shared>>
      tpu.enqueue_indirect_dma source(%arg15 : memref<128x128xf32, #tpu.memory_space<vmem>>) target(%dma_start3A_402 : memref<10240x128xf32, #tpu.memory_space<vmem_shared>>) offsets(%arg9 : memref<128xi32, #tpu.memory_space<vmem>>) semaphore(%arg20 : memref<!tpu.dma_semaphore, #tpu.memory_space<semaphore_mem>>) {add = true}
      %add3A_403 = arith.addi %mul3A_2, %mul3A_79 : i32
      %add3A_404 = arith.constant 3 : i32
      %add3A_405 = arith.addi %add3A_403, %add3A_404 : i32
      %dma_start3A_406 = arith.constant 0 : i32
      %dma_start3A_407 = tpu.memref_slice %arg3[%add3A_405, %dma_start3A_406] : memref<2626x384xi32, #tpu.memory_space<hbm>> -> memref<1x384xi32, #tpu.memory_space<hbm>>
      %dma_start3A_408 = tpu.memref_squeeze %dma_start3A_407 : memref<1x384xi32, #tpu.memory_space<hbm>> -> memref<384xi32, #tpu.memory_space<hbm>>
      %dma_start3A_409 = arith.constant 0 : i32
      %dma_start3A_410 = tpu.memref_slice %arg3[%add3A_405, %dma_start3A_409] : memref<2626x384xi32, #tpu.memory_space<hbm>> -> memref<1x384xi32, #tpu.memory_space<hbm>>
      %dma_start3A_411 = tpu.memref_squeeze %dma_start3A_410 : memref<1x384xi32, #tpu.memory_space<hbm>> -> memref<384xi32, #tpu.memory_space<hbm>>
      tpu.enqueue_dma source(%dma_start3A_411 : memref<384xi32, #tpu.memory_space<hbm>>) target(%arg7 : memref<384xi32, #tpu.memory_space<vmem>>) target_semaphore(%arg17 : memref<!tpu.dma_semaphore, #tpu.memory_space<semaphore_mem>>)
      %scan3A_412 = arith.constant 0 : i32
      scf.yield %scan3A_412 : i32
    }
    %scan3A_57 = arith.constant 41 : i32
    %dma_wait3A = arith.constant 0 : i32
    %dma_wait3A_58 = tpu.memref_slice %arg6[%dma_wait3A] : memref<384xi32, #tpu.memory_space<vmem>> -> memref<128xi32, #tpu.memory_space<vmem>>
    %dma_wait3A_59 = arith.constant 0 : i32
    %dma_wait3A_60 = arith.constant 0 : i32
    %dma_wait3A_61 = tpu.memref_slice %arg2[%dma_wait3A_59, %dma_wait3A_60] : memref<10240x64xi32, #tpu.memory_space<hbm>> -> memref<10240x64xi32, #tpu.memory_space<hbm>>
    tpu.wait_indirect_dma semaphore(%arg18 : memref<!tpu.dma_semaphore, #tpu.memory_space<semaphore_mem>>) src(%dma_wait3A_61 : memref<10240x64xi32, #tpu.memory_space<hbm>>) dst(%arg13 : memref<128x64xi32, #tpu.memory_space<vmem>>)
    %dma_wait3A_62 = arith.constant 0 : i32
    %dma_wait3A_63 = tpu.memref_slice %arg3[%mul3A_2, %dma_wait3A_62] : memref<2626x384xi32, #tpu.memory_space<hbm>> -> memref<1x384xi32, #tpu.memory_space<hbm>>
    %dma_wait3A_64 = tpu.memref_squeeze %dma_wait3A_63 : memref<1x384xi32, #tpu.memory_space<hbm>> -> memref<384xi32, #tpu.memory_space<hbm>>
    %dma_wait3A_65 = arith.constant 0 : i32
    %dma_wait3A_66 = tpu.memref_slice %arg3[%mul3A_2, %dma_wait3A_65] : memref<2626x384xi32, #tpu.memory_space<hbm>> -> memref<1x384xi32, #tpu.memory_space<hbm>>
    %dma_wait3A_67 = tpu.memref_squeeze %dma_wait3A_66 : memref<1x384xi32, #tpu.memory_space<hbm>> -> memref<384xi32, #tpu.memory_space<hbm>>
    tpu.wait_dma2 semaphore(%arg17 : memref<!tpu.dma_semaphore, #tpu.memory_space<semaphore_mem>>) src(%dma_wait3A_67 : memref<384xi32, #tpu.memory_space<hbm>>) dst(%arg7 : memref<384xi32, #tpu.memory_space<vmem>>)
    %dma_wait3A_68 = arith.constant 0 : i32
    %dma_wait3A_69 = arith.constant 0 : i32
    %dma_wait3A_70 = tpu.memref_slice %arg21[%dma_wait3A_68, %dma_wait3A_69] : memref<10240x128xf32, #tpu.memory_space<vmem_shared>> -> memref<10240x128xf32, #tpu.memory_space<vmem_shared>>
    tpu.wait_indirect_dma semaphore(%arg20 : memref<!tpu.dma_semaphore, #tpu.memory_space<semaphore_mem>>) src(%arg15 : memref<128x128xf32, #tpu.memory_space<vmem>>) dst(%dma_wait3A_70 : memref<10240x128xf32, #tpu.memory_space<vmem_shared>>)
    %barrier3A_71 = arith.constant 0 : index
    tpu.barrier barrier_id(%barrier3A_71)
    %mul3A_72 = arith.constant 640 : i32
    %mul3A_73 = arith.muli %arg1, %mul3A_72 : i32
    %mul3A_74 = arith.constant 640 : i32
    %mul3A_75 = arith.muli %arg1, %mul3A_74 : i32
    "tpu.region"() ({
      %run_scoped3A = tpu.sem_alloc : memref<!tpu.dma_semaphore, #tpu.memory_space<semaphore_mem>>
      %dma_start3A_76 = arith.constant 0 : i32
      %dma_start3A_77 = arith.constant 0 : i32
      %dma_start3A_78 = tpu.memref_slice %arg5[%arg0, %dma_start3A_76, %dma_start3A_77] : memref<2x10240x128xf32, #tpu.memory_space<hbm>> -> memref<1x10240x128xf32, #tpu.memory_space<hbm>>
      %dma_start3A_79 = tpu.memref_squeeze %dma_start3A_78 : memref<1x10240x128xf32, #tpu.memory_space<hbm>> -> memref<10240x128xf32, #tpu.memory_space<hbm>>
      %dma_start3A_80 = arith.constant 0 : i32
      %dma_start3A_81 = tpu.memref_slice %dma_start3A_79[%mul3A_75, %dma_start3A_80] : memref<10240x128xf32, #tpu.memory_space<hbm>> -> memref<640x128xf32, #tpu.memory_space<hbm>>
      %dma_start3A_82 = arith.constant 0 : i32
      %dma_start3A_83 = tpu.memref_slice %arg21[%mul3A_73, %dma_start3A_82] : memref<10240x128xf32, #tpu.memory_space<vmem_shared>> -> memref<640x128xf32, #tpu.memory_space<vmem_shared>>
      tpu.enqueue_dma source(%dma_start3A_83 : memref<640x128xf32, #tpu.memory_space<vmem_shared>>) target(%dma_start3A_81 : memref<640x128xf32, #tpu.memory_space<hbm>>) target_semaphore(%run_scoped3A : memref<!tpu.dma_semaphore, #tpu.memory_space<semaphore_mem>>)
      %dma_wait3A_84 = arith.constant 0 : i32
      %dma_wait3A_85 = arith.constant 0 : i32
      %dma_wait3A_86 = tpu.memref_slice %arg5[%arg0, %dma_wait3A_84, %dma_wait3A_85] : memref<2x10240x128xf32, #tpu.memory_space<hbm>> -> memref<1x10240x128xf32, #tpu.memory_space<hbm>>
      %dma_wait3A_87 = tpu.memref_squeeze %dma_wait3A_86 : memref<1x10240x128xf32, #tpu.memory_space<hbm>> -> memref<10240x128xf32, #tpu.memory_space<hbm>>
      %dma_wait3A_88 = arith.constant 0 : i32
      %dma_wait3A_89 = tpu.memref_slice %dma_wait3A_87[%mul3A_75, %dma_wait3A_88] : memref<10240x128xf32, #tpu.memory_space<hbm>> -> memref<640x128xf32, #tpu.memory_space<hbm>>
      %dma_wait3A_90 = arith.constant 0 : i32
      %dma_wait3A_91 = tpu.memref_slice %arg21[%mul3A_73, %dma_wait3A_90] : memref<10240x128xf32, #tpu.memory_space<vmem_shared>> -> memref<640x128xf32, #tpu.memory_space<vmem_shared>>
      tpu.wait_dma2 semaphore(%run_scoped3A : memref<!tpu.dma_semaphore, #tpu.memory_space<semaphore_mem>>) src(%dma_wait3A_91 : memref<640x128xf32, #tpu.memory_space<vmem_shared>>) dst(%dma_wait3A_89 : memref<640x128xf32, #tpu.memory_space<hbm>>)
      tpu.yield
    }) : () -> ()
    return
  }
}

module attributes {stable_mosaic.version = 14 : i64} {
  func.func @body(%arg0: i32, %arg1: memref<2x128xf32, #tpu.memory_space<vmem>>, %arg2: memref<128x128xf32, #tpu.memory_space<vmem>>, %arg3: memref<128x128xf32, #tpu.memory_space<vmem>>, %arg4: memref<128x128xbf16, #tpu.memory_space<vmem>>, %arg5: memref<1x1x128xf32, #tpu.memory_space<vmem>>) attributes {dimension_semantics = [#tpu.dimension_semantics<arbitrary>], iteration_bounds = array<i64: 80>, scalar_prefetch = 0 : i64, scratch_operands = 0 : i64, tpu.core_type = #tpu.core_type<tc>, window_params = [{transform_indices = @transform_0, window_bounds = array<i64: 2, 128>}, {transform_indices = @transform_1, window_bounds = array<i64: 128, 128>}, {pipeline_mode = #tpu.pipeline_mode<synchronous>, transform_indices = @transform_2, window_bounds = array<i64: 128, 128>}, {transform_indices = @transform_3, window_bounds = array<i64: 128, 128>}, {transform_indices = @transform_4, window_bounds = array<i64: 1, 1, 128>}]} {
    %get3A = arith.constant 0 : index
    %get3A_0 = arith.constant 0 : index
    %get3A_1 = vector.load %arg1[%get3A, %get3A_0] : memref<2x128xf32, #tpu.memory_space<vmem>>, vector<1x128xf32>
    %get3A_2 = vector.shape_cast %get3A_1 : vector<1x128xf32> to vector<128xf32>
    %get3A_3 = arith.constant 1 : index
    %get3A_4 = arith.constant 0 : index
    %get3A_5 = vector.load %arg1[%get3A_3, %get3A_4] : memref<2x128xf32, #tpu.memory_space<vmem>>, vector<1x128xf32>
    %get3A_6 = vector.shape_cast %get3A_5 : vector<1x128xf32> to vector<128xf32>
    %add3A = arith.addf %get3A_2, %get3A_6 : vector<128xf32>
    %rsqrt3A = math.rsqrt %add3A : vector<128xf32>
    %swap3A = arith.constant 0 : index
    %swap3A_7 = arith.constant 0 : index
    %swap3A_8 = arith.constant 0 : index
    %swap3A_9 = vector.load %arg5[%swap3A, %swap3A_7, %swap3A_8] : memref<1x1x128xf32, #tpu.memory_space<vmem>>, vector<1x1x128xf32>
    %swap3A_10 = vector.shape_cast %swap3A_9 : vector<1x1x128xf32> to vector<128xf32>
    %swap3A_11 = vector.shape_cast %rsqrt3A : vector<128xf32> to vector<1x1x128xf32>
    tpu.vector_store %arg5[%swap3A, %swap3A_7, %swap3A_8], %swap3A_11 {strides = array<i32>} : memref<1x1x128xf32, #tpu.memory_space<vmem>>, vector<1x1x128xf32>,
    %get3A_12 = arith.constant 0 : index
    %get3A_13 = arith.constant 0 : index
    %get3A_14 = vector.load %arg2[%get3A_12, %get3A_13] : memref<128x128xf32, #tpu.memory_space<vmem>>, vector<128x128xf32>
    %get3A_15 = arith.constant 0 : index
    %get3A_16 = arith.constant 0 : index
    %get3A_17 = vector.load %arg3[%get3A_15, %get3A_16] : memref<128x128xf32, #tpu.memory_space<vmem>>, vector<128x128xf32>
    %dot_general3A = arith.constant dense<0.000000e+00> : vector<128x128xf32>
    %dot_general3A_18 = tpu.matmul %get3A_14, %get3A_17, %dot_general3A {dimension_numbers = #tpu.dot_dimension_numbers<[1], [0], [0], [1], [0, 0, 1, 1], [], []>, transpose_lhs_hint = false} : vector<128x128xf32>, vector<128x128xf32>, vector<128x128xf32> -> vector<128x128xf32>
    %convert_element_type3A = arith.truncf %dot_general3A_18 : vector<128x128xf32> to vector<128x128xbf16>
    %swap3A_19 = arith.constant 0 : index
    %swap3A_20 = arith.constant 0 : index
    %swap3A_21 = vector.load %arg4[%swap3A_19, %swap3A_20] : memref<128x128xbf16, #tpu.memory_space<vmem>>, vector<128x128xbf16>
    tpu.vector_store %arg4[%swap3A_19, %swap3A_20], %convert_element_type3A {strides = array<i32>} : memref<128x128xbf16, #tpu.memory_space<vmem>>, vector<128x128xbf16>,
    return
  }
  func.func @transform_0(%arg0: i32) -> (i32, i32) {
    %c0_i32 = arith.constant 0 : i32
    %c0_i32_0 = arith.constant 0 : i32
    return %c0_i32, %arg0 : i32, i32
  }
  func.func @transform_1(%arg0: i32) -> (i32, i32) {
    %c0_i32 = arith.constant 0 : i32
    %c0_i32_0 = arith.constant 0 : i32
    return %arg0, %c0_i32 : i32, i32
  }
  func.func @transform_2(%arg0: i32) -> (i32, i32) {
    %c0_i32 = arith.constant 0 : i32
    %c0_i32_0 = arith.constant 0 : i32
    %c0_i32_1 = arith.constant 0 : i32
    return %c0_i32, %c0_i32_0 : i32, i32
  }
  func.func @transform_3(%arg0: i32) -> (i32, i32) {
    %c0_i32 = arith.constant 0 : i32
    %c0_i32_0 = arith.constant 0 : i32
    return %arg0, %c0_i32 : i32, i32
  }
  func.func @transform_4(%arg0: i32) -> (i32, i32, i32) {
    %c0_i32 = arith.constant 0 : i32
    %c0_i32_0 = arith.constant 0 : i32
    %c0_i32_1 = arith.constant 0 : i32
    return %arg0, %c0_i32, %c0_i32_0 : i32, i32, i32
  }
}

module attributes {stable_mosaic.version = 14 : i64} {
  func.func @body(%arg0: i32, %arg1: memref<2x128x128xf32, #tpu.memory_space<vmem>>, %arg2: memref<1x128xf32, #tpu.memory_space<vmem>>, %arg3: memref<128x128xf32, #tpu.memory_space<vmem>>, %arg4: memref<128x128xbf16, #tpu.memory_space<vmem>>) attributes {dimension_semantics = [#tpu.dimension_semantics<arbitrary>], iteration_bounds = array<i64: 80>, scalar_prefetch = 0 : i64, scratch_operands = 0 : i64, tpu.core_type = #tpu.core_type<tc>, window_params = [{transform_indices = @transform_0, window_bounds = array<i64: 2, 128, 128>}, {pipeline_mode = #tpu.pipeline_mode<synchronous>, transform_indices = @transform_1, window_bounds = array<i64: 1, 128>}, {pipeline_mode = #tpu.pipeline_mode<synchronous>, transform_indices = @transform_2, window_bounds = array<i64: 128, 128>}, {transform_indices = @transform_3, window_bounds = array<i64: 128, 128>}]} {
    %get3A = arith.constant 0 : index
    %get3A_0 = arith.constant 0 : index
    %get3A_1 = arith.constant 0 : index
    %get3A_2 = vector.load %arg1[%get3A, %get3A_0, %get3A_1] : memref<2x128x128xf32, #tpu.memory_space<vmem>>, vector<1x128x128xf32>
    %get3A_3 = vector.shape_cast %get3A_2 : vector<1x128x128xf32> to vector<128x128xf32>
    %get3A_4 = arith.constant 1 : index
    %get3A_5 = arith.constant 0 : index
    %get3A_6 = arith.constant 0 : index
    %get3A_7 = vector.load %arg1[%get3A_4, %get3A_5, %get3A_6] : memref<2x128x128xf32, #tpu.memory_space<vmem>>, vector<1x128x128xf32>
    %get3A_8 = vector.shape_cast %get3A_7 : vector<1x128x128xf32> to vector<128x128xf32>
    %add3A = arith.addf %get3A_3, %get3A_8 : vector<128x128xf32>
    %get3A_9 = arith.constant 0 : index
    %get3A_10 = arith.constant 0 : index
    %get3A_11 = vector.load %arg2[%get3A_9, %get3A_10] : memref<1x128xf32, #tpu.memory_space<vmem>>, vector<1x128xf32>
    %add3A_12 = vector.broadcast %get3A_11 : vector<1x128xf32> to vector<128x128xf32>
    %add3A_13 = arith.addf %add3A, %add3A_12 : vector<128x128xf32>
    %max3A = arith.constant 0.000000e+00 : f32
    %max3A_14 = vector.broadcast %max3A : f32 to vector<128x128xf32>
    %max3A_15 = arith.maximumf %add3A_13, %max3A_14 : vector<128x128xf32>
    %get3A_16 = arith.constant 0 : index
    %get3A_17 = arith.constant 0 : index
    %get3A_18 = vector.load %arg3[%get3A_16, %get3A_17] : memref<128x128xf32, #tpu.memory_space<vmem>>, vector<128x128xf32>
    %dot_general3A = arith.constant dense<0.000000e+00> : vector<128x128xf32>
    %dot_general3A_19 = tpu.matmul %max3A_15, %get3A_18, %dot_general3A {dimension_numbers = #tpu.dot_dimension_numbers<[1], [0], [0], [1], [0, 0, 1, 1], [], []>, transpose_lhs_hint = false} : vector<128x128xf32>, vector<128x128xf32>, vector<128x128xf32> -> vector<128x128xf32>
    %convert_element_type3A = arith.truncf %dot_general3A_19 : vector<128x128xf32> to vector<128x128xbf16>
    %swap3A = arith.constant 0 : index
    %swap3A_20 = arith.constant 0 : index
    %swap3A_21 = vector.load %arg4[%swap3A, %swap3A_20] : memref<128x128xbf16, #tpu.memory_space<vmem>>, vector<128x128xbf16>
    tpu.vector_store %arg4[%swap3A, %swap3A_20], %convert_element_type3A {strides = array<i32>} : memref<128x128xbf16, #tpu.memory_space<vmem>>, vector<128x128xbf16>,
    return
  }
  func.func @transform_0(%arg0: i32) -> (i32, i32, i32) {
    %c0_i32 = arith.constant 0 : i32
    %c0_i32_0 = arith.constant 0 : i32
    %c0_i32_1 = arith.constant 0 : i32
    return %c0_i32, %arg0, %c0_i32_0 : i32, i32, i32
  }
  func.func @transform_1(%arg0: i32) -> (i32, i32) {
    %c0_i32 = arith.constant 0 : i32
    %c0_i32_0 = arith.constant 0 : i32
    %c0_i32_1 = arith.constant 0 : i32
    return %c0_i32, %c0_i32_0 : i32, i32
  }
  func.func @transform_2(%arg0: i32) -> (i32, i32) {
    %c0_i32 = arith.constant 0 : i32
    %c0_i32_0 = arith.constant 0 : i32
    %c0_i32_1 = arith.constant 0 : i32
    return %c0_i32, %c0_i32_0 : i32, i32
  }
  func.func @transform_3(%arg0: i32) -> (i32, i32) {
    %c0_i32 = arith.constant 0 : i32
    %c0_i32_0 = arith.constant 0 : i32
    return %arg0, %c0_i32 : i32, i32
  }
}

module attributes {stable_mosaic.version = 14 : i64} {
  func.func @body(%arg0: i32, %arg1: memref<2x128x128xf32, #tpu.memory_space<vmem>>, %arg2: memref<1x128xf32, #tpu.memory_space<vmem>>, %arg3: memref<128x128xf32, #tpu.memory_space<vmem>>) attributes {dimension_semantics = [#tpu.dimension_semantics<arbitrary>], iteration_bounds = array<i64: 80>, scalar_prefetch = 0 : i64, scratch_operands = 0 : i64, tpu.core_type = #tpu.core_type<tc>, window_params = [{transform_indices = @transform_0, window_bounds = array<i64: 2, 128, 128>}, {pipeline_mode = #tpu.pipeline_mode<synchronous>, transform_indices = @transform_1, window_bounds = array<i64: 1, 128>}, {transform_indices = @transform_2, window_bounds = array<i64: 128, 128>}]} {
    %get3A = arith.constant 0 : index
    %get3A_0 = arith.constant 0 : index
    %get3A_1 = arith.constant 0 : index
    %get3A_2 = vector.load %arg1[%get3A, %get3A_0, %get3A_1] : memref<2x128x128xf32, #tpu.memory_space<vmem>>, vector<1x128x128xf32>
    %get3A_3 = vector.shape_cast %get3A_2 : vector<1x128x128xf32> to vector<128x128xf32>
    %get3A_4 = arith.constant 1 : index
    %get3A_5 = arith.constant 0 : index
    %get3A_6 = arith.constant 0 : index
    %get3A_7 = vector.load %arg1[%get3A_4, %get3A_5, %get3A_6] : memref<2x128x128xf32, #tpu.memory_space<vmem>>, vector<1x128x128xf32>
    %get3A_8 = vector.shape_cast %get3A_7 : vector<1x128x128xf32> to vector<128x128xf32>
    %add3A = arith.addf %get3A_3, %get3A_8 : vector<128x128xf32>
    %get3A_9 = arith.constant 0 : index
    %get3A_10 = arith.constant 0 : index
    %get3A_11 = vector.load %arg2[%get3A_9, %get3A_10] : memref<1x128xf32, #tpu.memory_space<vmem>>, vector<1x128xf32>
    %add3A_12 = vector.broadcast %get3A_11 : vector<1x128xf32> to vector<128x128xf32>
    %add3A_13 = arith.addf %add3A, %add3A_12 : vector<128x128xf32>
    %max3A = arith.constant 0.000000e+00 : f32
    %max3A_14 = vector.broadcast %max3A : f32 to vector<128x128xf32>
    %max3A_15 = arith.maximumf %add3A_13, %max3A_14 : vector<128x128xf32>
    %swap3A = arith.constant 0 : index
    %swap3A_16 = arith.constant 0 : index
    %swap3A_17 = vector.load %arg3[%swap3A, %swap3A_16] : memref<128x128xf32, #tpu.memory_space<vmem>>, vector<128x128xf32>
    tpu.vector_store %arg3[%swap3A, %swap3A_16], %max3A_15 {strides = array<i32>} : memref<128x128xf32, #tpu.memory_space<vmem>>, vector<128x128xf32>,
    return
  }
  func.func @transform_0(%arg0: i32) -> (i32, i32, i32) {
    %c0_i32 = arith.constant 0 : i32
    %c0_i32_0 = arith.constant 0 : i32
    %c0_i32_1 = arith.constant 0 : i32
    return %c0_i32, %arg0, %c0_i32_0 : i32, i32, i32
  }
  func.func @transform_1(%arg0: i32) -> (i32, i32) {
    %c0_i32 = arith.constant 0 : i32
    %c0_i32_0 = arith.constant 0 : i32
    %c0_i32_1 = arith.constant 0 : i32
    return %c0_i32, %c0_i32_0 : i32, i32
  }
  func.func @transform_2(%arg0: i32) -> (i32, i32) {
    %c0_i32 = arith.constant 0 : i32
    %c0_i32_0 = arith.constant 0 : i32
    return %arg0, %c0_i32 : i32, i32
  }
}

</mosaic_0001>

<sc_bundles>
// kernel: kernel.11.cloned.1.call-start
scs
__scs_entry_jumppad:
0x0: {  	(pc) =	sbr.rel $0x88, $3  }
0x1: {  	(tag) =	ssettag $0x0;
	lr =	simm.s32 $0x1  }
0x2: {  	[smem:$0x3F9A] =	sst lr;
	_ =	strace $0xD0000000  }
0x3: {  	_ = 	snop  }
0x4: {  	_ = 	snop  }
0x5: {  	_ = 	snop  }
0x6: {  	_ = 	snop  }
0x7: {  	_ = 	snop  }
__scs_overlays_trampoline_lowered:
0x8: {  	[smem:$0x3FA9] =	sst s0  }
0x9: {  	[smem:$0x3FAA] =	sst s1  }
0xa: {  	[smem:$0x3FAB] =	sst s2  }
0xb: {  	[smem:$0x3FAC] =	sst s3  }
0xc: {  	[smem:$0x3FAD] =	sst s4  }
0xd: {  	[smem:$0x3FAE] =	sst s5  }
0xe: {  	[smem:$0x3FAF] =	sst s6  }
0xf: {  	[smem:$0x3FB0] =	sst s7  }
0x10: {  	[smem:$0x3FB1] =	sst s8  }
0x11: {  	[smem:$0x3FB2] =	sst s9;
	s0 =	simm.s32 @!p0 $0x0  }
0x12: {  	s1 =	sld [smem:$0x3F98];
	s0 =	simm.s32 @p0 $0x1  }
0x13: {  	[smem:$0x3FB3] =	sst s0;
	s0 =	simm.s32 @!p1 $0x0  }
0x14: {  	s2 =	sld [smem:$0x3F97];
	s0 =	simm.s32 @p1 $0x1  }
0x15: {  	[smem:$0x3FB4] =	sst s0;
	s0 =	simm.s32 @!p2 $0x0  }
0x16: {  	s3 =	sld [smem:$0x3FDB];
	s0 =	simm.s32 @p2 $0x1  }
0x17: {  	s4 =	simm.s32 $0x1BF5;
	[smem:$0x3FB6] =	sst s0  }
0x18: {  	s0 =	sld [smem:$0x3F99];
	_ =	swait.ge [sflag:s4], $0x0  }
0x19: {  	s7 =	sld [smem:$0x3F9A]  }
0x1a: {  	s8 =	sadd.s32 $0xFFFFE003, lr  }
0x1b: {  	s9 =	sadd.s32 $0xFFFFFEF7, lr;
	s5 =	simm.s32 $0xFFFFFFFF;
	p2 =	slt.u32 s8, $0xFFFFF086  }
0x1c: {  	p1 =	slt.u32 s9, $0xF7A;
	s5 =	simm.s32 @!p2 $0x0  }
0x1d: {  	s5 =	simm.s32 @p1 $0x1;
	p0 =	seq.s32 s7, s2  }
0x1e: {  	s7 =	smul.u32 @!p0 $0xF7A, s2;
	p2 =	seq.s32 @!p0 s5, $0x0  }
0x1f: {  	s9 =	smul.u32 $0xF7A, s1;
	s8 =	simm.s32 @!p0 $0x1BF5;
	p2 =	por !p2, p0  }
0x20: {  	[sflag:s8] =	ssyncset.s32 @!p0 $0xFFFFF086;
	s6 =	sadd.s32 @!p0 s3, s7;
	s7 =	simm.s32 @!p0 $0x108  }
0x21: {  	s3 =	sadd.s32 s3, s9;
	s6 =	sadd.s32 @!p0 $0x88, s6;
	s7 =	simm.s32 @p2 $0x1082  }
0x22: {  	[simem:s7], [sflag:s8] =	dma.local @!p0 [hbm:s6], $0xF7A  }
0x23: {  	s9 =	sor.u32 $0xD0000000, s2;
	s6 =	simm.s32 $0x108;
	_ =	swait.ge @!p0 [sflag:s8], $0x0  }
0x24: {  	s3 =	sadd.s32 $0x88, s3;
	s6 =	simm.s32 @!p1 $0x1082;
	[sflag:s4] =	ssyncset.s32 $0xFFFFF086  }
0x25: {  	[simem:s6], [sflag:s4] =	dma.local [hbm:s3], $0xF7A  }
0x26: {  	[smem:$0x3F9A] =	sst s1;
	(tag) =	ssettag s2;
	_ =	strace s9  }
0x27: {  	s1 =	sld [smem:$0x3FAA]  }
0x28: {  	s2 =	sld [smem:$0x3FAB]  }
0x29: {  	s4 =	sld [smem:$0x3FAD]  }
0x2a: {  	p0 =	seq.s32 s5, $0x0;
	s5 =	sld [smem:$0x3FAE]  }
0x2b: {  	s6 =	sld [smem:$0x3FAF]  }
0x2c: {  	s7 =	sld [smem:$0x3FB0]  }
0x2d: {  	s3 =	simm.s32 $0x108;
	s8 =	sld [smem:$0x3FB1]  }
0x2e: {  	s3 =	simm.s32 @!p0 $0x1082;
	s9 =	sld [smem:$0x3FB2]  }
0x2f: {  	lr =	sadd.s32 s0, s3;
	s0 =	sld [smem:$0x3FA9]  }
0x30: {  	s3 =	sld [smem:$0x3FAC]  }
0x31: {  	[smem:$0x3FB5] =	sst s10  }
0x32: {  	s10 =	sld [smem:$0x3FB3];
	_ =	sdelay $0x3  }
0x33: {  	p0 =	seq.s32 s10, $0x1;
	s10 =	sld [smem:$0x3FB5];
	_ =	sdelay $0x3  }
0x34: {  	[smem:$0x3FB5] =	sst s10  }
0x35: {  	s10 =	sld [smem:$0x3FB4];
	_ =	sdelay $0x3  }
0x36: {  	p1 =	seq.s32 s10, $0x1;
	s10 =	sld [smem:$0x3FB5];
	_ =	sdelay $0x3  }
0x37: {  	[smem:$0x3FB5] =	sst s10  }
0x38: {  	s10 =	sld [smem:$0x3FB6]  }
0x39: {  	_ = 	snop;
	(pc) =	sbr.ind lr, $3  }
0x3a: {  	_ = 	snop  }
0x3b: {  	_ = 	snop  }
0x3c: {  	p2 =	seq.s32 s10, $0x1;
	s10 =	sld [smem:$0x3FB5]  }
0x3d: {  	_ =	shalt  }
0x3e: {  	_ =	shalt  }
0x3f: {  	_ =	shalt  }
0x40: {  	_ =	shalt  }
0x41: {  	_ =	shalt  }
0x42: {  	_ =	shalt  }
0x43: {  	_ =	shalt  }
0x44: {  	_ =	shalt  }
0x45: {  	_ =	shalt  }
0x46: {  	_ =	shalt  }
0x47: {  	_ =	shalt  }
0x48: {  	_ =	shalt  }
0x49: {  	_ =	shalt  }
0x4a: {  	_ =	shalt  }
0x4b: {  	_ =	shalt  }
0x4c: {  	_ =	shalt  }
0x4d: {  	_ =	shalt  }
0x4e: {  	_ =	shalt  }
0x4f: {  	_ =	shalt  }
0x50: {  	_ =	shalt  }
0x51: {  	_ =	shalt  }
0x52: {  	_ =	shalt  }
0x53: {  	_ =	shalt  }
0x54: {  	_ =	shalt  }
0x55: {  	_ =	shalt  }
0x56: {  	_ =	shalt  }
0x57: {  	_ =	shalt  }
0x58: {  	_ =	shalt  }
0x59: {  	_ =	shalt  }
0x5a: {  	_ =	shalt  }
0x5b: {  	_ =	shalt  }
0x5c: {  	_ =	shalt  }
0x5d: {  	_ =	shalt  }
0x5e: {  	_ =	shalt  }
0x5f: {  	_ =	shalt  }
0x60: {  	_ =	shalt  }
0x61: {  	_ =	shalt  }
0x62: {  	_ =	shalt  }
0x63: {  	_ =	shalt  }
0x64: {  	_ =	shalt  }
0x65: {  	_ =	shalt  }
0x66: {  	_ =	shalt  }
0x67: {  	_ =	shalt  }
0x68: {  	_ =	shalt  }
0x69: {  	_ =	shalt  }
0x6a: {  	_ =	shalt  }
0x6b: {  	_ =	shalt  }
0x6c: {  	_ =	shalt  }
0x6d: {  	_ =	shalt  }
0x6e: {  	_ =	shalt  }
0x6f: {  	_ =	shalt  }
0x70: {  	_ =	shalt  }
0x71: {  	_ =	shalt  }
0x72: {  	_ =	shalt  }
0x73: {  	_ =	shalt  }
0x74: {  	_ =	shalt  }
0x75: {  	_ =	shalt  }
0x76: {  	_ =	shalt  }
0x77: {  	_ =	shalt  }
0x78: {  	_ =	shalt  }
0x79: {  	_ =	shalt  }
0x7a: {  	_ =	shalt  }
0x7b: {  	_ =	shalt  }
0x7c: {  	_ =	shalt  }
0x7d: {  	_ =	shalt  }
0x7e: {  	_ =	shalt  }
0x7f: {  	_ =	shalt  }
0x80: {  	_ =	shalt  }
0x81: {  	_ =	shalt  }
0x82: {  	_ =	shalt  }
0x83: {  	_ =	shalt  }
0x84: {  	_ =	shalt  }
0x85: {  	_ =	shalt  }
0x86: {  	_ =	shalt  }
0x87: {  	_ =	shalt  }
.Lfunc_end0:
.L_simem_size_0:
called_computation.1_lowered:
.L_overlay_start_0:
0x88: {  	s2 =	sld [smem:$0x3FD9]  }
0x89: {  	s3 =	sld [smem:$0x3FFE];
	_ =	sdelay $0x1  }
0x8a: {  	s1 =	srdreg.scid  }
0x8b: {  	s0 =	sand.u32 $0x1, s1  }
0x8c: {  	s17 =	sshll.u32 s0, $0xA;
	s2 =	sadd.s32 s3, s2  }
0x8d: {  	s2 =	sadd.s32 s2, s17  }
0x8e: {  	[smem:$0x3FC1] =	sst s2  }
0x8f: {  	_ = 	snop  }
0x90: {  	s2 =	sld [smem:$0x3FD0];
	(tm) =	ssettm $0x1  }
0x91: {  	s18 =	sld [smem:$0x3FFB];
	_ =	sdelay $0x3  }
0x92: {  	_ =	strace s18  }
0x93: {  	s3 =	sld [smem:$0x3FFC];
	_ =	sdelay $0x3  }
0x94: {  	_ =	strace s3  }
0x95: {  	s3 =	sld [smem:$0x3FFD];
	_ =	sdelay $0x3  }
0x96: {  	_ =	strace s3  }
0x97: {  	_ =	strace $0x8FFFFFFF  }
0x98: {  	s19 =	sld [smem:$0x3FDB];
	_ =	sdelay $0x1  }
0x99: {  	s4 =	simm.s32 $_scs_section_size  }
0x9a: {  	s5 =	simm.s32 $_size__tile_overlayer_lowered;
	s6 =	simm.s32 $_tile_overlayer_lowered  }
0x9b: {  	s22 =	simm.s32 $0x1BFF;
	s21 =	sshll.u32 s6, $0x1;
	s3 =	sadd.s32 s4, s19  }
0x9c: {  	s7 =	simm.s32 $0x0;
	s20 =	sshll.u32 s5, $0x1;
	s5 =	sadd.s32 s21, s3  }
0x9d: {  	[timem:s7], [sflag:s22] =	dma.local [hbm:s5], s20  }
0x9e: {  	_ =	swait.ge [sflag:s22], s20  }
0x9f: {  	s4 =	ssub.s32 $0x0, s20;
	[sflag:s22] =	ssyncset.done $0x0  }
0xa0: {  	[sflag:s22] =	ssyncadd.s32 s4;
	_ =	sdelay $0x1  }
0xa1: {  	s23 =	simm.s32 $0x1B8B  }
0xa2: {  	_ =	swait.ge [sflag:s23], $0x1  }
0xa3: {  	[sflag:s23] =	ssyncset.done $0x0  }
0xa4: {  	s25 =	simm.s32 $0x1B8E;
	s24 =	sld [smem:$0x3FFE];
	[sflag:s23] =	ssyncadd.s32 $0xFFFFFFFF  }
0xa5: {  	s26 =	simm.s32 $execute0_lowered;
	[smem:$0x3FD2] =	sst s25  }
0xa6: {  	s5 =	sshll.u32 s26, $0x1;
	_ =	strace $0x80000049;
	[dreg:$0x1] =	wrdreg $0xFFFFFFFF  }
0xa7: {  	s28 =	simm.s32 $_size_execute0_lowered;
	s3 =	sadd.s32 s3, s5;
	[dreg:$0x0] =	wrdreg $0x0  }
0xa8: {  	s5 =	sshll.u32 s28, $0x1;
	[dreg:$0x2] =	wrdreg s3  }
0xa9: {  	[dreg:$0x3] =	wrdreg s5  }
0xaa: {  	[dreg:$0x4] =	wrdreg $0xC0  }
0xab: {  	_ =	task [dreg:s7], $0x5FFFF  }
0xac: {  	[dreg:$0x1] =	wrdreg $0xFFFFFFFF  }
0xad: {  	[dreg:$0x0] =	wrdreg $0x60  }
0xae: {  	[dreg:$0x2] =	wrdreg s24  }
0xaf: {  	[dreg:$0x3] =	wrdreg s2  }
0xb0: {  	[dreg:$0x4] =	wrdreg $0xAD000  }
0xb1: {  	[dreg:$0x5] =	wrdreg $0x9  }
0xb2: {  	_ =	task.clear_ibuf [dreg:s7], $0x6FFFF;
	_ =	strace $0x90000049  }
0xb3: {  	s29 =	simm.s32 $0x9;
	_ =	strace $0x8000004B  }
0xb4: {  	_ =	swait.ge [sflag:s29], $0x1  }
0xb5: {  	[sflag:s29] =	ssyncadd.s32 $0xFFFFFFFF  }
0xb6: {  	_ =	strace $0x9000004B  }
0xb7: {  	_ =	sfence  }
0xb8: {  	s30 =	sld [smem:$0x0];
	_ =	sdelay $0x2  }
0xb9: {  	s31 =	sshll.u32 s1, $0xD;
	s1 =	sshrl.u32 s1, $0x2  }
0xba: {  	s3 =	sand.u32 $0x4000, s31;
	s1 =	sadd.s32 s1, s30  }
0xbb: {  	s0 =	sor.u32 s3, s0;
	s1 =	sshll.u32 s1, $0x11  }
0xbc: {  	s0 =	sor.u32 s1, s0  }
0xbd: {  	s0 =	sadd.s32 $0x8F2B, s0  }
0xbe: {  	[sflag:s0] =	ssyncadd.remote.s32 $0x1  }
0xbf: {  	_ =	sfence.sel $0xFFFF  }
0xc0: {  	[dreg:$0x0] =	wrdreg $0xFFFFFFFF;
	(pc) =	sbr.abs _section_cstart, $3  }
0xc1: {  	[dreg:$0x1] =	wrdreg $0xFFFFFFFF  }
0xc2: {  	_ =	task.clear_ibuf [dreg:s7], $0x2FFFF;
	_ =	strace $0x9FFFFFFF  }
0xc3: {  	(tm) =	ssettm $0x7FFFFFFF  }
tec
execute0_lowered:
.L_overlay_start_1:
0x0: {  	(tag) =	ssettag $0x1  }
0x1: {  	s0 =	rddreg [dreg:$0x0]  }
0x2: {  	s1 =	rddreg [dreg:$0x1]  }
0x3: {  	s2 =	rddreg [dreg:$0x2];
	s3 =	simm.s32 $0x0;
	s4 =	srdreg.scid  }
0x4: {  	s9 =	stileid.u32;
	s16 =	simm.s32 $0x6D00;
	s17 =	simm.s32 $0x6  }
0x5: {  	s18 =	simm.s32 $0x500;
	s19 =	simm.s32 $0x180;
	s28 =	simm.s32 $0x3  }
0x6: {  	s29 =	simm.s32 $0x400;
	s30 =	simm.s32 $0x80;
	s31 =	simm.s32 $0x300  }
0x7: {  	s12 =	simm.s32 $0x0;
	[smem:$0x7FF] =	sst s3;
	s4 =	sand.u32 $0x1, s4  }
0x8: {  	s5 =	sadd.s32 $0x1A00, s0;
	s7 =	sadd.s32 $0x1400, s0;
	s8 =	smul.u32 $0x50000, s9  }
0x9: {  	s6 =	smul.u32 $0x28000, s4;
	s20 =	ssub.s32 $0x2, s4;
	s4 =	sshll.u32 s4, $0x4  }
0xa: {  	_ =	strace $0x8000004A;
	s4 =	sor.u32 s9, s4;
	s9 =	smul.u32 $0x14000, s9  }
0xb: {  	[dreg:$0x4] =	wrdreg s7;
	s21 =	sshrl.u32 s20, $0x1;
	s10 =	smul.u32 $0x7B00, s4  }
0xc: {  	s8 =	sshrl.u32 s8, $0x2;
	s0 =	sadd.s32 s6, s0;
	s7 =	smul.u32 $0x52, s4  }
0xd: {  	s6 =	ssub.s32 s20, s21;
	s8 =	sadd.s32 s8, s2;
	s4 =	smul.u32 $0xF60, s4  }
0xe: {  	s20 =	simm.s32 $0x40;
	s21 =	simm.s32 $0x2D00;
	s11 =	sadd.s32 $0x4000, s8  }
0xf: {  	s13 =	sadd.s32 s9, s2;
	s22 =	sadd.s32 $0x8000, s8;
	[dreg:$0x6] =	wrdreg s11  }
0x10: {  	s23 =	sadd.s32 $0xC000, s8;
	s8 =	sadd.s32 $0x10000, s8;
	[dreg:$0x7] =	wrdreg s22  }
0x11: {  	s0 =	sadd.s32 $0x15A00, s0;
	s26 =	sshrl.u32 s9, $0x3;
	[dreg:$0x8] =	wrdreg s23  }
0x12: {  	s6 =	smax.u32 s6, $0x1;
	s9 =	simm.s32 $0x480;
	[dreg:$0x9] =	wrdreg s8  }
0x13: {  	v0 =	vlaneseq.u32;
	s10 =	sshrl.u32 s10, $0x3;
	s4 =	sadd.s32 s1, s4;
	[dreg:$0xc] =	wrdreg s6  }
0x14: {  	v0 =	vmul.u32 $0x2, v0;
	s22 =	simm.s32 $0x3D00;
	s23 =	simm.s32 $0x4D00;
	[dreg:$0x5] =	wrdreg s13  }
0x15: {  	s0 =	sadd.s32 s26, s0;
	s26 =	simm.s32 $0x5D00;
	[dreg:$0xa] =	wrdreg s4  }
0x16: {  	v1 =	vimm.f32 $0.0e+00;
	v2 =	vor.u32 $0x1, v0;
	s6 =	simm.s32 $0x5;
	s24 =	sadd.s32 s1, s10;
	[dreg:$0xd] =	wrdreg s0  }
0x17: {  	v3 =	vor.u32 $0x20, v0;
	v4 =	vor.u32 $0x21, v0;
	v5 =	vor.u32 $0x40, v0;
	s0 =	simm.s32 $0x1;
	s4 =	simm.s32 $0x4;
	s25 =	sadd.s32 $0x30, s24  }
0x18: {  	v6 =	vor.u32 $0x41, v0;
	v7 =	vor.u32 $0x60, v0;
	v8 =	vor.u32 $0x61, v0;
	s10 =	simm.s32 $0x380;
	[dreg:$0xb] =	wrdreg s25;
	s25 =	simm.s32 $0x1C0  }
.LBB2_1:
0x19: {  	s8 =	simm.s32 $0x0;
	s11 =	simm.s32 $0x200  }
.LBB2_2:
0x1a: {  	p0 =	sne.s32 s11, $0xFE00;
	[tilespmem:s8+$0x6D70] =	vst v1  }
0x1b: {  	[tilespmem:s8+$0x6D00] =	vst v1  }
0x1c: {  	[tilespmem:s8+$0x6D10] =	vst v1  }
.Ltmp0:
0x1d: {  	[tilespmem:s8+$0x6D20] =	vst v1;
	(pc) =	sbr.rel @p0 .LBB2_2-.Ltmp0, $4  }
0x1e: {  	[tilespmem:s8+$0x6D30] =	vst v1  }
0x1f: {  	[tilespmem:s8+$0x6D40] =	vst v1  }
0x20: {  	[tilespmem:s8+$0x6D50] =	vst v1  }
0x21: {  	[tilespmem:s8+$0x6D60] =	vst v1;
	s8 =	sshra.s32 s11, $0x2;
	s11 =	sadd.s32 $0x200, s11  }
0x22: {  	[tilespmem:s8+$0x6D70] =	vst v1  }
0x23: {  	[tilespmem:s8+$0x6D00] =	vst v1  }
0x24: {  	[tilespmem:s8+$0x6D10] =	vst v1  }
0x25: {  	[tilespmem:s8+$0x6D20] =	vst v1  }
0x26: {  	[tilespmem:s8+$0x6D30] =	vst v1  }
0x27: {  	[tilespmem:s8+$0x6D40] =	vst v1  }
0x28: {  	[tilespmem:s8+$0x6D50] =	vst v1  }
0x29: {  	[tilespmem:s8+$0x6D60] =	vst v1  }
0x2a: {  	[spmem:s13] =	stream.linear.scatter [tilespmem:s16], [sflag:$0x6], $0x4000, $0x38;
	[tilespmem:$0x1ED00] =	vst v63  }
0x2b: {  	_ =	swait.ge [sflag:s17], $0x4000  }
0x2c: {  	[sflag:s17] =	ssyncset.done $0x0  }
0x2d: {  	s15 =	rddreg [dreg:$0x6];
	[sflag:s17] =	ssyncadd.s32 $0xFFFFC000  }
0x2e: {  	[spmem:s15] =	stream.linear.scatter [tilespmem:s16], [sflag:$0x6], $0x4000, $0x38;
	[tilespmem:$0x1ED00] =	vst v63  }
0x2f: {  	_ =	swait.ge [sflag:s17], $0x4000  }
0x30: {  	[sflag:s17] =	ssyncset.done $0x0  }
0x31: {  	s24 =	rddreg [dreg:$0x7];
	[sflag:s17] =	ssyncadd.s32 $0xFFFFC000  }
0x32: {  	[spmem:s24] =	stream.linear.scatter [tilespmem:s16], [sflag:$0x6], $0x4000, $0x38;
	[tilespmem:$0x1ED00] =	vst v63  }
0x33: {  	_ =	swait.ge [sflag:s17], $0x4000  }
0x34: {  	[sflag:s17] =	ssyncset.done $0x0  }
0x35: {  	s11 =	rddreg [dreg:$0x8];
	[sflag:s17] =	ssyncadd.s32 $0xFFFFC000  }
0x36: {  	[spmem:s11] =	stream.linear.scatter [tilespmem:s16], [sflag:$0x6], $0x4000, $0x38;
	[tilespmem:$0x1ED00] =	vst v63  }
0x37: {  	_ =	swait.ge [sflag:s17], $0x4000  }
0x38: {  	[sflag:s17] =	ssyncset.done $0x0  }
0x39: {  	s13 =	rddreg [dreg:$0x9];
	[sflag:s17] =	ssyncadd.s32 $0xFFFFC000  }
0x3a: {  	[spmem:s13] =	stream.linear.scatter [tilespmem:s16], [sflag:$0x6], $0x4000, $0x38;
	[tilespmem:$0x1ED00] =	vst v63  }
0x3b: {  	_ =	swait.ge [sflag:s17], $0x4000  }
0x3c: {  	[sflag:s17] =	ssyncset.done $0x0  }
0x3d: {  	s13 =	simm.s32 $0x0;
	s14 =	rddreg [dreg:$0x4];
	[sflag:s17] =	ssyncadd.s32 $0xFFFFC000  }
0x3e: {  	[tilespmem:s18], [sflag:$0x6] =	stream.linear.gather [hbm4b:s14+s13], $0x2800, $0x38;
	[tilespmem:$0x1ED00] =	vst v63  }
0x3f: {  	_ =	swait.ge [sflag:s17], $0x2800  }
0x40: {  	[sflag:s17] =	ssyncset.done $0x0  }
0x41: {  	[sflag:s17] =	ssyncadd.s32 $0xFFFFD800  }
0x42: {  	[bflag:$0x0] =	sbarrier.arrive $0xFFFF  }
0x43: {  	s15 =	rddreg [dreg:$0xa]  }
0x44: {  	[tilespmem:s13], [sflag:$0x6] =	stream.linear.gather [hbm4b:s15+s13], $0x180, $0x38;
	[tilespmem:$0x1ED00] =	vst v63  }
0x45: {  	_ =	swait.ge [sflag:s17], $0x180  }
0x46: {  	[sflag:s17] =	ssyncset.done $0x0  }
0x47: {  	s24 =	rddreg [dreg:$0xb];
	[sflag:s17] =	ssyncadd.s32 $0xFFFFFE80  }
0x48: {  	[tilespmem:s19], [sflag:$0x6] =	stream.linear.gather [hbm4b:s24+s13], $0x180, $0x38;
	[tilespmem:$0x1ED00] =	vst v63  }
0x49: {  	_ =	swait.ge [sflag:s17], $0x180  }
0x4a: {  	[sflag:s17] =	ssyncset.done $0x0  }
0x4b: {  	[sflag:s17] =	ssyncadd.s32 $0xFFFFFE80  }
0x4c: {  	[tilespmem:s21], [sflag:$0x3] =	stream.indirect.gather [hbm4b:s5+s20], $0x40, s13, s20, $0xb8;
	[tilespmem:$0x1ED00] =	vst v63  }
0x4d: {  	s14 =	simm.s32 $0x0  }
0x4e: {  	[tilespmem:s22], [sflag:$0x3] =	stream.indirect.gather [hbm4b:s5+s20], $0x40, s20, s20, $0xb8;
	[tilespmem:$0x1ED00] =	vst v63  }
.LBB2_4:
0x4f: {  	p0 =	seq.s32 s14, $0x0  }
0x50: {  	s8 =	simm.s32 @!p0 $0x2  }
0x51: {  	_ =	swait.ge @!p0 [sflag:s8], $0x180  }
0x52: {  	[sflag:s8] =	ssyncset.done @!p0 $0x0  }
0x53: {  	[sflag:s8] =	ssyncadd.s32 @!p0 $0xFFFFFE80  }
0x54: {  	[tilespmem:s23], [sflag:$0x4] =	stream.indirect.gather [hbm4b:s5+s20], $0x40, s19, s20, $0xb8;
	[tilespmem:$0x1ED00] =	vst v63  }
0x55: {  	_ = 	snop  }
0x56: {  	[tilespmem:s26], [sflag:$0x4] =	stream.indirect.gather [hbm4b:s5+s20], $0x40, s25, s20, $0xb8;
	[tilespmem:$0x1ED00] =	vst v63  }
0x57: {  	_ =	swait.ge [sflag:s28], $0x2000  }
0x58: {  	[sflag:s28] =	ssyncset.done $0x0  }
0x59: {  	[sflag:s28] =	ssyncadd.s32 $0xFFFFE000  }
0x5a: {  	v9 =	vld [tilespmem:$0x0];
	_ =	sdelay $0x1  }
0x5b: {  	v10 =	vld [tilespmem:$0x80];
	_ =	sdelay $0x4  }
0x5c: {  	v11 =	vld [tilespmem:$0x100];
	[tilespmem:$0x300] =	vst v10  }
0x5d: {  	v9 =	vld.idx.msk [tilespmem:v9+s18+$0x0], $0xffff;
	_ =	sdelay $0x1  }
0x5e: {  	v10 =	vld.idx.msk [tilespmem:v10+s18+$0x0], $0xffff  }
0x5f: {  	v12 =	vld [tilespmem:$0x10];
	_ =	sdelay $0x1  }
0x60: {  	v9 =	vmul.f32 v9, v11;
	v11 =	vld [tilespmem:$0x90];
	_ =	sdelay $0x1  }
0x61: {  	v9 =	vmul.f32 v10, v9;
	_ =	sdelay $0x1  }
0x62: {  	[tilespmem:$0x400] =	vst v9  }
0x63: {  	v9 =	vld [tilespmem:$0x110];
	[tilespmem:$0x310] =	vst v11  }
0x64: {  	v10 =	vld.idx.msk [tilespmem:v12+s18+$0x0], $0xffff;
	_ =	sdelay $0x1  }
0x65: {  	v11 =	vld.idx.msk [tilespmem:v11+s18+$0x0], $0xffff  }
0x66: {  	v12 =	vld [tilespmem:$0x20];
	_ =	sdelay $0x1  }
0x67: {  	v9 =	vmul.f32 v10, v9;
	v10 =	vld [tilespmem:$0xA0];
	_ =	sdelay $0x1  }
0x68: {  	v9 =	vmul.f32 v11, v9;
	_ =	sdelay $0x1  }
0x69: {  	[tilespmem:$0x410] =	vst v9  }
0x6a: {  	v9 =	vld [tilespmem:$0x120];
	[tilespmem:$0x320] =	vst v10  }
0x6b: {  	v11 =	vld.idx.msk [tilespmem:v12+s18+$0x0], $0xffff;
	_ =	sdelay $0x1  }
0x6c: {  	v10 =	vld.idx.msk [tilespmem:v10+s18+$0x0], $0xffff  }
0x6d: {  	v12 =	vld [tilespmem:$0x30];
	_ =	sdelay $0x1  }
0x6e: {  	v9 =	vmul.f32 v11, v9;
	v11 =	vld [tilespmem:$0xB0];
	_ =	sdelay $0x1  }
0x6f: {  	v9 =	vmul.f32 v10, v9;
	_ =	sdelay $0x1  }
0x70: {  	[tilespmem:$0x420] =	vst v9  }
0x71: {  	v9 =	vld [tilespmem:$0x130];
	[tilespmem:$0x330] =	vst v11  }
0x72: {  	v10 =	vld.idx.msk [tilespmem:v12+s18+$0x0], $0xffff;
	_ =	sdelay $0x1  }
0x73: {  	v11 =	vld.idx.msk [tilespmem:v11+s18+$0x0], $0xffff  }
0x74: {  	v12 =	vld [tilespmem:$0x40];
	_ =	sdelay $0x1  }
0x75: {  	v9 =	vmul.f32 v10, v9;
	v10 =	vld [tilespmem:$0xC0];
	_ =	sdelay $0x1  }
0x76: {  	v9 =	vmul.f32 v11, v9;
	_ =	sdelay $0x1  }
0x77: {  	[tilespmem:$0x430] =	vst v9  }
0x78: {  	v9 =	vld [tilespmem:$0x140];
	[tilespmem:$0x340] =	vst v10  }
0x79: {  	v11 =	vld.idx.msk [tilespmem:v12+s18+$0x0], $0xffff;
	_ =	sdelay $0x1  }
0x7a: {  	v10 =	vld.idx.msk [tilespmem:v10+s18+$0x0], $0xffff  }
0x7b: {  	v12 =	vld [tilespmem:$0x50];
	_ =	sdelay $0x1  }
0x7c: {  	v9 =	vmul.f32 v11, v9;
	v11 =	vld [tilespmem:$0xD0];
	_ =	sdelay $0x1  }
0x7d: {  	v9 =	vmul.f32 v10, v9;
	_ =	sdelay $0x1  }
0x7e: {  	[tilespmem:$0x440] =	vst v9  }
0x7f: {  	v9 =	vld [tilespmem:$0x150];
	[tilespmem:$0x350] =	vst v11  }
0x80: {  	v10 =	vld.idx.msk [tilespmem:v12+s18+$0x0], $0xffff;
	_ =	sdelay $0x1  }
0x81: {  	v11 =	vld.idx.msk [tilespmem:v11+s18+$0x0], $0xffff  }
0x82: {  	v12 =	vld [tilespmem:$0x60];
	_ =	sdelay $0x1  }
0x83: {  	v9 =	vmul.f32 v10, v9;
	v10 =	vld [tilespmem:$0xE0];
	_ =	sdelay $0x1  }
0x84: {  	v9 =	vmul.f32 v11, v9;
	_ =	sdelay $0x1  }
0x85: {  	[tilespmem:$0x450] =	vst v9  }
0x86: {  	v9 =	vld [tilespmem:$0x160];
	[tilespmem:$0x360] =	vst v10  }
0x87: {  	v11 =	vld.idx.msk [tilespmem:v12+s18+$0x0], $0xffff;
	_ =	sdelay $0x1  }
0x88: {  	v10 =	vld.idx.msk [tilespmem:v10+s18+$0x0], $0xffff  }
0x89: {  	v12 =	vld [tilespmem:$0x70];
	_ =	sdelay $0x1  }
0x8a: {  	v9 =	vmul.f32 v11, v9;
	v11 =	vld [tilespmem:$0xF0];
	_ =	sdelay $0x1  }
0x8b: {  	v9 =	vmul.f32 v10, v9;
	_ =	sdelay $0x1  }
0x8c: {  	[tilespmem:$0x460] =	vst v9  }
0x8d: {  	v9 =	vld [tilespmem:$0x170];
	[tilespmem:$0x370] =	vst v11  }
0x8e: {  	v10 =	vld.idx.msk [tilespmem:v12+s18+$0x0], $0xffff;
	_ =	sdelay $0x1  }
0x8f: {  	v11 =	vld.idx.msk [tilespmem:v11+s18+$0x0], $0xffff;
	_ =	sdelay $0x2  }
0x90: {  	v9 =	vmul.f32 v10, v9;
	_ =	sdelay $0x1  }
0x91: {  	v9 =	vmul.f32 v11, v9;
	_ =	sdelay $0x1  }
0x92: {  	s8 =	simm.s32 @!p0 $0x5;
	[tilespmem:$0x470] =	vst v9;
	v9 =	vmov s13  }
0x93: {  	_ =	swait.ge @!p0 [sflag:s8], $0x4000  }
0x94: {  	[sflag:s8] =	ssyncset.done @!p0 $0x0  }
0x95: {  	s24 =	simm.s32 $0x2D20;
	[sflag:s8] =	ssyncadd.s32 @!p0 $0xFFFFC000  }
0x96: {  	v10 =	vld [tilespmem:s24+$0xFFFFFFE0]  }
0x97: {  	v12 =	vld.idx.msk [tilespmem:v9+s29+$0x0], $0xffff  }
0x98: {  	v9 =	vshll.u32 v9, $0x7  }
0x99: {  	v11 =	vor.u32 v0, v9  }
0x9a: {  	v13 =	vor.u32 v2, v9  }
0x9b: {  	v14 =	vshll.u32 v10, $0x10  }
0x9c: {  	v10 =	vand.u32 $0xFFFF0000, v10;
	v14 =	vmul.f32 v14, v12  }
0x9d: {  	v10 =	vmul.f32 v10, v12  }
0x9e: {  	[tilespmem:v11+s16+$0x0] =	vst.idx.msk $0xffff, v14  }
0x9f: {  	[tilespmem:v13+s16+$0x0] =	vst.idx.msk $0xffff, v10  }
0xa0: {  	v10 =	vld [tilespmem:s24+$0xFFFFFFF0];
	_ =	sdelay $0x2  }
0xa1: {  	v11 =	vor.u32 v3, v9  }
0xa2: {  	v13 =	vor.u32 v4, v9  }
0xa3: {  	v14 =	vshll.u32 v10, $0x10  }
0xa4: {  	v10 =	vand.u32 $0xFFFF0000, v10;
	v14 =	vmul.f32 v14, v12  }
0xa5: {  	v10 =	vmul.f32 v10, v12  }
0xa6: {  	[tilespmem:v11+s16+$0x0] =	vst.idx.msk $0xffff, v14  }
0xa7: {  	[tilespmem:v13+s16+$0x0] =	vst.idx.msk $0xffff, v10  }
0xa8: {  	v10 =	vld [tilespmem:s24+$0x0];
	_ =	sdelay $0x2  }
0xa9: {  	v11 =	vor.u32 v5, v9  }
0xaa: {  	v13 =	vor.u32 v6, v9  }
0xab: {  	v14 =	vshll.u32 v10, $0x10  }
0xac: {  	v10 =	vand.u32 $0xFFFF0000, v10;
	v14 =	vmul.f32 v14, v12  }
0xad: {  	v10 =	vmul.f32 v10, v12  }
0xae: {  	[tilespmem:v11+s16+$0x0] =	vst.idx.msk $0xffff, v14  }
0xaf: {  	[tilespmem:v13+s16+$0x0] =	vst.idx.msk $0xffff, v10  }
0xb0: {  	v10 =	vld [tilespmem:s24+$0x10];
	_ =	sdelay $0x3  }
0xb1: {  	v13 =	vor.u32 v7, v9  }
0xb2: {  	v11 =	vshll.u32 v10, $0x10  }
0xb3: {  	v14 =	vmul.f32 v11, v12;
	v11 =	vor.u32 v8, v9  }
0xb4: {  	s15 =	simm.s32 $0x1  }
0xb5: {  	v15 =	vand.u32 $0xFFFF0000, v10;
	v10 =	vmov s15  }
0xb6: {  	s11 =	simm.s32 $0x2;
	s15 =	sshll.u32 s14, $0x1;
	v12 =	vmul.f32 v15, v12;
	v9 =	vshll.u32 v10, $0x7;
	[tilespmem:v13+s16+$0x0] =	vst.idx.msk $0xffff, v14  }
.LBB2_5:
0xb7: {  	p0 =	sne.s32 s11, $0x7F  }
0xb8: {  	[tilespmem:v11+s16+$0x0] =	vst.idx.msk $0xffff, v12;
	s24 =	sadd.s32 $0x40, s24;
	s8 =	smov.u32 s11;
	s11 =	sadd.s32 $0x1, s11  }
0xb9: {  	v11 =	vld [tilespmem:s24+$0xFFFFFFE0]  }
0xba: {  	v12 =	vld.idx.msk [tilespmem:v10+s29+$0x0], $0xffff;
	_ =	sdelay $0x2  }
0xbb: {  	v10 =	vor.u32 v0, v9  }
0xbc: {  	v13 =	vor.u32 v2, v9  }
0xbd: {  	v14 =	vshll.u32 v11, $0x10  }
0xbe: {  	v11 =	vand.u32 $0xFFFF0000, v11;
	v14 =	vmul.f32 v14, v12  }
0xbf: {  	v11 =	vmul.f32 v11, v12  }
0xc0: {  	[tilespmem:v10+s16+$0x0] =	vst.idx.msk $0xffff, v14  }
0xc1: {  	[tilespmem:v13+s16+$0x0] =	vst.idx.msk $0xffff, v11  }
0xc2: {  	v10 =	vld [tilespmem:s24+$0xFFFFFFF0];
	_ =	sdelay $0x2  }
0xc3: {  	v11 =	vor.u32 v3, v9  }
0xc4: {  	v13 =	vor.u32 v4, v9  }
0xc5: {  	v14 =	vshll.u32 v10, $0x10;
	v10 =	vand.u32 $0xFFFF0000, v10  }
0xc6: {  	v14 =	vmul.f32 v14, v12;
	v10 =	vmul.f32 v10, v12;
	_ =	sdelay $0x1  }
0xc7: {  	[tilespmem:v11+s16+$0x0] =	vst.idx.msk $0xffff, v14  }
0xc8: {  	[tilespmem:v13+s16+$0x0] =	vst.idx.msk $0xffff, v10  }
0xc9: {  	v10 =	vld [tilespmem:s24+$0x0];
	_ =	sdelay $0x2  }
0xca: {  	v11 =	vor.u32 v5, v9  }
0xcb: {  	v13 =	vor.u32 v6, v9  }
0xcc: {  	v14 =	vshll.u32 v10, $0x10;
	v10 =	vand.u32 $0xFFFF0000, v10  }
0xcd: {  	v14 =	vmul.f32 v14, v12;
	v10 =	vmul.f32 v10, v12;
	_ =	sdelay $0x1  }
0xce: {  	[tilespmem:v11+s16+$0x0] =	vst.idx.msk $0xffff, v14  }
0xcf: {  	[tilespmem:v13+s16+$0x0] =	vst.idx.msk $0xffff, v10  }
0xd0: {  	v10 =	vld [tilespmem:s24+$0x10];
	_ =	sdelay $0x2  }
0xd1: {  	v13 =	vor.u32 v7, v9  }
.Ltmp1:
0xd2: {  	v11 =	vor.u32 v8, v9;
	(pc) =	sbr.rel @p0 .LBB2_5-.Ltmp1, $4  }
0xd3: {  	v9 =	vshll.u32 v10, $0x10;
	v14 =	vand.u32 $0xFFFF0000, v10  }
0xd4: {  	v10 =	vmov s8;
	v15 =	vmul.f32 v9, v12;
	v12 =	vmul.f32 v14, v12  }
0xd5: {  	v9 =	vshll.u32 v10, $0x7  }
0xd6: {  	[tilespmem:v13+s16+$0x0] =	vst.idx.msk $0xffff, v15  }
0xd7: {  	_ =	sdelay $0x3  }
0xd8: {  	[tilespmem:v11+s16+$0x0] =	vst.idx.msk $0xffff, v12;
	s8 =	sadd.s32 $0x40, s24  }
0xd9: {  	v11 =	vld [tilespmem:s8+$0xFFFFFFE0]  }
0xda: {  	v10 =	vld.idx.msk [tilespmem:v10+s29+$0x0], $0xffff;
	_ =	sdelay $0x1  }
0xdb: {  	v12 =	vor.u32 v0, v9  }
0xdc: {  	v13 =	vor.u32 v2, v9  }
0xdd: {  	v14 =	vshll.u32 v11, $0x10  }
0xde: {  	v11 =	vand.u32 $0xFFFF0000, v11;
	v14 =	vmul.f32 v14, v10  }
0xdf: {  	v11 =	vmul.f32 v11, v10  }
0xe0: {  	[tilespmem:v12+s16+$0x0] =	vst.idx.msk $0xffff, v14  }
0xe1: {  	[tilespmem:v13+s16+$0x0] =	vst.idx.msk $0xffff, v11  }
0xe2: {  	v11 =	vld [tilespmem:s8+$0xFFFFFFF0];
	_ =	sdelay $0x2  }
0xe3: {  	v12 =	vor.u32 v3, v9  }
0xe4: {  	v13 =	vor.u32 v4, v9  }
0xe5: {  	v14 =	vshll.u32 v11, $0x10  }
0xe6: {  	v11 =	vand.u32 $0xFFFF0000, v11;
	v14 =	vmul.f32 v14, v10  }
0xe7: {  	v11 =	vmul.f32 v11, v10  }
0xe8: {  	[tilespmem:v12+s16+$0x0] =	vst.idx.msk $0xffff, v14  }
0xe9: {  	[tilespmem:v13+s16+$0x0] =	vst.idx.msk $0xffff, v11  }
0xea: {  	v11 =	vld [tilespmem:s8+$0x0];
	_ =	sdelay $0x2  }
0xeb: {  	v12 =	vor.u32 v5, v9  }
0xec: {  	v13 =	vor.u32 v6, v9  }
0xed: {  	v14 =	vshll.u32 v11, $0x10  }
0xee: {  	v11 =	vand.u32 $0xFFFF0000, v11;
	v14 =	vmul.f32 v14, v10  }
0xef: {  	v11 =	vmul.f32 v11, v10  }
0xf0: {  	[tilespmem:v12+s16+$0x0] =	vst.idx.msk $0xffff, v14  }
0xf1: {  	[tilespmem:v13+s16+$0x0] =	vst.idx.msk $0xffff, v11  }
0xf2: {  	v11 =	vld [tilespmem:s8+$0x10];
	_ =	sdelay $0x2  }
0xf3: {  	v12 =	vor.u32 v7, v9  }
0xf4: {  	v9 =	vor.u32 v8, v9  }
0xf5: {  	s24 =	sadd.s32 s7, s15;
	v13 =	vshll.u32 v11, $0x10  }
0xf6: {  	s8 =	smul.u32 $0x180, s24;
	v11 =	vand.u32 $0xFFFF0000, v11;
	v13 =	vmul.f32 v13, v10  }
0xf7: {  	v10 =	vmul.f32 v11, v10  }
0xf8: {  	s8 =	sshrl.u32 s8, $0x3;
	[tilespmem:v12+s16+$0x0] =	vst.idx.msk $0xffff, v13  }
0xf9: {  	s15 =	sadd.s32 s1, s8;
	[tilespmem:v9+s16+$0x0] =	vst.idx.msk $0xffff, v10  }
0xfa: {  	[spmem:s2] =	stream.indirect.scatter.add.f32 [tilespmem:s16], [sflag:$0x5], $0x80, s31, s30, $0xb8;
	[tilespmem:$0x1ED00] =	vst v63  }
0xfb: {  	s11 =	simm.s32 $0x0;
	s8 =	sadd.s32 $0x60, s15  }
0xfc: {  	[tilespmem:s11], [sflag:$0x1] =	stream.linear.gather [hbm4b:s8+s11], $0x180, $0x38;
	[tilespmem:$0x1ED00] =	vst v63  }
0xfd: {  	_ =	swait.ge [sflag:s0], $0x180  }
0xfe: {  	[sflag:s0] =	ssyncset.done $0x0  }
0xff: {  	[sflag:s0] =	ssyncadd.s32 $0xFFFFFE80  }
0x100: {  	[tilespmem:s21], [sflag:$0x3] =	stream.indirect.gather [hbm4b:s5+s20], $0x40, s11, s20, $0xb8;
	[tilespmem:$0x1ED00] =	vst v63  }
0x101: {  	_ = 	snop  }
0x102: {  	[tilespmem:s22], [sflag:$0x3] =	stream.indirect.gather [hbm4b:s5+s20], $0x40, s20, s20, $0xb8;
	[tilespmem:$0x1ED00] =	vst v63  }
0x103: {  	_ =	swait.ge [sflag:s4], $0x2000  }
0x104: {  	[sflag:s4] =	ssyncset.done $0x0  }
0x105: {  	[sflag:s4] =	ssyncadd.s32 $0xFFFFE000  }
0x106: {  	v9 =	vld [tilespmem:$0x180];
	_ =	sdelay $0x1  }
0x107: {  	v10 =	vld [tilespmem:$0x200];
	_ =	sdelay $0x4  }
0x108: {  	v11 =	vld [tilespmem:$0x280];
	[tilespmem:$0x380] =	vst v10  }
0x109: {  	v9 =	vld.idx.msk [tilespmem:v9+s18+$0x0], $0xffff;
	_ =	sdelay $0x1  }
0x10a: {  	v10 =	vld.idx.msk [tilespmem:v10+s18+$0x0], $0xffff  }
0x10b: {  	v12 =	vld [tilespmem:$0x190];
	_ =	sdelay $0x1  }
0x10c: {  	v9 =	vmul.f32 v9, v11;
	v11 =	vld [tilespmem:$0x210];
	_ =	sdelay $0x1  }
0x10d: {  	v9 =	vmul.f32 v10, v9;
	_ =	sdelay $0x1  }
0x10e: {  	[tilespmem:$0x480] =	vst v9  }
0x10f: {  	v9 =	vld [tilespmem:$0x290];
	[tilespmem:$0x390] =	vst v11  }
0x110: {  	v10 =	vld.idx.msk [tilespmem:v12+s18+$0x0], $0xffff;
	_ =	sdelay $0x1  }
0x111: {  	v11 =	vld.idx.msk [tilespmem:v11+s18+$0x0], $0xffff  }
0x112: {  	v12 =	vld [tilespmem:$0x1A0];
	_ =	sdelay $0x1  }
0x113: {  	v9 =	vmul.f32 v10, v9;
	v10 =	vld [tilespmem:$0x220];
	_ =	sdelay $0x1  }
0x114: {  	v9 =	vmul.f32 v11, v9;
	_ =	sdelay $0x1  }
0x115: {  	[tilespmem:$0x490] =	vst v9  }
0x116: {  	v9 =	vld [tilespmem:$0x2A0];
	[tilespmem:$0x3A0] =	vst v10  }
0x117: {  	v11 =	vld.idx.msk [tilespmem:v12+s18+$0x0], $0xffff;
	_ =	sdelay $0x1  }
0x118: {  	v10 =	vld.idx.msk [tilespmem:v10+s18+$0x0], $0xffff  }
0x119: {  	v12 =	vld [tilespmem:$0x1B0];
	_ =	sdelay $0x1  }
0x11a: {  	v9 =	vmul.f32 v11, v9;
	v11 =	vld [tilespmem:$0x230];
	_ =	sdelay $0x1  }
0x11b: {  	v9 =	vmul.f32 v10, v9;
	_ =	sdelay $0x1  }
0x11c: {  	[tilespmem:$0x4A0] =	vst v9  }
0x11d: {  	v9 =	vld [tilespmem:$0x2B0];
	[tilespmem:$0x3B0] =	vst v11  }
0x11e: {  	v10 =	vld.idx.msk [tilespmem:v12+s18+$0x0], $0xffff;
	_ =	sdelay $0x1  }
0x11f: {  	v11 =	vld.idx.msk [tilespmem:v11+s18+$0x0], $0xffff  }
0x120: {  	v12 =	vld [tilespmem:$0x1C0];
	_ =	sdelay $0x1  }
0x121: {  	v9 =	vmul.f32 v10, v9;
	v10 =	vld [tilespmem:$0x240];
	_ =	sdelay $0x1  }
0x122: {  	v9 =	vmul.f32 v11, v9;
	_ =	sdelay $0x1  }
0x123: {  	[tilespmem:$0x4B0] =	vst v9  }
0x124: {  	v9 =	vld [tilespmem:$0x2C0];
	[tilespmem:$0x3C0] =	vst v10  }
0x125: {  	v11 =	vld.idx.msk [tilespmem:v12+s18+$0x0], $0xffff;
	_ =	sdelay $0x1  }
0x126: {  	v10 =	vld.idx.msk [tilespmem:v10+s18+$0x0], $0xffff  }
0x127: {  	v12 =	vld [tilespmem:$0x1D0];
	_ =	sdelay $0x1  }
0x128: {  	v9 =	vmul.f32 v11, v9;
	v11 =	vld [tilespmem:$0x250];
	_ =	sdelay $0x1  }
0x129: {  	v9 =	vmul.f32 v10, v9;
	_ =	sdelay $0x1  }
0x12a: {  	[tilespmem:$0x4C0] =	vst v9  }
0x12b: {  	v9 =	vld [tilespmem:$0x2D0];
	[tilespmem:$0x3D0] =	vst v11  }
0x12c: {  	v10 =	vld.idx.msk [tilespmem:v12+s18+$0x0], $0xffff;
	_ =	sdelay $0x1  }
0x12d: {  	v11 =	vld.idx.msk [tilespmem:v11+s18+$0x0], $0xffff  }
0x12e: {  	v12 =	vld [tilespmem:$0x1E0];
	_ =	sdelay $0x1  }
0x12f: {  	v9 =	vmul.f32 v10, v9;
	v10 =	vld [tilespmem:$0x260];
	_ =	sdelay $0x1  }
0x130: {  	v9 =	vmul.f32 v11, v9;
	_ =	sdelay $0x1  }
0x131: {  	[tilespmem:$0x4D0] =	vst v9  }
0x132: {  	v9 =	vld [tilespmem:$0x2E0];
	[tilespmem:$0x3E0] =	vst v10  }
0x133: {  	v11 =	vld.idx.msk [tilespmem:v12+s18+$0x0], $0xffff;
	_ =	sdelay $0x1  }
0x134: {  	v10 =	vld.idx.msk [tilespmem:v10+s18+$0x0], $0xffff  }
0x135: {  	v12 =	vld [tilespmem:$0x1F0];
	_ =	sdelay $0x1  }
0x136: {  	v9 =	vmul.f32 v11, v9;
	v11 =	vld [tilespmem:$0x270];
	_ =	sdelay $0x1  }
0x137: {  	v9 =	vmul.f32 v10, v9;
	_ =	sdelay $0x1  }
0x138: {  	[tilespmem:$0x4E0] =	vst v9  }
0x139: {  	v9 =	vld [tilespmem:$0x2F0];
	[tilespmem:$0x3F0] =	vst v11  }
0x13a: {  	v10 =	vld.idx.msk [tilespmem:v12+s18+$0x0], $0xffff;
	_ =	sdelay $0x1  }
0x13b: {  	v11 =	vld.idx.msk [tilespmem:v11+s18+$0x0], $0xffff;
	_ =	sdelay $0x2  }
0x13c: {  	v9 =	vmul.f32 v10, v9;
	_ =	sdelay $0x1  }
0x13d: {  	v9 =	vmul.f32 v11, v9;
	_ =	sdelay $0x1  }
0x13e: {  	[tilespmem:$0x4F0] =	vst v9;
	v9 =	vmov s11  }
0x13f: {  	_ =	swait.ge [sflag:s6], $0x4000  }
0x140: {  	[sflag:s6] =	ssyncset.done $0x0  }
0x141: {  	s24 =	simm.s32 $0x4D20;
	[sflag:s6] =	ssyncadd.s32 $0xFFFFC000  }
0x142: {  	v10 =	vld [tilespmem:s24+$0xFFFFFFE0]  }
0x143: {  	v12 =	vld.idx.msk [tilespmem:v9+s9+$0x0], $0xffff  }
0x144: {  	v9 =	vshll.u32 v9, $0x7  }
0x145: {  	v11 =	vor.u32 v0, v9  }
0x146: {  	v13 =	vor.u32 v2, v9  }
0x147: {  	v14 =	vshll.u32 v10, $0x10  }
0x148: {  	v10 =	vand.u32 $0xFFFF0000, v10;
	v14 =	vmul.f32 v14, v12  }
0x149: {  	v10 =	vmul.f32 v10, v12  }
0x14a: {  	[tilespmem:v11+s16+$0x0] =	vst.idx.msk $0xffff, v14  }
0x14b: {  	[tilespmem:v13+s16+$0x0] =	vst.idx.msk $0xffff, v10  }
0x14c: {  	v10 =	vld [tilespmem:s24+$0xFFFFFFF0];
	_ =	sdelay $0x2  }
0x14d: {  	v11 =	vor.u32 v3, v9  }
0x14e: {  	v13 =	vor.u32 v4, v9  }
0x14f: {  	v14 =	vshll.u32 v10, $0x10  }
0x150: {  	v10 =	vand.u32 $0xFFFF0000, v10;
	v14 =	vmul.f32 v14, v12  }
0x151: {  	v10 =	vmul.f32 v10, v12  }
0x152: {  	[tilespmem:v11+s16+$0x0] =	vst.idx.msk $0xffff, v14  }
0x153: {  	[tilespmem:v13+s16+$0x0] =	vst.idx.msk $0xffff, v10  }
0x154: {  	v10 =	vld [tilespmem:s24+$0x0];
	_ =	sdelay $0x2  }
0x155: {  	v11 =	vor.u32 v5, v9  }
0x156: {  	v13 =	vor.u32 v6, v9  }
0x157: {  	v14 =	vshll.u32 v10, $0x10  }
0x158: {  	v10 =	vand.u32 $0xFFFF0000, v10;
	v14 =	vmul.f32 v14, v12  }
0x159: {  	v10 =	vmul.f32 v10, v12  }
0x15a: {  	[tilespmem:v11+s16+$0x0] =	vst.idx.msk $0xffff, v14  }
0x15b: {  	[tilespmem:v13+s16+$0x0] =	vst.idx.msk $0xffff, v10  }
0x15c: {  	v10 =	vld [tilespmem:s24+$0x10];
	_ =	sdelay $0x3  }
0x15d: {  	v13 =	vor.u32 v7, v9  }
0x15e: {  	v11 =	vshll.u32 v10, $0x10  }
0x15f: {  	v14 =	vmul.f32 v11, v12;
	v11 =	vor.u32 v8, v9  }
0x160: {  	s11 =	simm.s32 $0x1  }
0x161: {  	v15 =	vand.u32 $0xFFFF0000, v10;
	v10 =	vmov s11  }
0x162: {  	s11 =	simm.s32 $0x2;
	v12 =	vmul.f32 v15, v12;
	v9 =	vshll.u32 v10, $0x7;
	[tilespmem:v13+s16+$0x0] =	vst.idx.msk $0xffff, v14  }
.LBB2_7:
0x163: {  	p0 =	sne.s32 s11, $0x7F  }
0x164: {  	[tilespmem:v11+s16+$0x0] =	vst.idx.msk $0xffff, v12;
	s24 =	sadd.s32 $0x40, s24;
	s8 =	smov.u32 s11;
	s11 =	sadd.s32 $0x1, s11  }
0x165: {  	v11 =	vld [tilespmem:s24+$0xFFFFFFE0]  }
0x166: {  	v12 =	vld.idx.msk [tilespmem:v10+s9+$0x0], $0xffff;
	_ =	sdelay $0x2  }
0x167: {  	v10 =	vor.u32 v0, v9  }
0x168: {  	v13 =	vor.u32 v2, v9  }
0x169: {  	v14 =	vshll.u32 v11, $0x10  }
0x16a: {  	v11 =	vand.u32 $0xFFFF0000, v11;
	v14 =	vmul.f32 v14, v12  }
0x16b: {  	v11 =	vmul.f32 v11, v12  }
0x16c: {  	[tilespmem:v10+s16+$0x0] =	vst.idx.msk $0xffff, v14  }
0x16d: {  	[tilespmem:v13+s16+$0x0] =	vst.idx.msk $0xffff, v11  }
0x16e: {  	v10 =	vld [tilespmem:s24+$0xFFFFFFF0];
	_ =	sdelay $0x2  }
0x16f: {  	v11 =	vor.u32 v3, v9  }
0x170: {  	v13 =	vor.u32 v4, v9  }
0x171: {  	v14 =	vshll.u32 v10, $0x10;
	v10 =	vand.u32 $0xFFFF0000, v10  }
0x172: {  	v14 =	vmul.f32 v14, v12;
	v10 =	vmul.f32 v10, v12;
	_ =	sdelay $0x1  }
0x173: {  	[tilespmem:v11+s16+$0x0] =	vst.idx.msk $0xffff, v14  }
0x174: {  	[tilespmem:v13+s16+$0x0] =	vst.idx.msk $0xffff, v10  }
0x175: {  	v10 =	vld [tilespmem:s24+$0x0];
	_ =	sdelay $0x2  }
0x176: {  	v11 =	vor.u32 v5, v9  }
0x177: {  	v13 =	vor.u32 v6, v9  }
0x178: {  	v14 =	vshll.u32 v10, $0x10;
	v10 =	vand.u32 $0xFFFF0000, v10  }
0x179: {  	v14 =	vmul.f32 v14, v12;
	v10 =	vmul.f32 v10, v12;
	_ =	sdelay $0x1  }
0x17a: {  	[tilespmem:v11+s16+$0x0] =	vst.idx.msk $0xffff, v14  }
0x17b: {  	[tilespmem:v13+s16+$0x0] =	vst.idx.msk $0xffff, v10  }
0x17c: {  	v10 =	vld [tilespmem:s24+$0x10];
	_ =	sdelay $0x2  }
0x17d: {  	v13 =	vor.u32 v7, v9  }
.Ltmp2:
0x17e: {  	v11 =	vor.u32 v8, v9;
	(pc) =	sbr.rel @p0 .LBB2_7-.Ltmp2, $4  }
0x17f: {  	v9 =	vshll.u32 v10, $0x10;
	v14 =	vand.u32 $0xFFFF0000, v10  }
0x180: {  	v10 =	vmov s8;
	v15 =	vmul.f32 v9, v12;
	v12 =	vmul.f32 v14, v12  }
0x181: {  	v9 =	vshll.u32 v10, $0x7  }
0x182: {  	[tilespmem:v13+s16+$0x0] =	vst.idx.msk $0xffff, v15  }
0x183: {  	_ =	sdelay $0x3  }
0x184: {  	[tilespmem:v11+s16+$0x0] =	vst.idx.msk $0xffff, v12;
	s8 =	sadd.s32 $0x40, s24  }
0x185: {  	v11 =	vld [tilespmem:s8+$0xFFFFFFE0]  }
0x186: {  	v10 =	vld.idx.msk [tilespmem:v10+s9+$0x0], $0xffff;
	_ =	sdelay $0x1  }
0x187: {  	v55 =	vor.u32 v0, v9  }
0x188: {  	v13 =	vor.u32 v2, v9  }
0x189: {  	v14 =	vshll.u32 v11, $0x10  }
0x18a: {  	v11 =	vand.u32 $0xFFFF0000, v11;
	v14 =	vmul.f32 v14, v10  }
0x18b: {  	v11 =	vmul.f32 v11, v10  }
0x18c: {  	[tilespmem:v55+s16+$0x0] =	vst.idx.msk $0xffff, v14  }
0x18d: {  	[tilespmem:v13+s16+$0x0] =	vst.idx.msk $0xffff, v11  }
0x18e: {  	v11 =	vld [tilespmem:s8+$0xFFFFFFF0];
	_ =	sdelay $0x2  }
0x18f: {  	v56 =	vor.u32 v3, v9  }
0x190: {  	v57 =	vor.u32 v4, v9  }
0x191: {  	v58 =	vshll.u32 v11, $0x10  }
0x192: {  	v11 =	vand.u32 $0xFFFF0000, v11;
	v14 =	vmul.f32 v58, v10  }
0x193: {  	v11 =	vmul.f32 v11, v10  }
0x194: {  	[tilespmem:v56+s16+$0x0] =	vst.idx.msk $0xffff, v14  }
0x195: {  	[tilespmem:v57+s16+$0x0] =	vst.idx.msk $0xffff, v11  }
0x196: {  	v11 =	vld [tilespmem:s8+$0x0];
	_ =	sdelay $0x2  }
0x197: {  	v59 =	vor.u32 v5, v9  }
0x198: {  	v60 =	vor.u32 v6, v9  }
0x199: {  	v61 =	vshll.u32 v11, $0x10  }
0x19a: {  	v11 =	vand.u32 $0xFFFF0000, v11;
	v14 =	vmul.f32 v61, v10  }
0x19b: {  	v11 =	vmul.f32 v11, v10  }
0x19c: {  	[tilespmem:v59+s16+$0x0] =	vst.idx.msk $0xffff, v14  }
0x19d: {  	[tilespmem:v60+s16+$0x0] =	vst.idx.msk $0xffff, v11  }
0x19e: {  	v11 =	vld [tilespmem:s8+$0x10];
	_ =	sdelay $0x2  }
0x19f: {  	v62 =	vor.u32 v7, v9  }
0x1a0: {  	v9 =	vor.u32 v8, v9  }
0x1a1: {  	v63 =	vshll.u32 v11, $0x10  }
0x1a2: {  	s14 =	sadd.s32 $0x1, s14;
	v11 =	vand.u32 $0xFFFF0000, v11;
	v13 =	vmul.f32 v63, v10  }
0x1a3: {  	p0 =	sne.s32 s14, $0x29;
	v10 =	vmul.f32 v11, v10  }
.Ltmp3:
0x1a4: {  	[tilespmem:v62+s16+$0x0] =	vst.idx.msk $0xffff, v13;
	(pc) =	sbr.rel @p0 .LBB2_4-.Ltmp3, $4  }
0x1a5: {  	[tilespmem:v9+s16+$0x0] =	vst.idx.msk $0xffff, v10  }
0x1a6: {  	[spmem:s2] =	stream.indirect.scatter.add.f32 [tilespmem:s16], [sflag:$0x5], $0x80, s10, s30, $0xb8;
	[tilespmem:$0x1ED00] =	vst v63  }
0x1a7: {  	s24 =	sadd.s32 $0x90, s15  }
0x1a8: {  	[tilespmem:s19], [sflag:$0x2] =	stream.linear.gather [hbm4b:s24+s3], $0x180, $0x38;
	[tilespmem:$0x1ED00] =	vst v63  }
0x1a9: {  	_ =	swait.ge [sflag:s28], $0x2000  }
0x1aa: {  	[sflag:s28] =	ssyncset.done $0x0  }
0x1ab: {  	s8 =	simm.s32 $0x2;
	[sflag:s28] =	ssyncadd.s32 $0xFFFFE000  }
0x1ac: {  	_ =	swait.ge [sflag:s8], $0x180  }
0x1ad: {  	[sflag:s8] =	ssyncset.done $0x0  }
0x1ae: {  	[sflag:s8] =	ssyncadd.s32 $0xFFFFFE80  }
0x1af: {  	_ =	swait.ge [sflag:s6], $0x4000  }
0x1b0: {  	[sflag:s6] =	ssyncset.done $0x0  }
0x1b1: {  	[sflag:s6] =	ssyncadd.s32 $0xFFFFC000  }
0x1b2: {  	s15 =	stileid.u32;
	[bflag:$0x0] =	sbarrier.arrive $0xFFFF  }
0x1b3: {  	s8 =	sshll.u32 s15, $0x6;
	s13 =	rddreg [dreg:$0x5]  }
0x1b4: {  	s8 =	sor.u32 $0x1C06, s8;
	s14 =	rddreg [dreg:$0xd];
	s11 =	sshrl.u32 s13, $0x3  }
0x1b5: {  	[hbm:s14], [sflag:s8] =	dma.local [spmem:s11], $0x2800  }
0x1b6: {  	_ =	swait.ge [sflag:s17], $0x2800  }
0x1b7: {  	s12 =	sadd.s32 $0x1, s12;
	s24 =	rddreg [dreg:$0xc]  }
0x1b8: {  	p0 =	sne.s32 s12, s24  }
.Ltmp4:
0x1b9: {  	_ = 	snop;
	(pc) =	sbr.rel @p0 .LBB2_1-.Ltmp4, $3  }
0x1ba: {  	_ =	sdelay $0x1  }
0x1bb: {  	[sflag:s17] =	ssyncset.done $0x0  }
0x1bc: {  	[sflag:s17] =	ssyncadd.s32 $0xFFFFD800  }
0x1bd: {  	_ =	sfence.sel $0x180000  }
0x1be: {  	[bflag:$0x0] =	sbarrier.arrive $0xFFFF  }
0x1bf: {  	_ =	strace $0x9000004A  }
0x1c0: {  	s0 =	stileid.u32;
	[bflag:$0x2] =	sbarrier.arrive $0xFFFF  }
0x1c1: {  	p0 =	sne.s32 s0, $0x0;
	s0 =	rddreg [dreg:$0x3]  }
0x1c2: {  	s0 =	sadd.s32 @!p0 $0x100000, s0  }
0x1c3: {  	[sflag:s0] =	ssyncadd.tile.s32 @!p0 $0x1;
	_ =	shalt  }
.Lfunc_end2:
_tile_overlayer_lowered:
.L_overlay_start_2:
0x1c4: {  	(tag) =	ssettag $0x2  }
0x1c5: {  	s0 =	rddreg [dreg:$0x0];
	s2 =	stileid.u32  }
0x1c6: {  	s1 =	rddreg [dreg:$0x1];
	p0 =	sne.s32 s2, $0x0  }
0x1c7: {  	s3 =	rddreg [dreg:$0x2];
	[bflag:$0x3] =	sbarrier.arrive $0xFFFF;
	s2 =	simm.s32 @!p0 $0x1C06  }
0x1c8: {  	[timem:s3], [sflag:s2] =	dma.local @!p0 [hbm:s0], s1  }
0x1c9: {  	s0 =	simm.s32 @!p0 $0x6  }
0x1ca: {  	_ =	swait.ge @!p0 [sflag:s0], s1  }
0x1cb: {  	s1 =	ssub.s32 @!p0 $0x0, s1;
	[sflag:s0] =	ssyncset.done @!p0 $0x0  }
0x1cc: {  	[sflag:s0] =	ssyncadd.s32 @!p0 s1  }
0x1cd: {  	[bflag:$0x3] =	sbarrier.arrive $0xFFFF  }
0x1ce: {  	_ =	shalt  }

// kernel: kernel.14.cloned.1.call-start
scs
__scs_entry_jumppad:
0x0: {  	(pc) =	sbr.rel $0x88, $3  }
0x1: {  	(tag) =	ssettag $0x0;
	lr =	simm.s32 $0x1  }
0x2: {  	[smem:$0x3F9A] =	sst lr;
	_ =	strace $0xD0000000  }
0x3: {  	_ = 	snop  }
0x4: {  	_ = 	snop  }
0x5: {  	_ = 	snop  }
0x6: {  	_ = 	snop  }
0x7: {  	_ = 	snop  }
__scs_overlays_trampoline_lowered:
0x8: {  	[smem:$0x3FA9] =	sst s0  }
0x9: {  	[smem:$0x3FAA] =	sst s1  }
0xa: {  	[smem:$0x3FAB] =	sst s2  }
0xb: {  	[smem:$0x3FAC] =	sst s3  }
0xc: {  	[smem:$0x3FAD] =	sst s4  }
0xd: {  	[smem:$0x3FAE] =	sst s5  }
0xe: {  	[smem:$0x3FAF] =	sst s6  }
0xf: {  	[smem:$0x3FB0] =	sst s7  }
0x10: {  	[smem:$0x3FB1] =	sst s8  }
0x11: {  	[smem:$0x3FB2] =	sst s9;
	s0 =	simm.s32 @!p0 $0x0  }
0x12: {  	s1 =	sld [smem:$0x3F98];
	s0 =	simm.s32 @p0 $0x1  }
0x13: {  	[smem:$0x3FB3] =	sst s0;
	s0 =	simm.s32 @!p1 $0x0  }
0x14: {  	s2 =	sld [smem:$0x3F97];
	s0 =	simm.s32 @p1 $0x1  }
0x15: {  	[smem:$0x3FB4] =	sst s0;
	s0 =	simm.s32 @!p2 $0x0  }
0x16: {  	s3 =	sld [smem:$0x3FDB];
	s0 =	simm.s32 @p2 $0x1  }
0x17: {  	s4 =	simm.s32 $0x1BF5;
	[smem:$0x3FB6] =	sst s0  }
0x18: {  	s0 =	sld [smem:$0x3F99];
	_ =	swait.ge [sflag:s4], $0x0  }
0x19: {  	s7 =	sld [smem:$0x3F9A]  }
0x1a: {  	s8 =	sadd.s32 $0xFFFFE003, lr  }
0x1b: {  	s9 =	sadd.s32 $0xFFFFFEF7, lr;
	s5 =	simm.s32 $0xFFFFFFFF;
	p2 =	slt.u32 s8, $0xFFFFF086  }
0x1c: {  	p1 =	slt.u32 s9, $0xF7A;
	s5 =	simm.s32 @!p2 $0x0  }
0x1d: {  	s5 =	simm.s32 @p1 $0x1;
	p0 =	seq.s32 s7, s2  }
0x1e: {  	s7 =	smul.u32 @!p0 $0xF7A, s2;
	p2 =	seq.s32 @!p0 s5, $0x0  }
0x1f: {  	s9 =	smul.u32 $0xF7A, s1;
	s8 =	simm.s32 @!p0 $0x1BF5;
	p2 =	por !p2, p0  }
0x20: {  	[sflag:s8] =	ssyncset.s32 @!p0 $0xFFFFF086;
	s6 =	sadd.s32 @!p0 s3, s7;
	s7 =	simm.s32 @!p0 $0x108  }
0x21: {  	s3 =	sadd.s32 s3, s9;
	s6 =	sadd.s32 @!p0 $0x88, s6;
	s7 =	simm.s32 @p2 $0x1082  }
0x22: {  	[simem:s7], [sflag:s8] =	dma.local @!p0 [hbm:s6], $0xF7A  }
0x23: {  	s9 =	sor.u32 $0xD0000000, s2;
	s6 =	simm.s32 $0x108;
	_ =	swait.ge @!p0 [sflag:s8], $0x0  }
0x24: {  	s3 =	sadd.s32 $0x88, s3;
	s6 =	simm.s32 @!p1 $0x1082;
	[sflag:s4] =	ssyncset.s32 $0xFFFFF086  }
0x25: {  	[simem:s6], [sflag:s4] =	dma.local [hbm:s3], $0xF7A  }
0x26: {  	[smem:$0x3F9A] =	sst s1;
	(tag) =	ssettag s2;
	_ =	strace s9  }
0x27: {  	s1 =	sld [smem:$0x3FAA]  }
0x28: {  	s2 =	sld [smem:$0x3FAB]  }
0x29: {  	s4 =	sld [smem:$0x3FAD]  }
0x2a: {  	p0 =	seq.s32 s5, $0x0;
	s5 =	sld [smem:$0x3FAE]  }
0x2b: {  	s6 =	sld [smem:$0x3FAF]  }
0x2c: {  	s7 =	sld [smem:$0x3FB0]  }
0x2d: {  	s3 =	simm.s32 $0x108;
	s8 =	sld [smem:$0x3FB1]  }
0x2e: {  	s3 =	simm.s32 @!p0 $0x1082;
	s9 =	sld [smem:$0x3FB2]  }
0x2f: {  	lr =	sadd.s32 s0, s3;
	s0 =	sld [smem:$0x3FA9]  }
0x30: {  	s3 =	sld [smem:$0x3FAC]  }
0x31: {  	[smem:$0x3FB5] =	sst s10  }
0x32: {  	s10 =	sld [smem:$0x3FB3];
	_ =	sdelay $0x3  }
0x33: {  	p0 =	seq.s32 s10, $0x1;
	s10 =	sld [smem:$0x3FB5];
	_ =	sdelay $0x3  }
0x34: {  	[smem:$0x3FB5] =	sst s10  }
0x35: {  	s10 =	sld [smem:$0x3FB4];
	_ =	sdelay $0x3  }
0x36: {  	p1 =	seq.s32 s10, $0x1;
	s10 =	sld [smem:$0x3FB5];
	_ =	sdelay $0x3  }
0x37: {  	[smem:$0x3FB5] =	sst s10  }
0x38: {  	s10 =	sld [smem:$0x3FB6]  }
0x39: {  	_ = 	snop;
	(pc) =	sbr.ind lr, $3  }
0x3a: {  	_ = 	snop  }
0x3b: {  	_ = 	snop  }
0x3c: {  	p2 =	seq.s32 s10, $0x1;
	s10 =	sld [smem:$0x3FB5]  }
0x3d: {  	_ =	shalt  }
0x3e: {  	_ =	shalt  }
0x3f: {  	_ =	shalt  }
0x40: {  	_ =	shalt  }
0x41: {  	_ =	shalt  }
0x42: {  	_ =	shalt  }
0x43: {  	_ =	shalt  }
0x44: {  	_ =	shalt  }
0x45: {  	_ =	shalt  }
0x46: {  	_ =	shalt  }
0x47: {  	_ =	shalt  }
0x48: {  	_ =	shalt  }
0x49: {  	_ =	shalt  }
0x4a: {  	_ =	shalt  }
0x4b: {  	_ =	shalt  }
0x4c: {  	_ =	shalt  }
0x4d: {  	_ =	shalt  }
0x4e: {  	_ =	shalt  }
0x4f: {  	_ =	shalt  }
0x50: {  	_ =	shalt  }
0x51: {  	_ =	shalt  }
0x52: {  	_ =	shalt  }
0x53: {  	_ =	shalt  }
0x54: {  	_ =	shalt  }
0x55: {  	_ =	shalt  }
0x56: {  	_ =	shalt  }
0x57: {  	_ =	shalt  }
0x58: {  	_ =	shalt  }
0x59: {  	_ =	shalt  }
0x5a: {  	_ =	shalt  }
0x5b: {  	_ =	shalt  }
0x5c: {  	_ =	shalt  }
0x5d: {  	_ =	shalt  }
0x5e: {  	_ =	shalt  }
0x5f: {  	_ =	shalt  }
0x60: {  	_ =	shalt  }
0x61: {  	_ =	shalt  }
0x62: {  	_ =	shalt  }
0x63: {  	_ =	shalt  }
0x64: {  	_ =	shalt  }
0x65: {  	_ =	shalt  }
0x66: {  	_ =	shalt  }
0x67: {  	_ =	shalt  }
0x68: {  	_ =	shalt  }
0x69: {  	_ =	shalt  }
0x6a: {  	_ =	shalt  }
0x6b: {  	_ =	shalt  }
0x6c: {  	_ =	shalt  }
0x6d: {  	_ =	shalt  }
0x6e: {  	_ =	shalt  }
0x6f: {  	_ =	shalt  }
0x70: {  	_ =	shalt  }
0x71: {  	_ =	shalt  }
0x72: {  	_ =	shalt  }
0x73: {  	_ =	shalt  }
0x74: {  	_ =	shalt  }
0x75: {  	_ =	shalt  }
0x76: {  	_ =	shalt  }
0x77: {  	_ =	shalt  }
0x78: {  	_ =	shalt  }
0x79: {  	_ =	shalt  }
0x7a: {  	_ =	shalt  }
0x7b: {  	_ =	shalt  }
0x7c: {  	_ =	shalt  }
0x7d: {  	_ =	shalt  }
0x7e: {  	_ =	shalt  }
0x7f: {  	_ =	shalt  }
0x80: {  	_ =	shalt  }
0x81: {  	_ =	shalt  }
0x82: {  	_ =	shalt  }
0x83: {  	_ =	shalt  }
0x84: {  	_ =	shalt  }
0x85: {  	_ =	shalt  }
0x86: {  	_ =	shalt  }
0x87: {  	_ =	shalt  }
.Lfunc_end0:
.L_simem_size_0:
called_computation.2_lowered:
.L_overlay_start_0:
0x88: {  	s2 =	sld [smem:$0x3FD9]  }
0x89: {  	s3 =	sld [smem:$0x3FFE];
	_ =	sdelay $0x1  }
0x8a: {  	s1 =	srdreg.scid  }
0x8b: {  	s0 =	sand.u32 $0x1, s1  }
0x8c: {  	s17 =	sshll.u32 s0, $0xA;
	s2 =	sadd.s32 s3, s2  }
0x8d: {  	s2 =	sadd.s32 s2, s17  }
0x8e: {  	[smem:$0x3FC1] =	sst s2  }
0x8f: {  	_ = 	snop  }
0x90: {  	s2 =	sld [smem:$0x3FD0];
	(tm) =	ssettm $0x1  }
0x91: {  	s18 =	sld [smem:$0x3FFB];
	_ =	sdelay $0x3  }
0x92: {  	_ =	strace s18  }
0x93: {  	s3 =	sld [smem:$0x3FFC];
	_ =	sdelay $0x3  }
0x94: {  	_ =	strace s3  }
0x95: {  	s3 =	sld [smem:$0x3FFD];
	_ =	sdelay $0x3  }
0x96: {  	_ =	strace s3  }
0x97: {  	_ =	strace $0x8FFFFFFF  }
0x98: {  	s19 =	sld [smem:$0x3FDB];
	_ =	sdelay $0x1  }
0x99: {  	s4 =	simm.s32 $_scs_section_size  }
0x9a: {  	s5 =	simm.s32 $_size__tile_overlayer_lowered;
	s6 =	simm.s32 $_tile_overlayer_lowered  }
0x9b: {  	s22 =	simm.s32 $0x1BFF;
	s21 =	sshll.u32 s6, $0x1;
	s3 =	sadd.s32 s4, s19  }
0x9c: {  	s7 =	simm.s32 $0x0;
	s20 =	sshll.u32 s5, $0x1;
	s5 =	sadd.s32 s21, s3  }
0x9d: {  	[timem:s7], [sflag:s22] =	dma.local [hbm:s5], s20  }
0x9e: {  	_ =	swait.ge [sflag:s22], s20  }
0x9f: {  	s4 =	ssub.s32 $0x0, s20;
	[sflag:s22] =	ssyncset.done $0x0  }
0xa0: {  	[sflag:s22] =	ssyncadd.s32 s4;
	_ =	sdelay $0x1  }
0xa1: {  	s23 =	simm.s32 $0x1B8B  }
0xa2: {  	_ =	swait.ge [sflag:s23], $0x1  }
0xa3: {  	[sflag:s23] =	ssyncset.done $0x0  }
0xa4: {  	s25 =	simm.s32 $0x1B8E;
	s24 =	sld [smem:$0x3FFE];
	[sflag:s23] =	ssyncadd.s32 $0xFFFFFFFF  }
0xa5: {  	s26 =	simm.s32 $execute0_lowered;
	[smem:$0x3FD2] =	sst s25  }
0xa6: {  	s5 =	sshll.u32 s26, $0x1;
	_ =	strace $0x8000004C;
	[dreg:$0x1] =	wrdreg $0xFFFFFFFF  }
0xa7: {  	s28 =	simm.s32 $_size_execute0_lowered;
	s3 =	sadd.s32 s3, s5;
	[dreg:$0x0] =	wrdreg $0x0  }
0xa8: {  	s5 =	sshll.u32 s28, $0x1;
	[dreg:$0x2] =	wrdreg s3  }
0xa9: {  	[dreg:$0x3] =	wrdreg s5  }
0xaa: {  	[dreg:$0x4] =	wrdreg $0xC0  }
0xab: {  	_ =	task [dreg:s7], $0x5FFFF  }
0xac: {  	[dreg:$0x1] =	wrdreg $0xFFFFFFFF  }
0xad: {  	[dreg:$0x0] =	wrdreg $0x60  }
0xae: {  	[dreg:$0x2] =	wrdreg s24  }
0xaf: {  	[dreg:$0x3] =	wrdreg s2  }
0xb0: {  	[dreg:$0x4] =	wrdreg $0xAD000  }
0xb1: {  	[dreg:$0x5] =	wrdreg $0x9  }
0xb2: {  	_ =	task.clear_ibuf [dreg:s7], $0x6FFFF;
	_ =	strace $0x9000004C  }
0xb3: {  	s29 =	simm.s32 $0x9;
	_ =	strace $0x8000004E  }
0xb4: {  	_ =	swait.ge [sflag:s29], $0x1  }
0xb5: {  	[sflag:s29] =	ssyncadd.s32 $0xFFFFFFFF  }
0xb6: {  	_ =	strace $0x9000004E  }
0xb7: {  	_ =	sfence  }
0xb8: {  	s30 =	sld [smem:$0x0];
	_ =	sdelay $0x2  }
0xb9: {  	s31 =	sshll.u32 s1, $0xD;
	s1 =	sshrl.u32 s1, $0x2  }
0xba: {  	s3 =	sand.u32 $0x4000, s31;
	s1 =	sadd.s32 s1, s30  }
0xbb: {  	s0 =	sor.u32 s3, s0;
	s1 =	sshll.u32 s1, $0x11  }
0xbc: {  	s0 =	sor.u32 s1, s0  }
0xbd: {  	s0 =	sadd.s32 $0x8F2B, s0  }
0xbe: {  	[sflag:s0] =	ssyncadd.remote.s32 $0x1  }
0xbf: {  	_ =	sfence.sel $0xFFFF  }
0xc0: {  	[dreg:$0x0] =	wrdreg $0xFFFFFFFF;
	(pc) =	sbr.abs _section_cstart, $3  }
0xc1: {  	[dreg:$0x1] =	wrdreg $0xFFFFFFFF  }
0xc2: {  	_ =	task.clear_ibuf [dreg:s7], $0x2FFFF;
	_ =	strace $0x9FFFFFFF  }
0xc3: {  	(tm) =	ssettm $0x7FFFFFFF  }
tec
execute0_lowered:
.L_overlay_start_1:
0x0: {  	(tag) =	ssettag $0x1  }
0x1: {  	s0 =	rddreg [dreg:$0x0]  }
0x2: {  	s1 =	rddreg [dreg:$0x1]  }
0x3: {  	s2 =	rddreg [dreg:$0x2];
	s3 =	simm.s32 $0x0;
	s4 =	srdreg.scid  }
0x4: {  	s9 =	stileid.u32;
	s16 =	simm.s32 $0x6D00;
	s17 =	simm.s32 $0x6  }
0x5: {  	s18 =	simm.s32 $0x500;
	s19 =	simm.s32 $0x180;
	s28 =	simm.s32 $0x3  }
0x6: {  	s29 =	simm.s32 $0x400;
	s30 =	simm.s32 $0x80;
	s31 =	simm.s32 $0x300  }
0x7: {  	s12 =	simm.s32 $0x0;
	[smem:$0x7FF] =	sst s3;
	s4 =	sand.u32 $0x1, s4  }
0x8: {  	s5 =	sadd.s32 $0x1A00, s0;
	s7 =	sadd.s32 $0x1400, s0;
	s8 =	smul.u32 $0x50000, s9  }
0x9: {  	s6 =	smul.u32 $0x28000, s4;
	s20 =	ssub.s32 $0x2, s4;
	s4 =	sshll.u32 s4, $0x4  }
0xa: {  	_ =	strace $0x8000004D;
	s4 =	sor.u32 s9, s4;
	s9 =	smul.u32 $0x14000, s9  }
0xb: {  	[dreg:$0x4] =	wrdreg s7;
	s21 =	sshrl.u32 s20, $0x1;
	s10 =	smul.u32 $0x7B00, s4  }
0xc: {  	s8 =	sshrl.u32 s8, $0x2;
	s0 =	sadd.s32 s6, s0;
	s7 =	smul.u32 $0x52, s4  }
0xd: {  	s6 =	ssub.s32 s20, s21;
	s8 =	sadd.s32 s8, s2;
	s4 =	smul.u32 $0xF60, s4  }
0xe: {  	s20 =	simm.s32 $0x40;
	s21 =	simm.s32 $0x2D00;
	s11 =	sadd.s32 $0x4000, s8  }
0xf: {  	s13 =	sadd.s32 s9, s2;
	s22 =	sadd.s32 $0x8000, s8;
	[dreg:$0x6] =	wrdreg s11  }
0x10: {  	s23 =	sadd.s32 $0xC000, s8;
	s8 =	sadd.s32 $0x10000, s8;
	[dreg:$0x7] =	wrdreg s22  }
0x11: {  	s0 =	sadd.s32 $0x15A00, s0;
	s26 =	sshrl.u32 s9, $0x3;
	[dreg:$0x8] =	wrdreg s23  }
0x12: {  	s6 =	smax.u32 s6, $0x1;
	s9 =	simm.s32 $0x480;
	[dreg:$0x9] =	wrdreg s8  }
0x13: {  	v0 =	vlaneseq.u32;
	s10 =	sshrl.u32 s10, $0x3;
	s4 =	sadd.s32 s1, s4;
	[dreg:$0xc] =	wrdreg s6  }
0x14: {  	v0 =	vmul.u32 $0x2, v0;
	s22 =	simm.s32 $0x3D00;
	s23 =	simm.s32 $0x4D00;
	[dreg:$0x5] =	wrdreg s13  }
0x15: {  	s0 =	sadd.s32 s26, s0;
	s26 =	simm.s32 $0x5D00;
	[dreg:$0xa] =	wrdreg s4  }
0x16: {  	v1 =	vimm.f32 $0.0e+00;
	v2 =	vor.u32 $0x1, v0;
	s6 =	simm.s32 $0x5;
	s24 =	sadd.s32 s1, s10;
	[dreg:$0xd] =	wrdreg s0  }
0x17: {  	v3 =	vor.u32 $0x20, v0;
	v4 =	vor.u32 $0x21, v0;
	v5 =	vor.u32 $0x40, v0;
	s0 =	simm.s32 $0x1;
	s4 =	simm.s32 $0x4;
	s25 =	sadd.s32 $0x30, s24  }
0x18: {  	v6 =	vor.u32 $0x41, v0;
	v7 =	vor.u32 $0x60, v0;
	v8 =	vor.u32 $0x61, v0;
	s10 =	simm.s32 $0x380;
	[dreg:$0xb] =	wrdreg s25;
	s25 =	simm.s32 $0x1C0  }
.LBB2_1:
0x19: {  	s8 =	simm.s32 $0x0;
	s11 =	simm.s32 $0x200  }
.LBB2_2:
0x1a: {  	p0 =	sne.s32 s11, $0xFE00;
	[tilespmem:s8+$0x6D70] =	vst v1  }
0x1b: {  	[tilespmem:s8+$0x6D00] =	vst v1  }
0x1c: {  	[tilespmem:s8+$0x6D10] =	vst v1  }
.Ltmp0:
0x1d: {  	[tilespmem:s8+$0x6D20] =	vst v1;
	(pc) =	sbr.rel @p0 .LBB2_2-.Ltmp0, $4  }
0x1e: {  	[tilespmem:s8+$0x6D30] =	vst v1  }
0x1f: {  	[tilespmem:s8+$0x6D40] =	vst v1  }
0x20: {  	[tilespmem:s8+$0x6D50] =	vst v1  }
0x21: {  	[tilespmem:s8+$0x6D60] =	vst v1;
	s8 =	sshra.s32 s11, $0x2;
	s11 =	sadd.s32 $0x200, s11  }
0x22: {  	[tilespmem:s8+$0x6D70] =	vst v1  }
0x23: {  	[tilespmem:s8+$0x6D00] =	vst v1  }
0x24: {  	[tilespmem:s8+$0x6D10] =	vst v1  }
0x25: {  	[tilespmem:s8+$0x6D20] =	vst v1  }
0x26: {  	[tilespmem:s8+$0x6D30] =	vst v1  }
0x27: {  	[tilespmem:s8+$0x6D40] =	vst v1  }
0x28: {  	[tilespmem:s8+$0x6D50] =	vst v1  }
0x29: {  	[tilespmem:s8+$0x6D60] =	vst v1  }
0x2a: {  	[spmem:s13] =	stream.linear.scatter [tilespmem:s16], [sflag:$0x6], $0x4000, $0x38;
	[tilespmem:$0x1ED00] =	vst v63  }
0x2b: {  	_ =	swait.ge [sflag:s17], $0x4000  }
0x2c: {  	[sflag:s17] =	ssyncset.done $0x0  }
0x2d: {  	s15 =	rddreg [dreg:$0x6];
	[sflag:s17] =	ssyncadd.s32 $0xFFFFC000  }
0x2e: {  	[spmem:s15] =	stream.linear.scatter [tilespmem:s16], [sflag:$0x6], $0x4000, $0x38;
	[tilespmem:$0x1ED00] =	vst v63  }
0x2f: {  	_ =	swait.ge [sflag:s17], $0x4000  }
0x30: {  	[sflag:s17] =	ssyncset.done $0x0  }
0x31: {  	s24 =	rddreg [dreg:$0x7];
	[sflag:s17] =	ssyncadd.s32 $0xFFFFC000  }
0x32: {  	[spmem:s24] =	stream.linear.scatter [tilespmem:s16], [sflag:$0x6], $0x4000, $0x38;
	[tilespmem:$0x1ED00] =	vst v63  }
0x33: {  	_ =	swait.ge [sflag:s17], $0x4000  }
0x34: {  	[sflag:s17] =	ssyncset.done $0x0  }
0x35: {  	s11 =	rddreg [dreg:$0x8];
	[sflag:s17] =	ssyncadd.s32 $0xFFFFC000  }
0x36: {  	[spmem:s11] =	stream.linear.scatter [tilespmem:s16], [sflag:$0x6], $0x4000, $0x38;
	[tilespmem:$0x1ED00] =	vst v63  }
0x37: {  	_ =	swait.ge [sflag:s17], $0x4000  }
0x38: {  	[sflag:s17] =	ssyncset.done $0x0  }
0x39: {  	s13 =	rddreg [dreg:$0x9];
	[sflag:s17] =	ssyncadd.s32 $0xFFFFC000  }
0x3a: {  	[spmem:s13] =	stream.linear.scatter [tilespmem:s16], [sflag:$0x6], $0x4000, $0x38;
	[tilespmem:$0x1ED00] =	vst v63  }
0x3b: {  	_ =	swait.ge [sflag:s17], $0x4000  }
0x3c: {  	[sflag:s17] =	ssyncset.done $0x0  }
0x3d: {  	s13 =	simm.s32 $0x0;
	s14 =	rddreg [dreg:$0x4];
	[sflag:s17] =	ssyncadd.s32 $0xFFFFC000  }
0x3e: {  	[tilespmem:s18], [sflag:$0x6] =	stream.linear.gather [hbm4b:s14+s13], $0x2800, $0x38;
	[tilespmem:$0x1ED00] =	vst v63  }
0x3f: {  	_ =	swait.ge [sflag:s17], $0x2800  }
0x40: {  	[sflag:s17] =	ssyncset.done $0x0  }
0x41: {  	[sflag:s17] =	ssyncadd.s32 $0xFFFFD800  }
0x42: {  	[bflag:$0x0] =	sbarrier.arrive $0xFFFF  }
0x43: {  	s15 =	rddreg [dreg:$0xa]  }
0x44: {  	[tilespmem:s13], [sflag:$0x6] =	stream.linear.gather [hbm4b:s15+s13], $0x180, $0x38;
	[tilespmem:$0x1ED00] =	vst v63  }
0x45: {  	_ =	swait.ge [sflag:s17], $0x180  }
0x46: {  	[sflag:s17] =	ssyncset.done $0x0  }
0x47: {  	s24 =	rddreg [dreg:$0xb];
	[sflag:s17] =	ssyncadd.s32 $0xFFFFFE80  }
0x48: {  	[tilespmem:s19], [sflag:$0x6] =	stream.linear.gather [hbm4b:s24+s13], $0x180, $0x38;
	[tilespmem:$0x1ED00] =	vst v63  }
0x49: {  	_ =	swait.ge [sflag:s17], $0x180  }
0x4a: {  	[sflag:s17] =	ssyncset.done $0x0  }
0x4b: {  	[sflag:s17] =	ssyncadd.s32 $0xFFFFFE80  }
0x4c: {  	[tilespmem:s21], [sflag:$0x3] =	stream.indirect.gather [hbm4b:s5+s20], $0x40, s13, s20, $0xb8;
	[tilespmem:$0x1ED00] =	vst v63  }
0x4d: {  	s14 =	simm.s32 $0x0  }
0x4e: {  	[tilespmem:s22], [sflag:$0x3] =	stream.indirect.gather [hbm4b:s5+s20], $0x40, s20, s20, $0xb8;
	[tilespmem:$0x1ED00] =	vst v63  }
.LBB2_4:
0x4f: {  	p0 =	seq.s32 s14, $0x0  }
0x50: {  	s8 =	simm.s32 @!p0 $0x2  }
0x51: {  	_ =	swait.ge @!p0 [sflag:s8], $0x180  }
0x52: {  	[sflag:s8] =	ssyncset.done @!p0 $0x0  }
0x53: {  	[sflag:s8] =	ssyncadd.s32 @!p0 $0xFFFFFE80  }
0x54: {  	[tilespmem:s23], [sflag:$0x4] =	stream.indirect.gather [hbm4b:s5+s20], $0x40, s19, s20, $0xb8;
	[tilespmem:$0x1ED00] =	vst v63  }
0x55: {  	_ = 	snop  }
0x56: {  	[tilespmem:s26], [sflag:$0x4] =	stream.indirect.gather [hbm4b:s5+s20], $0x40, s25, s20, $0xb8;
	[tilespmem:$0x1ED00] =	vst v63  }
0x57: {  	_ =	swait.ge [sflag:s28], $0x2000  }
0x58: {  	[sflag:s28] =	ssyncset.done $0x0  }
0x59: {  	[sflag:s28] =	ssyncadd.s32 $0xFFFFE000  }
0x5a: {  	v9 =	vld [tilespmem:$0x0];
	_ =	sdelay $0x1  }
0x5b: {  	v10 =	vld [tilespmem:$0x80];
	_ =	sdelay $0x4  }
0x5c: {  	v11 =	vld [tilespmem:$0x100];
	[tilespmem:$0x300] =	vst v10  }
0x5d: {  	v9 =	vld.idx.msk [tilespmem:v9+s18+$0x0], $0xffff;
	_ =	sdelay $0x1  }
0x5e: {  	v10 =	vld.idx.msk [tilespmem:v10+s18+$0x0], $0xffff  }
0x5f: {  	v12 =	vld [tilespmem:$0x10];
	_ =	sdelay $0x1  }
0x60: {  	v9 =	vmul.f32 v9, v11;
	v11 =	vld [tilespmem:$0x90];
	_ =	sdelay $0x1  }
0x61: {  	v9 =	vmul.f32 v10, v9;
	_ =	sdelay $0x1  }
0x62: {  	[tilespmem:$0x400] =	vst v9  }
0x63: {  	v9 =	vld [tilespmem:$0x110];
	[tilespmem:$0x310] =	vst v11  }
0x64: {  	v10 =	vld.idx.msk [tilespmem:v12+s18+$0x0], $0xffff;
	_ =	sdelay $0x1  }
0x65: {  	v11 =	vld.idx.msk [tilespmem:v11+s18+$0x0], $0xffff  }
0x66: {  	v12 =	vld [tilespmem:$0x20];
	_ =	sdelay $0x1  }
0x67: {  	v9 =	vmul.f32 v10, v9;
	v10 =	vld [tilespmem:$0xA0];
	_ =	sdelay $0x1  }
0x68: {  	v9 =	vmul.f32 v11, v9;
	_ =	sdelay $0x1  }
0x69: {  	[tilespmem:$0x410] =	vst v9  }
0x6a: {  	v9 =	vld [tilespmem:$0x120];
	[tilespmem:$0x320] =	vst v10  }
0x6b: {  	v11 =	vld.idx.msk [tilespmem:v12+s18+$0x0], $0xffff;
	_ =	sdelay $0x1  }
0x6c: {  	v10 =	vld.idx.msk [tilespmem:v10+s18+$0x0], $0xffff  }
0x6d: {  	v12 =	vld [tilespmem:$0x30];
	_ =	sdelay $0x1  }
0x6e: {  	v9 =	vmul.f32 v11, v9;
	v11 =	vld [tilespmem:$0xB0];
	_ =	sdelay $0x1  }
0x6f: {  	v9 =	vmul.f32 v10, v9;
	_ =	sdelay $0x1  }
0x70: {  	[tilespmem:$0x420] =	vst v9  }
0x71: {  	v9 =	vld [tilespmem:$0x130];
	[tilespmem:$0x330] =	vst v11  }
0x72: {  	v10 =	vld.idx.msk [tilespmem:v12+s18+$0x0], $0xffff;
	_ =	sdelay $0x1  }
0x73: {  	v11 =	vld.idx.msk [tilespmem:v11+s18+$0x0], $0xffff  }
0x74: {  	v12 =	vld [tilespmem:$0x40];
	_ =	sdelay $0x1  }
0x75: {  	v9 =	vmul.f32 v10, v9;
	v10 =	vld [tilespmem:$0xC0];
	_ =	sdelay $0x1  }
0x76: {  	v9 =	vmul.f32 v11, v9;
	_ =	sdelay $0x1  }
0x77: {  	[tilespmem:$0x430] =	vst v9  }
0x78: {  	v9 =	vld [tilespmem:$0x140];
	[tilespmem:$0x340] =	vst v10  }
0x79: {  	v11 =	vld.idx.msk [tilespmem:v12+s18+$0x0], $0xffff;
	_ =	sdelay $0x1  }
0x7a: {  	v10 =	vld.idx.msk [tilespmem:v10+s18+$0x0], $0xffff  }
0x7b: {  	v12 =	vld [tilespmem:$0x50];
	_ =	sdelay $0x1  }
0x7c: {  	v9 =	vmul.f32 v11, v9;
	v11 =	vld [tilespmem:$0xD0];
	_ =	sdelay $0x1  }
0x7d: {  	v9 =	vmul.f32 v10, v9;
	_ =	sdelay $0x1  }
0x7e: {  	[tilespmem:$0x440] =	vst v9  }
0x7f: {  	v9 =	vld [tilespmem:$0x150];
	[tilespmem:$0x350] =	vst v11  }
0x80: {  	v10 =	vld.idx.msk [tilespmem:v12+s18+$0x0], $0xffff;
	_ =	sdelay $0x1  }
0x81: {  	v11 =	vld.idx.msk [tilespmem:v11+s18+$0x0], $0xffff  }
0x82: {  	v12 =	vld [tilespmem:$0x60];
	_ =	sdelay $0x1  }
0x83: {  	v9 =	vmul.f32 v10, v9;
	v10 =	vld [tilespmem:$0xE0];
	_ =	sdelay $0x1  }
0x84: {  	v9 =	vmul.f32 v11, v9;
	_ =	sdelay $0x1  }
0x85: {  	[tilespmem:$0x450] =	vst v9  }
0x86: {  	v9 =	vld [tilespmem:$0x160];
	[tilespmem:$0x360] =	vst v10  }
0x87: {  	v11 =	vld.idx.msk [tilespmem:v12+s18+$0x0], $0xffff;
	_ =	sdelay $0x1  }
0x88: {  	v10 =	vld.idx.msk [tilespmem:v10+s18+$0x0], $0xffff  }
0x89: {  	v12 =	vld [tilespmem:$0x70];
	_ =	sdelay $0x1  }
0x8a: {  	v9 =	vmul.f32 v11, v9;
	v11 =	vld [tilespmem:$0xF0];
	_ =	sdelay $0x1  }
0x8b: {  	v9 =	vmul.f32 v10, v9;
	_ =	sdelay $0x1  }
0x8c: {  	[tilespmem:$0x460] =	vst v9  }
0x8d: {  	v9 =	vld [tilespmem:$0x170];
	[tilespmem:$0x370] =	vst v11  }
0x8e: {  	v10 =	vld.idx.msk [tilespmem:v12+s18+$0x0], $0xffff;
	_ =	sdelay $0x1  }
0x8f: {  	v11 =	vld.idx.msk [tilespmem:v11+s18+$0x0], $0xffff;
	_ =	sdelay $0x2  }
0x90: {  	v9 =	vmul.f32 v10, v9;
	_ =	sdelay $0x1  }
0x91: {  	v9 =	vmul.f32 v11, v9;
	_ =	sdelay $0x1  }
0x92: {  	s8 =	simm.s32 @!p0 $0x5;
	[tilespmem:$0x470] =	vst v9;
	v9 =	vmov s13  }
0x93: {  	_ =	swait.ge @!p0 [sflag:s8], $0x4000  }
0x94: {  	[sflag:s8] =	ssyncset.done @!p0 $0x0  }
0x95: {  	s24 =	simm.s32 $0x2D20;
	[sflag:s8] =	ssyncadd.s32 @!p0 $0xFFFFC000  }
0x96: {  	v10 =	vld [tilespmem:s24+$0xFFFFFFE0]  }
0x97: {  	v12 =	vld.idx.msk [tilespmem:v9+s29+$0x0], $0xffff  }
0x98: {  	v9 =	vshll.u32 v9, $0x7  }
0x99: {  	v11 =	vor.u32 v0, v9  }
0x9a: {  	v13 =	vor.u32 v2, v9  }
0x9b: {  	v14 =	vshll.u32 v10, $0x10  }
0x9c: {  	v10 =	vand.u32 $0xFFFF0000, v10;
	v14 =	vmul.f32 v14, v12  }
0x9d: {  	v10 =	vmul.f32 v10, v12  }
0x9e: {  	[tilespmem:v11+s16+$0x0] =	vst.idx.msk $0xffff, v14  }
0x9f: {  	[tilespmem:v13+s16+$0x0] =	vst.idx.msk $0xffff, v10  }
0xa0: {  	v10 =	vld [tilespmem:s24+$0xFFFFFFF0];
	_ =	sdelay $0x2  }
0xa1: {  	v11 =	vor.u32 v3, v9  }
0xa2: {  	v13 =	vor.u32 v4, v9  }
0xa3: {  	v14 =	vshll.u32 v10, $0x10  }
0xa4: {  	v10 =	vand.u32 $0xFFFF0000, v10;
	v14 =	vmul.f32 v14, v12  }
0xa5: {  	v10 =	vmul.f32 v10, v12  }
0xa6: {  	[tilespmem:v11+s16+$0x0] =	vst.idx.msk $0xffff, v14  }
0xa7: {  	[tilespmem:v13+s16+$0x0] =	vst.idx.msk $0xffff, v10  }
0xa8: {  	v10 =	vld [tilespmem:s24+$0x0];
	_ =	sdelay $0x2  }
0xa9: {  	v11 =	vor.u32 v5, v9  }
0xaa: {  	v13 =	vor.u32 v6, v9  }
0xab: {  	v14 =	vshll.u32 v10, $0x10  }
0xac: {  	v10 =	vand.u32 $0xFFFF0000, v10;
	v14 =	vmul.f32 v14, v12  }
0xad: {  	v10 =	vmul.f32 v10, v12  }
0xae: {  	[tilespmem:v11+s16+$0x0] =	vst.idx.msk $0xffff, v14  }
0xaf: {  	[tilespmem:v13+s16+$0x0] =	vst.idx.msk $0xffff, v10  }
0xb0: {  	v10 =	vld [tilespmem:s24+$0x10];
	_ =	sdelay $0x3  }
0xb1: {  	v13 =	vor.u32 v7, v9  }
0xb2: {  	v11 =	vshll.u32 v10, $0x10  }
0xb3: {  	v14 =	vmul.f32 v11, v12;
	v11 =	vor.u32 v8, v9  }
0xb4: {  	s15 =	simm.s32 $0x1  }
0xb5: {  	v15 =	vand.u32 $0xFFFF0000, v10;
	v10 =	vmov s15  }
0xb6: {  	s11 =	simm.s32 $0x2;
	s15 =	sshll.u32 s14, $0x1;
	v12 =	vmul.f32 v15, v12;
	v9 =	vshll.u32 v10, $0x7;
	[tilespmem:v13+s16+$0x0] =	vst.idx.msk $0xffff, v14  }
.LBB2_5:
0xb7: {  	p0 =	sne.s32 s11, $0x7F  }
0xb8: {  	[tilespmem:v11+s16+$0x0] =	vst.idx.msk $0xffff, v12;
	s24 =	sadd.s32 $0x40, s24;
	s8 =	smov.u32 s11;
	s11 =	sadd.s32 $0x1, s11  }
0xb9: {  	v11 =	vld [tilespmem:s24+$0xFFFFFFE0]  }
0xba: {  	v12 =	vld.idx.msk [tilespmem:v10+s29+$0x0], $0xffff;
	_ =	sdelay $0x2  }
0xbb: {  	v10 =	vor.u32 v0, v9  }
0xbc: {  	v13 =	vor.u32 v2, v9  }
0xbd: {  	v14 =	vshll.u32 v11, $0x10  }
0xbe: {  	v11 =	vand.u32 $0xFFFF0000, v11;
	v14 =	vmul.f32 v14, v12  }
0xbf: {  	v11 =	vmul.f32 v11, v12  }
0xc0: {  	[tilespmem:v10+s16+$0x0] =	vst.idx.msk $0xffff, v14  }
0xc1: {  	[tilespmem:v13+s16+$0x0] =	vst.idx.msk $0xffff, v11  }
0xc2: {  	v10 =	vld [tilespmem:s24+$0xFFFFFFF0];
	_ =	sdelay $0x2  }
0xc3: {  	v11 =	vor.u32 v3, v9  }
0xc4: {  	v13 =	vor.u32 v4, v9  }
0xc5: {  	v14 =	vshll.u32 v10, $0x10;
	v10 =	vand.u32 $0xFFFF0000, v10  }
0xc6: {  	v14 =	vmul.f32 v14, v12;
	v10 =	vmul.f32 v10, v12;
	_ =	sdelay $0x1  }
0xc7: {  	[tilespmem:v11+s16+$0x0] =	vst.idx.msk $0xffff, v14  }
0xc8: {  	[tilespmem:v13+s16+$0x0] =	vst.idx.msk $0xffff, v10  }
0xc9: {  	v10 =	vld [tilespmem:s24+$0x0];
	_ =	sdelay $0x2  }
0xca: {  	v11 =	vor.u32 v5, v9  }
0xcb: {  	v13 =	vor.u32 v6, v9  }
0xcc: {  	v14 =	vshll.u32 v10, $0x10;
	v10 =	vand.u32 $0xFFFF0000, v10  }
0xcd: {  	v14 =	vmul.f32 v14, v12;
	v10 =	vmul.f32 v10, v12;
	_ =	sdelay $0x1  }
0xce: {  	[tilespmem:v11+s16+$0x0] =	vst.idx.msk $0xffff, v14  }
0xcf: {  	[tilespmem:v13+s16+$0x0] =	vst.idx.msk $0xffff, v10  }
0xd0: {  	v10 =	vld [tilespmem:s24+$0x10];
	_ =	sdelay $0x2  }
0xd1: {  	v13 =	vor.u32 v7, v9  }
.Ltmp1:
0xd2: {  	v11 =	vor.u32 v8, v9;
	(pc) =	sbr.rel @p0 .LBB2_5-.Ltmp1, $4  }
0xd3: {  	v9 =	vshll.u32 v10, $0x10;
	v14 =	vand.u32 $0xFFFF0000, v10  }
0xd4: {  	v10 =	vmov s8;
	v15 =	vmul.f32 v9, v12;
	v12 =	vmul.f32 v14, v12  }
0xd5: {  	v9 =	vshll.u32 v10, $0x7  }
0xd6: {  	[tilespmem:v13+s16+$0x0] =	vst.idx.msk $0xffff, v15  }
0xd7: {  	_ =	sdelay $0x3  }
0xd8: {  	[tilespmem:v11+s16+$0x0] =	vst.idx.msk $0xffff, v12;
	s8 =	sadd.s32 $0x40, s24  }
0xd9: {  	v11 =	vld [tilespmem:s8+$0xFFFFFFE0]  }
0xda: {  	v10 =	vld.idx.msk [tilespmem:v10+s29+$0x0], $0xffff;
	_ =	sdelay $0x1  }
0xdb: {  	v12 =	vor.u32 v0, v9  }
0xdc: {  	v13 =	vor.u32 v2, v9  }
0xdd: {  	v14 =	vshll.u32 v11, $0x10  }
0xde: {  	v11 =	vand.u32 $0xFFFF0000, v11;
	v14 =	vmul.f32 v14, v10  }
0xdf: {  	v11 =	vmul.f32 v11, v10  }
0xe0: {  	[tilespmem:v12+s16+$0x0] =	vst.idx.msk $0xffff, v14  }
0xe1: {  	[tilespmem:v13+s16+$0x0] =	vst.idx.msk $0xffff, v11  }
0xe2: {  	v11 =	vld [tilespmem:s8+$0xFFFFFFF0];
	_ =	sdelay $0x2  }
0xe3: {  	v12 =	vor.u32 v3, v9  }
0xe4: {  	v13 =	vor.u32 v4, v9  }
0xe5: {  	v14 =	vshll.u32 v11, $0x10  }
0xe6: {  	v11 =	vand.u32 $0xFFFF0000, v11;
	v14 =	vmul.f32 v14, v10  }
0xe7: {  	v11 =	vmul.f32 v11, v10  }
0xe8: {  	[tilespmem:v12+s16+$0x0] =	vst.idx.msk $0xffff, v14  }
0xe9: {  	[tilespmem:v13+s16+$0x0] =	vst.idx.msk $0xffff, v11  }
0xea: {  	v11 =	vld [tilespmem:s8+$0x0];
	_ =	sdelay $0x2  }
0xeb: {  	v12 =	vor.u32 v5, v9  }
0xec: {  	v13 =	vor.u32 v6, v9  }
0xed: {  	v14 =	vshll.u32 v11, $0x10  }
0xee: {  	v11 =	vand.u32 $0xFFFF0000, v11;
	v14 =	vmul.f32 v14, v10  }
0xef: {  	v11 =	vmul.f32 v11, v10  }
0xf0: {  	[tilespmem:v12+s16+$0x0] =	vst.idx.msk $0xffff, v14  }
0xf1: {  	[tilespmem:v13+s16+$0x0] =	vst.idx.msk $0xffff, v11  }
0xf2: {  	v11 =	vld [tilespmem:s8+$0x10];
	_ =	sdelay $0x2  }
0xf3: {  	v12 =	vor.u32 v7, v9  }
0xf4: {  	v9 =	vor.u32 v8, v9  }
0xf5: {  	s24 =	sadd.s32 s7, s15;
	v13 =	vshll.u32 v11, $0x10  }
0xf6: {  	s8 =	smul.u32 $0x180, s24;
	v11 =	vand.u32 $0xFFFF0000, v11;
	v13 =	vmul.f32 v13, v10  }
0xf7: {  	v10 =	vmul.f32 v11, v10  }
0xf8: {  	s8 =	sshrl.u32 s8, $0x3;
	[tilespmem:v12+s16+$0x0] =	vst.idx.msk $0xffff, v13  }
0xf9: {  	s15 =	sadd.s32 s1, s8;
	[tilespmem:v9+s16+$0x0] =	vst.idx.msk $0xffff, v10  }
0xfa: {  	[spmem:s2] =	stream.indirect.scatter.add.f32 [tilespmem:s16], [sflag:$0x5], $0x80, s31, s30, $0xb8;
	[tilespmem:$0x1ED00] =	vst v63  }
0xfb: {  	s11 =	simm.s32 $0x0;
	s8 =	sadd.s32 $0x60, s15  }
0xfc: {  	[tilespmem:s11], [sflag:$0x1] =	stream.linear.gather [hbm4b:s8+s11], $0x180, $0x38;
	[tilespmem:$0x1ED00] =	vst v63  }
0xfd: {  	_ =	swait.ge [sflag:s0], $0x180  }
0xfe: {  	[sflag:s0] =	ssyncset.done $0x0  }
0xff: {  	[sflag:s0] =	ssyncadd.s32 $0xFFFFFE80  }
0x100: {  	[tilespmem:s21], [sflag:$0x3] =	stream.indirect.gather [hbm4b:s5+s20], $0x40, s11, s20, $0xb8;
	[tilespmem:$0x1ED00] =	vst v63  }
0x101: {  	_ = 	snop  }
0x102: {  	[tilespmem:s22], [sflag:$0x3] =	stream.indirect.gather [hbm4b:s5+s20], $0x40, s20, s20, $0xb8;
	[tilespmem:$0x1ED00] =	vst v63  }
0x103: {  	_ =	swait.ge [sflag:s4], $0x2000  }
0x104: {  	[sflag:s4] =	ssyncset.done $0x0  }
0x105: {  	[sflag:s4] =	ssyncadd.s32 $0xFFFFE000  }
0x106: {  	v9 =	vld [tilespmem:$0x180];
	_ =	sdelay $0x1  }
0x107: {  	v10 =	vld [tilespmem:$0x200];
	_ =	sdelay $0x4  }
0x108: {  	v11 =	vld [tilespmem:$0x280];
	[tilespmem:$0x380] =	vst v10  }
0x109: {  	v9 =	vld.idx.msk [tilespmem:v9+s18+$0x0], $0xffff;
	_ =	sdelay $0x1  }
0x10a: {  	v10 =	vld.idx.msk [tilespmem:v10+s18+$0x0], $0xffff  }
0x10b: {  	v12 =	vld [tilespmem:$0x190];
	_ =	sdelay $0x1  }
0x10c: {  	v9 =	vmul.f32 v9, v11;
	v11 =	vld [tilespmem:$0x210];
	_ =	sdelay $0x1  }
0x10d: {  	v9 =	vmul.f32 v10, v9;
	_ =	sdelay $0x1  }
0x10e: {  	[tilespmem:$0x480] =	vst v9  }
0x10f: {  	v9 =	vld [tilespmem:$0x290];
	[tilespmem:$0x390] =	vst v11  }
0x110: {  	v10 =	vld.idx.msk [tilespmem:v12+s18+$0x0], $0xffff;
	_ =	sdelay $0x1  }
0x111: {  	v11 =	vld.idx.msk [tilespmem:v11+s18+$0x0], $0xffff  }
0x112: {  	v12 =	vld [tilespmem:$0x1A0];
	_ =	sdelay $0x1  }
0x113: {  	v9 =	vmul.f32 v10, v9;
	v10 =	vld [tilespmem:$0x220];
	_ =	sdelay $0x1  }
0x114: {  	v9 =	vmul.f32 v11, v9;
	_ =	sdelay $0x1  }
0x115: {  	[tilespmem:$0x490] =	vst v9  }
0x116: {  	v9 =	vld [tilespmem:$0x2A0];
	[tilespmem:$0x3A0] =	vst v10  }
0x117: {  	v11 =	vld.idx.msk [tilespmem:v12+s18+$0x0], $0xffff;
	_ =	sdelay $0x1  }
0x118: {  	v10 =	vld.idx.msk [tilespmem:v10+s18+$0x0], $0xffff  }
0x119: {  	v12 =	vld [tilespmem:$0x1B0];
	_ =	sdelay $0x1  }
0x11a: {  	v9 =	vmul.f32 v11, v9;
	v11 =	vld [tilespmem:$0x230];
	_ =	sdelay $0x1  }
0x11b: {  	v9 =	vmul.f32 v10, v9;
	_ =	sdelay $0x1  }
0x11c: {  	[tilespmem:$0x4A0] =	vst v9  }
0x11d: {  	v9 =	vld [tilespmem:$0x2B0];
	[tilespmem:$0x3B0] =	vst v11  }
0x11e: {  	v10 =	vld.idx.msk [tilespmem:v12+s18+$0x0], $0xffff;
	_ =	sdelay $0x1  }
0x11f: {  	v11 =	vld.idx.msk [tilespmem:v11+s18+$0x0], $0xffff  }
0x120: {  	v12 =	vld [tilespmem:$0x1C0];
	_ =	sdelay $0x1  }
0x121: {  	v9 =	vmul.f32 v10, v9;
	v10 =	vld [tilespmem:$0x240];
	_ =	sdelay $0x1  }
0x122: {  	v9 =	vmul.f32 v11, v9;
	_ =	sdelay $0x1  }
0x123: {  	[tilespmem:$0x4B0] =	vst v9  }
0x124: {  	v9 =	vld [tilespmem:$0x2C0];
	[tilespmem:$0x3C0] =	vst v10  }
0x125: {  	v11 =	vld.idx.msk [tilespmem:v12+s18+$0x0], $0xffff;
	_ =	sdelay $0x1  }
0x126: {  	v10 =	vld.idx.msk [tilespmem:v10+s18+$0x0], $0xffff  }
0x127: {  	v12 =	vld [tilespmem:$0x1D0];
	_ =	sdelay $0x1  }
0x128: {  	v9 =	vmul.f32 v11, v9;
	v11 =	vld [tilespmem:$0x250];
	_ =	sdelay $0x1  }
0x129: {  	v9 =	vmul.f32 v10, v9;
	_ =	sdelay $0x1  }
0x12a: {  	[tilespmem:$0x4C0] =	vst v9  }
0x12b: {  	v9 =	vld [tilespmem:$0x2D0];
	[tilespmem:$0x3D0] =	vst v11  }
0x12c: {  	v10 =	vld.idx.msk [tilespmem:v12+s18+$0x0], $0xffff;
	_ =	sdelay $0x1  }
0x12d: {  	v11 =	vld.idx.msk [tilespmem:v11+s18+$0x0], $0xffff  }
0x12e: {  	v12 =	vld [tilespmem:$0x1E0];
	_ =	sdelay $0x1  }
0x12f: {  	v9 =	vmul.f32 v10, v9;
	v10 =	vld [tilespmem:$0x260];
	_ =	sdelay $0x1  }
0x130: {  	v9 =	vmul.f32 v11, v9;
	_ =	sdelay $0x1  }
0x131: {  	[tilespmem:$0x4D0] =	vst v9  }
0x132: {  	v9 =	vld [tilespmem:$0x2E0];
	[tilespmem:$0x3E0] =	vst v10  }
0x133: {  	v11 =	vld.idx.msk [tilespmem:v12+s18+$0x0], $0xffff;
	_ =	sdelay $0x1  }
0x134: {  	v10 =	vld.idx.msk [tilespmem:v10+s18+$0x0], $0xffff  }
0x135: {  	v12 =	vld [tilespmem:$0x1F0];
	_ =	sdelay $0x1  }
0x136: {  	v9 =	vmul.f32 v11, v9;
	v11 =	vld [tilespmem:$0x270];
	_ =	sdelay $0x1  }
0x137: {  	v9 =	vmul.f32 v10, v9;
	_ =	sdelay $0x1  }
0x138: {  	[tilespmem:$0x4E0] =	vst v9  }
0x139: {  	v9 =	vld [tilespmem:$0x2F0];
	[tilespmem:$0x3F0] =	vst v11  }
0x13a: {  	v10 =	vld.idx.msk [tilespmem:v12+s18+$0x0], $0xffff;
	_ =	sdelay $0x1  }
0x13b: {  	v11 =	vld.idx.msk [tilespmem:v11+s18+$0x0], $0xffff;
	_ =	sdelay $0x2  }
0x13c: {  	v9 =	vmul.f32 v10, v9;
	_ =	sdelay $0x1  }
0x13d: {  	v9 =	vmul.f32 v11, v9;
	_ =	sdelay $0x1  }
0x13e: {  	[tilespmem:$0x4F0] =	vst v9;
	v9 =	vmov s11  }
0x13f: {  	_ =	swait.ge [sflag:s6], $0x4000  }
0x140: {  	[sflag:s6] =	ssyncset.done $0x0  }
0x141: {  	s24 =	simm.s32 $0x4D20;
	[sflag:s6] =	ssyncadd.s32 $0xFFFFC000  }
0x142: {  	v10 =	vld [tilespmem:s24+$0xFFFFFFE0]  }
0x143: {  	v12 =	vld.idx.msk [tilespmem:v9+s9+$0x0], $0xffff  }
0x144: {  	v9 =	vshll.u32 v9, $0x7  }
0x145: {  	v11 =	vor.u32 v0, v9  }
0x146: {  	v13 =	vor.u32 v2, v9  }
0x147: {  	v14 =	vshll.u32 v10, $0x10  }
0x148: {  	v10 =	vand.u32 $0xFFFF0000, v10;
	v14 =	vmul.f32 v14, v12  }
0x149: {  	v10 =	vmul.f32 v10, v12  }
0x14a: {  	[tilespmem:v11+s16+$0x0] =	vst.idx.msk $0xffff, v14  }
0x14b: {  	[tilespmem:v13+s16+$0x0] =	vst.idx.msk $0xffff, v10  }
0x14c: {  	v10 =	vld [tilespmem:s24+$0xFFFFFFF0];
	_ =	sdelay $0x2  }
0x14d: {  	v11 =	vor.u32 v3, v9  }
0x14e: {  	v13 =	vor.u32 v4, v9  }
0x14f: {  	v14 =	vshll.u32 v10, $0x10  }
0x150: {  	v10 =	vand.u32 $0xFFFF0000, v10;
	v14 =	vmul.f32 v14, v12  }
0x151: {  	v10 =	vmul.f32 v10, v12  }
0x152: {  	[tilespmem:v11+s16+$0x0] =	vst.idx.msk $0xffff, v14  }
0x153: {  	[tilespmem:v13+s16+$0x0] =	vst.idx.msk $0xffff, v10  }
0x154: {  	v10 =	vld [tilespmem:s24+$0x0];
	_ =	sdelay $0x2  }
0x155: {  	v11 =	vor.u32 v5, v9  }
0x156: {  	v13 =	vor.u32 v6, v9  }
0x157: {  	v14 =	vshll.u32 v10, $0x10  }
0x158: {  	v10 =	vand.u32 $0xFFFF0000, v10;
	v14 =	vmul.f32 v14, v12  }
0x159: {  	v10 =	vmul.f32 v10, v12  }
0x15a: {  	[tilespmem:v11+s16+$0x0] =	vst.idx.msk $0xffff, v14  }
0x15b: {  	[tilespmem:v13+s16+$0x0] =	vst.idx.msk $0xffff, v10  }
0x15c: {  	v10 =	vld [tilespmem:s24+$0x10];
	_ =	sdelay $0x3  }
0x15d: {  	v13 =	vor.u32 v7, v9  }
0x15e: {  	v11 =	vshll.u32 v10, $0x10  }
0x15f: {  	v14 =	vmul.f32 v11, v12;
	v11 =	vor.u32 v8, v9  }
0x160: {  	s11 =	simm.s32 $0x1  }
0x161: {  	v15 =	vand.u32 $0xFFFF0000, v10;
	v10 =	vmov s11  }
0x162: {  	s11 =	simm.s32 $0x2;
	v12 =	vmul.f32 v15, v12;
	v9 =	vshll.u32 v10, $0x7;
	[tilespmem:v13+s16+$0x0] =	vst.idx.msk $0xffff, v14  }
.LBB2_7:
0x163: {  	p0 =	sne.s32 s11, $0x7F  }
0x164: {  	[tilespmem:v11+s16+$0x0] =	vst.idx.msk $0xffff, v12;
	s24 =	sadd.s32 $0x40, s24;
	s8 =	smov.u32 s11;
	s11 =	sadd.s32 $0x1, s11  }
0x165: {  	v11 =	vld [tilespmem:s24+$0xFFFFFFE0]  }
0x166: {  	v12 =	vld.idx.msk [tilespmem:v10+s9+$0x0], $0xffff;
	_ =	sdelay $0x2  }
0x167: {  	v10 =	vor.u32 v0, v9  }
0x168: {  	v13 =	vor.u32 v2, v9  }
0x169: {  	v14 =	vshll.u32 v11, $0x10  }
0x16a: {  	v11 =	vand.u32 $0xFFFF0000, v11;
	v14 =	vmul.f32 v14, v12  }
0x16b: {  	v11 =	vmul.f32 v11, v12  }
0x16c: {  	[tilespmem:v10+s16+$0x0] =	vst.idx.msk $0xffff, v14  }
0x16d: {  	[tilespmem:v13+s16+$0x0] =	vst.idx.msk $0xffff, v11  }
0x16e: {  	v10 =	vld [tilespmem:s24+$0xFFFFFFF0];
	_ =	sdelay $0x2  }
0x16f: {  	v11 =	vor.u32 v3, v9  }
0x170: {  	v13 =	vor.u32 v4, v9  }
0x171: {  	v14 =	vshll.u32 v10, $0x10;
	v10 =	vand.u32 $0xFFFF0000, v10  }
0x172: {  	v14 =	vmul.f32 v14, v12;
	v10 =	vmul.f32 v10, v12;
	_ =	sdelay $0x1  }
0x173: {  	[tilespmem:v11+s16+$0x0] =	vst.idx.msk $0xffff, v14  }
0x174: {  	[tilespmem:v13+s16+$0x0] =	vst.idx.msk $0xffff, v10  }
0x175: {  	v10 =	vld [tilespmem:s24+$0x0];
	_ =	sdelay $0x2  }
0x176: {  	v11 =	vor.u32 v5, v9  }
0x177: {  	v13 =	vor.u32 v6, v9  }
0x178: {  	v14 =	vshll.u32 v10, $0x10;
	v10 =	vand.u32 $0xFFFF0000, v10  }
0x179: {  	v14 =	vmul.f32 v14, v12;
	v10 =	vmul.f32 v10, v12;
	_ =	sdelay $0x1  }
0x17a: {  	[tilespmem:v11+s16+$0x0] =	vst.idx.msk $0xffff, v14  }
0x17b: {  	[tilespmem:v13+s16+$0x0] =	vst.idx.msk $0xffff, v10  }
0x17c: {  	v10 =	vld [tilespmem:s24+$0x10];
	_ =	sdelay $0x2  }
0x17d: {  	v13 =	vor.u32 v7, v9  }
.Ltmp2:
0x17e: {  	v11 =	vor.u32 v8, v9;
	(pc) =	sbr.rel @p0 .LBB2_7-.Ltmp2, $4  }
0x17f: {  	v9 =	vshll.u32 v10, $0x10;
	v14 =	vand.u32 $0xFFFF0000, v10  }
0x180: {  	v10 =	vmov s8;
	v15 =	vmul.f32 v9, v12;
	v12 =	vmul.f32 v14, v12  }
0x181: {  	v9 =	vshll.u32 v10, $0x7  }
0x182: {  	[tilespmem:v13+s16+$0x0] =	vst.idx.msk $0xffff, v15  }
0x183: {  	_ =	sdelay $0x3  }
0x184: {  	[tilespmem:v11+s16+$0x0] =	vst.idx.msk $0xffff, v12;
	s8 =	sadd.s32 $0x40, s24  }
0x185: {  	v11 =	vld [tilespmem:s8+$0xFFFFFFE0]  }
0x186: {  	v10 =	vld.idx.msk [tilespmem:v10+s9+$0x0], $0xffff;
	_ =	sdelay $0x1  }
0x187: {  	v55 =	vor.u32 v0, v9  }
0x188: {  	v13 =	vor.u32 v2, v9  }
0x189: {  	v14 =	vshll.u32 v11, $0x10  }
0x18a: {  	v11 =	vand.u32 $0xFFFF0000, v11;
	v14 =	vmul.f32 v14, v10  }
0x18b: {  	v11 =	vmul.f32 v11, v10  }
0x18c: {  	[tilespmem:v55+s16+$0x0] =	vst.idx.msk $0xffff, v14  }
0x18d: {  	[tilespmem:v13+s16+$0x0] =	vst.idx.msk $0xffff, v11  }
0x18e: {  	v11 =	vld [tilespmem:s8+$0xFFFFFFF0];
	_ =	sdelay $0x2  }
0x18f: {  	v56 =	vor.u32 v3, v9  }
0x190: {  	v57 =	vor.u32 v4, v9  }
0x191: {  	v58 =	vshll.u32 v11, $0x10  }
0x192: {  	v11 =	vand.u32 $0xFFFF0000, v11;
	v14 =	vmul.f32 v58, v10  }
0x193: {  	v11 =	vmul.f32 v11, v10  }
0x194: {  	[tilespmem:v56+s16+$0x0] =	vst.idx.msk $0xffff, v14  }
0x195: {  	[tilespmem:v57+s16+$0x0] =	vst.idx.msk $0xffff, v11  }
0x196: {  	v11 =	vld [tilespmem:s8+$0x0];
	_ =	sdelay $0x2  }
0x197: {  	v59 =	vor.u32 v5, v9  }
0x198: {  	v60 =	vor.u32 v6, v9  }
0x199: {  	v61 =	vshll.u32 v11, $0x10  }
0x19a: {  	v11 =	vand.u32 $0xFFFF0000, v11;
	v14 =	vmul.f32 v61, v10  }
0x19b: {  	v11 =	vmul.f32 v11, v10  }
0x19c: {  	[tilespmem:v59+s16+$0x0] =	vst.idx.msk $0xffff, v14  }
0x19d: {  	[tilespmem:v60+s16+$0x0] =	vst.idx.msk $0xffff, v11  }
0x19e: {  	v11 =	vld [tilespmem:s8+$0x10];
	_ =	sdelay $0x2  }
0x19f: {  	v62 =	vor.u32 v7, v9  }
0x1a0: {  	v9 =	vor.u32 v8, v9  }
0x1a1: {  	v63 =	vshll.u32 v11, $0x10  }
0x1a2: {  	s14 =	sadd.s32 $0x1, s14;
	v11 =	vand.u32 $0xFFFF0000, v11;
	v13 =	vmul.f32 v63, v10  }
0x1a3: {  	p0 =	sne.s32 s14, $0x29;
	v10 =	vmul.f32 v11, v10  }
.Ltmp3:
0x1a4: {  	[tilespmem:v62+s16+$0x0] =	vst.idx.msk $0xffff, v13;
	(pc) =	sbr.rel @p0 .LBB2_4-.Ltmp3, $4  }
0x1a5: {  	[tilespmem:v9+s16+$0x0] =	vst.idx.msk $0xffff, v10  }
0x1a6: {  	[spmem:s2] =	stream.indirect.scatter.add.f32 [tilespmem:s16], [sflag:$0x5], $0x80, s10, s30, $0xb8;
	[tilespmem:$0x1ED00] =	vst v63  }
0x1a7: {  	s24 =	sadd.s32 $0x90, s15  }
0x1a8: {  	[tilespmem:s19], [sflag:$0x2] =	stream.linear.gather [hbm4b:s24+s3], $0x180, $0x38;
	[tilespmem:$0x1ED00] =	vst v63  }
0x1a9: {  	_ =	swait.ge [sflag:s28], $0x2000  }
0x1aa: {  	[sflag:s28] =	ssyncset.done $0x0  }
0x1ab: {  	s8 =	simm.s32 $0x2;
	[sflag:s28] =	ssyncadd.s32 $0xFFFFE000  }
0x1ac: {  	_ =	swait.ge [sflag:s8], $0x180  }
0x1ad: {  	[sflag:s8] =	ssyncset.done $0x0  }
0x1ae: {  	[sflag:s8] =	ssyncadd.s32 $0xFFFFFE80  }
0x1af: {  	_ =	swait.ge [sflag:s6], $0x4000  }
0x1b0: {  	[sflag:s6] =	ssyncset.done $0x0  }
0x1b1: {  	[sflag:s6] =	ssyncadd.s32 $0xFFFFC000  }
0x1b2: {  	s15 =	stileid.u32;
	[bflag:$0x0] =	sbarrier.arrive $0xFFFF  }
0x1b3: {  	s8 =	sshll.u32 s15, $0x6;
	s13 =	rddreg [dreg:$0x5]  }
0x1b4: {  	s8 =	sor.u32 $0x1C06, s8;
	s14 =	rddreg [dreg:$0xd];
	s11 =	sshrl.u32 s13, $0x3  }
0x1b5: {  	[hbm:s14], [sflag:s8] =	dma.local [spmem:s11], $0x2800  }
0x1b6: {  	_ =	swait.ge [sflag:s17], $0x2800  }
0x1b7: {  	s12 =	sadd.s32 $0x1, s12;
	s24 =	rddreg [dreg:$0xc]  }
0x1b8: {  	p0 =	sne.s32 s12, s24  }
.Ltmp4:
0x1b9: {  	_ = 	snop;
	(pc) =	sbr.rel @p0 .LBB2_1-.Ltmp4, $3  }
0x1ba: {  	_ =	sdelay $0x1  }
0x1bb: {  	[sflag:s17] =	ssyncset.done $0x0  }
0x1bc: {  	[sflag:s17] =	ssyncadd.s32 $0xFFFFD800  }
0x1bd: {  	_ =	sfence.sel $0x180000  }
0x1be: {  	[bflag:$0x0] =	sbarrier.arrive $0xFFFF  }
0x1bf: {  	_ =	strace $0x9000004D  }
0x1c0: {  	s0 =	stileid.u32;
	[bflag:$0x2] =	sbarrier.arrive $0xFFFF  }
0x1c1: {  	p0 =	sne.s32 s0, $0x0;
	s0 =	rddreg [dreg:$0x3]  }
0x1c2: {  	s0 =	sadd.s32 @!p0 $0x100000, s0  }
0x1c3: {  	[sflag:s0] =	ssyncadd.tile.s32 @!p0 $0x1;
	_ =	shalt  }
.Lfunc_end2:
_tile_overlayer_lowered:
.L_overlay_start_2:
0x1c4: {  	(tag) =	ssettag $0x2  }
0x1c5: {  	s0 =	rddreg [dreg:$0x0];
	s2 =	stileid.u32  }
0x1c6: {  	s1 =	rddreg [dreg:$0x1];
	p0 =	sne.s32 s2, $0x0  }
0x1c7: {  	s3 =	rddreg [dreg:$0x2];
	[bflag:$0x3] =	sbarrier.arrive $0xFFFF;
	s2 =	simm.s32 @!p0 $0x1C06  }
0x1c8: {  	[timem:s3], [sflag:s2] =	dma.local @!p0 [hbm:s0], s1  }
0x1c9: {  	s0 =	simm.s32 @!p0 $0x6  }
0x1ca: {  	_ =	swait.ge @!p0 [sflag:s0], s1  }
0x1cb: {  	s1 =	ssub.s32 @!p0 $0x0, s1;
	[sflag:s0] =	ssyncset.done @!p0 $0x0  }
0x1cc: {  	[sflag:s0] =	ssyncadd.s32 @!p0 s1  }
0x1cd: {  	[bflag:$0x3] =	sbarrier.arrive $0xFFFF  }
0x1ce: {  	_ =	shalt  }

// kernel: kernel.8.cloned.1.call-start
scs
__scs_entry_jumppad:
0x0: {  	(pc) =	sbr.rel $0x88, $3  }
0x1: {  	(tag) =	ssettag $0x0;
	lr =	simm.s32 $0x1  }
0x2: {  	[smem:$0x3F9A] =	sst lr;
	_ =	strace $0xD0000000  }
0x3: {  	_ = 	snop  }
0x4: {  	_ = 	snop  }
0x5: {  	_ = 	snop  }
0x6: {  	_ = 	snop  }
0x7: {  	_ = 	snop  }
__scs_overlays_trampoline_lowered:
0x8: {  	[smem:$0x3FA9] =	sst s0  }
0x9: {  	[smem:$0x3FAA] =	sst s1  }
0xa: {  	[smem:$0x3FAB] =	sst s2  }
0xb: {  	[smem:$0x3FAC] =	sst s3  }
0xc: {  	[smem:$0x3FAD] =	sst s4  }
0xd: {  	[smem:$0x3FAE] =	sst s5  }
0xe: {  	[smem:$0x3FAF] =	sst s6  }
0xf: {  	[smem:$0x3FB0] =	sst s7  }
0x10: {  	[smem:$0x3FB1] =	sst s8  }
0x11: {  	[smem:$0x3FB2] =	sst s9;
	s0 =	simm.s32 @!p0 $0x0  }
0x12: {  	s1 =	sld [smem:$0x3F98];
	s0 =	simm.s32 @p0 $0x1  }
0x13: {  	[smem:$0x3FB3] =	sst s0;
	s0 =	simm.s32 @!p1 $0x0  }
0x14: {  	s2 =	sld [smem:$0x3F97];
	s0 =	simm.s32 @p1 $0x1  }
0x15: {  	[smem:$0x3FB4] =	sst s0;
	s0 =	simm.s32 @!p2 $0x0  }
0x16: {  	s3 =	sld [smem:$0x3FDB];
	s0 =	simm.s32 @p2 $0x1  }
0x17: {  	s4 =	simm.s32 $0x1BF5;
	[smem:$0x3FB6] =	sst s0  }
0x18: {  	s0 =	sld [smem:$0x3F99];
	_ =	swait.ge [sflag:s4], $0x0  }
0x19: {  	s7 =	sld [smem:$0x3F9A]  }
0x1a: {  	s8 =	sadd.s32 $0xFFFFE003, lr  }
0x1b: {  	s9 =	sadd.s32 $0xFFFFFEF7, lr;
	s5 =	simm.s32 $0xFFFFFFFF;
	p2 =	slt.u32 s8, $0xFFFFF086  }
0x1c: {  	p1 =	slt.u32 s9, $0xF7A;
	s5 =	simm.s32 @!p2 $0x0  }
0x1d: {  	s5 =	simm.s32 @p1 $0x1;
	p0 =	seq.s32 s7, s2  }
0x1e: {  	s7 =	smul.u32 @!p0 $0xF7A, s2;
	p2 =	seq.s32 @!p0 s5, $0x0  }
0x1f: {  	s9 =	smul.u32 $0xF7A, s1;
	s8 =	simm.s32 @!p0 $0x1BF5;
	p2 =	por !p2, p0  }
0x20: {  	[sflag:s8] =	ssyncset.s32 @!p0 $0xFFFFF086;
	s6 =	sadd.s32 @!p0 s3, s7;
	s7 =	simm.s32 @!p0 $0x108  }
0x21: {  	s3 =	sadd.s32 s3, s9;
	s6 =	sadd.s32 @!p0 $0x88, s6;
	s7 =	simm.s32 @p2 $0x1082  }
0x22: {  	[simem:s7], [sflag:s8] =	dma.local @!p0 [hbm:s6], $0xF7A  }
0x23: {  	s9 =	sor.u32 $0xD0000000, s2;
	s6 =	simm.s32 $0x108;
	_ =	swait.ge @!p0 [sflag:s8], $0x0  }
0x24: {  	s3 =	sadd.s32 $0x88, s3;
	s6 =	simm.s32 @!p1 $0x1082;
	[sflag:s4] =	ssyncset.s32 $0xFFFFF086  }
0x25: {  	[simem:s6], [sflag:s4] =	dma.local [hbm:s3], $0xF7A  }
0x26: {  	[smem:$0x3F9A] =	sst s1;
	(tag) =	ssettag s2;
	_ =	strace s9  }
0x27: {  	s1 =	sld [smem:$0x3FAA]  }
0x28: {  	s2 =	sld [smem:$0x3FAB]  }
0x29: {  	s4 =	sld [smem:$0x3FAD]  }
0x2a: {  	p0 =	seq.s32 s5, $0x0;
	s5 =	sld [smem:$0x3FAE]  }
0x2b: {  	s6 =	sld [smem:$0x3FAF]  }
0x2c: {  	s7 =	sld [smem:$0x3FB0]  }
0x2d: {  	s3 =	simm.s32 $0x108;
	s8 =	sld [smem:$0x3FB1]  }
0x2e: {  	s3 =	simm.s32 @!p0 $0x1082;
	s9 =	sld [smem:$0x3FB2]  }
0x2f: {  	lr =	sadd.s32 s0, s3;
	s0 =	sld [smem:$0x3FA9]  }
0x30: {  	s3 =	sld [smem:$0x3FAC]  }
0x31: {  	[smem:$0x3FB5] =	sst s10  }
0x32: {  	s10 =	sld [smem:$0x3FB3];
	_ =	sdelay $0x3  }
0x33: {  	p0 =	seq.s32 s10, $0x1;
	s10 =	sld [smem:$0x3FB5];
	_ =	sdelay $0x3  }
0x34: {  	[smem:$0x3FB5] =	sst s10  }
0x35: {  	s10 =	sld [smem:$0x3FB4];
	_ =	sdelay $0x3  }
0x36: {  	p1 =	seq.s32 s10, $0x1;
	s10 =	sld [smem:$0x3FB5];
	_ =	sdelay $0x3  }
0x37: {  	[smem:$0x3FB5] =	sst s10  }
0x38: {  	s10 =	sld [smem:$0x3FB6]  }
0x39: {  	_ = 	snop;
	(pc) =	sbr.ind lr, $3  }
0x3a: {  	_ = 	snop  }
0x3b: {  	_ = 	snop  }
0x3c: {  	p2 =	seq.s32 s10, $0x1;
	s10 =	sld [smem:$0x3FB5]  }
0x3d: {  	_ =	shalt  }
0x3e: {  	_ =	shalt  }
0x3f: {  	_ =	shalt  }
0x40: {  	_ =	shalt  }
0x41: {  	_ =	shalt  }
0x42: {  	_ =	shalt  }
0x43: {  	_ =	shalt  }
0x44: {  	_ =	shalt  }
0x45: {  	_ =	shalt  }
0x46: {  	_ =	shalt  }
0x47: {  	_ =	shalt  }
0x48: {  	_ =	shalt  }
0x49: {  	_ =	shalt  }
0x4a: {  	_ =	shalt  }
0x4b: {  	_ =	shalt  }
0x4c: {  	_ =	shalt  }
0x4d: {  	_ =	shalt  }
0x4e: {  	_ =	shalt  }
0x4f: {  	_ =	shalt  }
0x50: {  	_ =	shalt  }
0x51: {  	_ =	shalt  }
0x52: {  	_ =	shalt  }
0x53: {  	_ =	shalt  }
0x54: {  	_ =	shalt  }
0x55: {  	_ =	shalt  }
0x56: {  	_ =	shalt  }
0x57: {  	_ =	shalt  }
0x58: {  	_ =	shalt  }
0x59: {  	_ =	shalt  }
0x5a: {  	_ =	shalt  }
0x5b: {  	_ =	shalt  }
0x5c: {  	_ =	shalt  }
0x5d: {  	_ =	shalt  }
0x5e: {  	_ =	shalt  }
0x5f: {  	_ =	shalt  }
0x60: {  	_ =	shalt  }
0x61: {  	_ =	shalt  }
0x62: {  	_ =	shalt  }
0x63: {  	_ =	shalt  }
0x64: {  	_ =	shalt  }
0x65: {  	_ =	shalt  }
0x66: {  	_ =	shalt  }
0x67: {  	_ =	shalt  }
0x68: {  	_ =	shalt  }
0x69: {  	_ =	shalt  }
0x6a: {  	_ =	shalt  }
0x6b: {  	_ =	shalt  }
0x6c: {  	_ =	shalt  }
0x6d: {  	_ =	shalt  }
0x6e: {  	_ =	shalt  }
0x6f: {  	_ =	shalt  }
0x70: {  	_ =	shalt  }
0x71: {  	_ =	shalt  }
0x72: {  	_ =	shalt  }
0x73: {  	_ =	shalt  }
0x74: {  	_ =	shalt  }
0x75: {  	_ =	shalt  }
0x76: {  	_ =	shalt  }
0x77: {  	_ =	shalt  }
0x78: {  	_ =	shalt  }
0x79: {  	_ =	shalt  }
0x7a: {  	_ =	shalt  }
0x7b: {  	_ =	shalt  }
0x7c: {  	_ =	shalt  }
0x7d: {  	_ =	shalt  }
0x7e: {  	_ =	shalt  }
0x7f: {  	_ =	shalt  }
0x80: {  	_ =	shalt  }
0x81: {  	_ =	shalt  }
0x82: {  	_ =	shalt  }
0x83: {  	_ =	shalt  }
0x84: {  	_ =	shalt  }
0x85: {  	_ =	shalt  }
0x86: {  	_ =	shalt  }
0x87: {  	_ =	shalt  }
.Lfunc_end0:
.L_simem_size_0:
called_computation_lowered:
.L_overlay_start_0:
0x88: {  	s2 =	sld [smem:$0x3FD9]  }
0x89: {  	s3 =	sld [smem:$0x3FFE];
	_ =	sdelay $0x1  }
0x8a: {  	s1 =	srdreg.scid  }
0x8b: {  	s0 =	sand.u32 $0x1, s1  }
0x8c: {  	s16 =	sshll.u32 s0, $0xA;
	s2 =	sadd.s32 s3, s2  }
0x8d: {  	s2 =	sadd.s32 s2, s16  }
0x8e: {  	[smem:$0x3FC1] =	sst s2  }
0x8f: {  	_ = 	snop  }
0x90: {  	(tm) =	ssettm $0x1  }
0x91: {  	s17 =	sld [smem:$0x3FFB];
	_ =	sdelay $0x3  }
0x92: {  	_ =	strace s17  }
0x93: {  	s2 =	sld [smem:$0x3FFC];
	_ =	sdelay $0x3  }
0x94: {  	_ =	strace s2  }
0x95: {  	s2 =	sld [smem:$0x3FFD];
	_ =	sdelay $0x3  }
0x96: {  	_ =	strace s2  }
0x97: {  	_ =	strace $0x8FFFFFFF  }
0x98: {  	s18 =	sld [smem:$0x3FDB];
	_ =	sdelay $0x1  }
0x99: {  	s19 =	simm.s32 $_scs_section_size  }
0x9a: {  	s4 =	simm.s32 $_size__tile_overlayer_lowered;
	s5 =	simm.s32 $_tile_overlayer_lowered  }
0x9b: {  	s22 =	simm.s32 $0x1BFF;
	s21 =	sshll.u32 s5, $0x1;
	s2 =	sadd.s32 s19, s18  }
0x9c: {  	s6 =	simm.s32 $0x0;
	s20 =	sshll.u32 s4, $0x1;
	s4 =	sadd.s32 s21, s2  }
0x9d: {  	[timem:s6], [sflag:s22] =	dma.local [hbm:s4], s20  }
0x9e: {  	_ =	swait.ge [sflag:s22], s20  }
0x9f: {  	s3 =	ssub.s32 $0x0, s20;
	[sflag:s22] =	ssyncset.done $0x0  }
0xa0: {  	[sflag:s22] =	ssyncadd.s32 s3;
	_ =	sdelay $0x1  }
0xa1: {  	s23 =	simm.s32 $0x1B8B  }
0xa2: {  	_ =	swait.ge [sflag:s23], $0x1  }
0xa3: {  	[sflag:s23] =	ssyncset.done $0x0  }
0xa4: {  	s25 =	simm.s32 $0x1B8E;
	s24 =	sld [smem:$0x3FFE];
	[sflag:s23] =	ssyncadd.s32 $0xFFFFFFFF  }
0xa5: {  	s26 =	simm.s32 $execute0_lowered;
	[smem:$0x3FD2] =	sst s25  }
0xa6: {  	s4 =	sshll.u32 s26, $0x1;
	_ =	strace $0x80000046;
	[dreg:$0x1] =	wrdreg $0xFFFFFFFF  }
0xa7: {  	s28 =	simm.s32 $_size_execute0_lowered;
	s2 =	sadd.s32 s2, s4;
	[dreg:$0x0] =	wrdreg $0x0  }
0xa8: {  	s4 =	sshll.u32 s28, $0x1;
	[dreg:$0x2] =	wrdreg s2  }
0xa9: {  	[dreg:$0x3] =	wrdreg s4  }
0xaa: {  	[dreg:$0x4] =	wrdreg $0xC0  }
0xab: {  	_ =	task [dreg:s6], $0x5FFFF  }
0xac: {  	[dreg:$0x1] =	wrdreg $0xFFFFFFFF  }
0xad: {  	[dreg:$0x0] =	wrdreg $0x60  }
0xae: {  	[dreg:$0x2] =	wrdreg s24  }
0xaf: {  	[dreg:$0x3] =	wrdreg $0x54800  }
0xb0: {  	[dreg:$0x4] =	wrdreg $0x9  }
0xb1: {  	_ =	task.clear_ibuf [dreg:s6], $0x5FFFF;
	_ =	strace $0x90000046  }
0xb2: {  	s29 =	simm.s32 $0x9;
	_ =	strace $0x80000048  }
0xb3: {  	_ =	swait.ge [sflag:s29], $0x1  }
0xb4: {  	[sflag:s29] =	ssyncadd.s32 $0xFFFFFFFF  }
0xb5: {  	_ =	strace $0x90000048  }
0xb6: {  	_ =	sfence  }
0xb7: {  	s30 =	sld [smem:$0x0];
	_ =	sdelay $0x2  }
0xb8: {  	s31 =	sshll.u32 s1, $0xD;
	s1 =	sshrl.u32 s1, $0x2  }
0xb9: {  	s3 =	sand.u32 $0x4000, s31;
	s1 =	sadd.s32 s1, s30  }
0xba: {  	s0 =	sor.u32 s3, s0;
	s1 =	sshll.u32 s1, $0x11  }
0xbb: {  	s0 =	sor.u32 s1, s0  }
0xbc: {  	s0 =	sadd.s32 $0x8F2B, s0  }
0xbd: {  	[sflag:s0] =	ssyncadd.remote.s32 $0x1  }
0xbe: {  	_ =	sfence.sel $0xFFFF  }
0xbf: {  	[dreg:$0x0] =	wrdreg $0xFFFFFFFF;
	(pc) =	sbr.abs _section_cstart, $3  }
0xc0: {  	[dreg:$0x1] =	wrdreg $0xFFFFFFFF  }
0xc1: {  	_ =	task.clear_ibuf [dreg:s6], $0x2FFFF;
	_ =	strace $0x9FFFFFFF  }
0xc2: {  	(tm) =	ssettm $0x7FFFFFFF  }
0xc3: {  	_ =	shalt  }
tec
execute0_lowered:
.L_overlay_start_1:
0x0: {  	(tag) =	ssettag $0x1  }
0x1: {  	s5 =	rddreg [dreg:$0x0]  }
0x2: {  	s0 =	srdreg.scid;
	s2 =	rddreg [dreg:$0x1];
	s3 =	simm.s32 $0x0  }
0x3: {  	s10 =	simm.s32 $0x2900;
	s11 =	simm.s32 $0x80;
	s15 =	simm.s32 $0x0  }
0x4: {  	s4 =	sand.u32 $0x1, s0;
	s0 =	stileid.u32;
	[smem:$0x7FF] =	sst s3  }
0x5: {  	s1 =	sshll.u32 s4, $0x4;
	s7 =	smul.u32 $0x500, s4;
	s4 =	ssub.s32 $0x2, s4  }
0x6: {  	s9 =	smul.u32 $0x280, s0;
	s31 =	sshll.u32 s0, $0x6;
	s6 =	sor.u32 s0, s1  }
0x7: {  	s1 =	rddreg [dreg:$0x2];
	_ =	strace $0x80000047;
	s8 =	sshrl.u32 s4, $0x1  }
0x8: {  	s6 =	smul.u32 $0x520, s6;
	s7 =	sadd.s32 s7, s5;
	s8 =	ssub.s32 s4, s8  }
0x9: {  	s4 =	sadd.s32 s9, s2;
	s13 =	sshrl.u32 s9, $0x3;
	s9 =	simm.s32 $0x1  }
0xa: {  	s12 =	sadd.s32 $0x15C00, s7;
	s7 =	smax.u32 s8, $0x1;
	s8 =	simm.s32 $0x5200  }
0xb: {  	s14 =	sshrl.u32 s4, $0x3;
	s6 =	sadd.s32 s6, s5;
	s12 =	sadd.s32 s13, s12  }
0xc: {  	v0 =	vimm.f32 $0.0e+00;
	s13 =	sor.u32 $0x1C01, s31;
	s5 =	sadd.s32 $0xB800, s6;
	s6 =	sadd.s32 $0x1400, s6  }
.LBB2_1:
0xd: {  	[tilespmem:$0x5200] =	vst v0  }
0xe: {  	[tilespmem:$0x5210] =	vst v0  }
0xf: {  	[tilespmem:$0x5220] =	vst v0  }
0x10: {  	[tilespmem:$0x5230] =	vst v0  }
0x11: {  	[tilespmem:$0x5240] =	vst v0  }
0x12: {  	[tilespmem:$0x5250] =	vst v0  }
0x13: {  	[tilespmem:$0x5260] =	vst v0  }
0x14: {  	[tilespmem:$0x5270] =	vst v0  }
0x15: {  	[tilespmem:$0x5280] =	vst v0  }
0x16: {  	[tilespmem:$0x5290] =	vst v0  }
0x17: {  	[tilespmem:$0x52A0] =	vst v0  }
0x18: {  	[tilespmem:$0x52B0] =	vst v0  }
0x19: {  	[tilespmem:$0x52C0] =	vst v0  }
0x1a: {  	[tilespmem:$0x52D0] =	vst v0  }
0x1b: {  	[tilespmem:$0x52E0] =	vst v0  }
0x1c: {  	[tilespmem:$0x52F0] =	vst v0  }
0x1d: {  	[tilespmem:$0x5300] =	vst v0  }
0x1e: {  	[tilespmem:$0x5310] =	vst v0  }
0x1f: {  	[tilespmem:$0x5320] =	vst v0  }
0x20: {  	[tilespmem:$0x5330] =	vst v0  }
0x21: {  	[tilespmem:$0x5340] =	vst v0  }
0x22: {  	[tilespmem:$0x5350] =	vst v0  }
0x23: {  	[tilespmem:$0x5360] =	vst v0  }
0x24: {  	[tilespmem:$0x5370] =	vst v0  }
0x25: {  	[tilespmem:$0x5380] =	vst v0  }
0x26: {  	[tilespmem:$0x5390] =	vst v0  }
0x27: {  	[tilespmem:$0x53A0] =	vst v0  }
0x28: {  	[tilespmem:$0x53B0] =	vst v0  }
0x29: {  	[tilespmem:$0x53C0] =	vst v0  }
0x2a: {  	[tilespmem:$0x53D0] =	vst v0  }
0x2b: {  	[tilespmem:$0x53E0] =	vst v0  }
0x2c: {  	[tilespmem:$0x53F0] =	vst v0  }
0x2d: {  	[tilespmem:$0x5400] =	vst v0  }
0x2e: {  	[tilespmem:$0x5410] =	vst v0  }
0x2f: {  	[tilespmem:$0x5420] =	vst v0  }
0x30: {  	[tilespmem:$0x5430] =	vst v0  }
0x31: {  	[tilespmem:$0x5440] =	vst v0  }
0x32: {  	[tilespmem:$0x5450] =	vst v0  }
0x33: {  	[tilespmem:$0x5460] =	vst v0  }
0x34: {  	[tilespmem:$0x5470] =	vst v0  }
0x35: {  	[spmem:s4] =	stream.linear.scatter [tilespmem:s8], [sflag:$0x1], $0x280, $0x38;
	[tilespmem:$0x5700] =	vst v63  }
0x36: {  	_ =	swait.ge [sflag:s9], $0x280  }
0x37: {  	[sflag:s9] =	ssyncset.done $0x0  }
0x38: {  	[sflag:s9] =	ssyncadd.s32 $0xFFFFFD80  }
0x39: {  	[tilespmem:s3], [sflag:$0x1] =	stream.linear.gather [hbm4b:s5+s3], $0x2900, $0x38;
	[tilespmem:$0x5700] =	vst v63  }
0x3a: {  	_ =	swait.ge [sflag:s9], $0x2900  }
0x3b: {  	[sflag:s9] =	ssyncset.done $0x0  }
0x3c: {  	[sflag:s9] =	ssyncadd.s32 $0xFFFFD700  }
0x3d: {  	[tilespmem:s10], [sflag:$0x1] =	stream.linear.gather [hbm4b:s6+s3], $0x2900, $0x38;
	[tilespmem:$0x5700] =	vst v63  }
0x3e: {  	_ =	swait.ge [sflag:s9], $0x2900  }
0x3f: {  	[sflag:s9] =	ssyncset.done $0x0  }
0x40: {  	[sflag:s9] =	ssyncadd.s32 $0xFFFFD700  }
0x41: {  	s16 =	simm.s32 $0x0;
	s17 =	simm.s32 $0x2900;
	[bflag:$0x0] =	sbarrier.arrive $0xFFFF  }
0x42: {  	[spmem:s2] =	stream.indirect.scatter.add.f32 [tilespmem:s17], [sflag:$0x1], $0x1, s16, s11, $0xb8;
	[tilespmem:$0x5700] =	vst v63  }
0x43: {  	s16 =	simm.s32 $0x200;
	_ =	swait.ge [sflag:s9], $0x80  }
.LBB2_2:
0x44: {  	s17 =	sshra.s32 s16, $0x2;
	[sflag:s9] =	ssyncset.done $0x0;
	p0 =	sne.s32 s16, $0xA200  }
.Ltmp0:
0x45: {  	s18 =	sadd.s32 $0x2900, s17;
	[sflag:s9] =	ssyncadd.s32 $0xFFFFFF80;
	(pc) =	sbr.rel @p0 .LBB2_2-.Ltmp0, $3  }
0x46: {  	[spmem:s2] =	stream.indirect.scatter.add.f32 [tilespmem:s18], [sflag:$0x1], $0x1, s17, s11, $0xb8;
	[tilespmem:$0x5700] =	vst v63  }
0x47: {  	s16 =	sadd.s32 $0x200, s16;
	_ =	sdelay $0x1  }
0x48: {  	_ =	swait.ge [sflag:s9], $0x80  }
0x49: {  	[sflag:s9] =	ssyncset.done $0x0;
	s15 =	sadd.s32 $0x1, s15  }
0x4a: {  	[sflag:s9] =	ssyncadd.s32 $0xFFFFFF80;
	p0 =	sne.s32 s15, s7  }
.Ltmp1:
0x4b: {  	[bflag:$0x0] =	sbarrier.arrive $0xFFFF;
	(pc) =	sbr.rel @p0 .LBB2_1-.Ltmp1, $4  }
0x4c: {  	[hbm:s12], [sflag:s13] =	dma.local [spmem:s14], $0x50  }
0x4d: {  	_ =	swait.ge [sflag:s9], $0x50  }
0x4e: {  	[sflag:s9] =	ssyncset.done $0x0  }
0x4f: {  	[sflag:s9] =	ssyncadd.s32 $0xFFFFFFB0  }
0x50: {  	_ =	sfence.sel $0x180000  }
0x51: {  	[bflag:$0x0] =	sbarrier.arrive $0xFFFF  }
0x52: {  	p0 =	sne.s32 s0, $0x0;
	_ =	strace $0x90000047  }
0x53: {  	s0 =	sadd.s32 @!p0 $0x100000, s1;
	[bflag:$0x2] =	sbarrier.arrive $0xFFFF  }
0x54: {  	[sflag:s0] =	ssyncadd.tile.s32 @!p0 $0x1;
	_ =	shalt  }
.Lfunc_end2:
_tile_overlayer_lowered:
.L_overlay_start_2:
0x55: {  	(tag) =	ssettag $0x2  }
0x56: {  	s0 =	rddreg [dreg:$0x0];
	s2 =	stileid.u32  }
0x57: {  	s1 =	rddreg [dreg:$0x1];
	p0 =	sne.s32 s2, $0x0  }
0x58: {  	s3 =	rddreg [dreg:$0x2];
	[bflag:$0x3] =	sbarrier.arrive $0xFFFF;
	s2 =	simm.s32 @!p0 $0x1C01  }
0x59: {  	[timem:s3], [sflag:s2] =	dma.local @!p0 [hbm:s0], s1  }
0x5a: {  	s0 =	simm.s32 @!p0 $0x1  }
0x5b: {  	_ =	swait.ge @!p0 [sflag:s0], s1  }
0x5c: {  	s1 =	ssub.s32 @!p0 $0x0, s1;
	[sflag:s0] =	ssyncset.done @!p0 $0x0  }
0x5d: {  	[sflag:s0] =	ssyncadd.s32 @!p0 s1  }
0x5e: {  	[bflag:$0x3] =	sbarrier.arrive $0xFFFF  }
0x5f: {  	_ =	shalt  }

</sc_bundles>
